<compile_context>
chip_gen: v7x
topology: tpu7x:2x2x1
jax: 0.10.2.dev20260603
libtpu: 0.0.44.dev20260713+nightly
codegen_flags: <defaults>
</compile_context>

<pallas_src>
import jax
import jax.numpy as jnp
from jax import lax
from jax.experimental import pallas as pl
from jax.experimental.pallas import tpu as pltpu
from jax.experimental.pallas import tpu_sc as plsc

NC = 2
NS = 16
NW = NC * NS
L = 16

B, T, D = 16, 2048, 512
ROWS_W = T // NW


def _sc_trim(seq_hbm, pe_hbm, out_hbm, pe_v, buf0, buf1, pe_sem, in_sems, out_sems):
    wid = lax.axis_index("s") * NC + lax.axis_index("c")
    row0 = wid * ROWS_W
    bufs = (buf0, buf1)

    pltpu.async_copy(pe_hbm.at[0, pl.ds(row0, ROWS_W)], pe_v, pe_sem).wait()

    def in_dma(b, slot):
        return pltpu.make_async_copy(
            seq_hbm.at[b, pl.ds(row0, ROWS_W)], bufs[slot], in_sems.at[slot]
        )

    def out_dma(b, slot):
        return pltpu.make_async_copy(
            bufs[slot], out_hbm.at[b, 0, pl.ds(row0, ROWS_W)], out_sems.at[slot]
        )

    in_dma(0, 0).start()
    for b in range(B):
        slot = b % 2
        nxt = (b + 1) % 2
        if b + 1 < B:
            if b >= 1:
                out_dma(b - 1, nxt).wait()
            in_dma(b + 1, nxt).start()
        in_dma(b, slot).wait()

        buf = bufs[slot]

        @pl.loop(0, ROWS_W)
        def _row(r):
            @plsc.parallel_loop(0, D, step=L, unroll=8)
            def _col(c):
                buf[r, pl.ds(c, L)] = buf[r, pl.ds(c, L)] * 2.0 + pe_v[r, pl.ds(c, L)]

        out_dma(b, slot).start()

    out_dma(B - 2, 0 if (B - 2) % 2 == 0 else 1).wait()
    out_dma(B - 1, (B - 1) % 2).wait()


def kernel(seq, times, pe):
    del times
    mesh = plsc.VectorSubcoreMesh(core_axis_name="c", subcore_axis_name="s")
    out = pl.kernel(
        _sc_trim,
        out_type=jax.ShapeDtypeStruct((B, 1, T, D), jnp.float32),
        mesh=mesh,
        scratch_types=[
            pltpu.VMEM((ROWS_W, D), jnp.float32),
            pltpu.VMEM((ROWS_W, D), jnp.float32),
            pltpu.VMEM((ROWS_W, D), jnp.float32),
            pltpu.SemaphoreType.DMA,
            pltpu.SemaphoreType.DMA((2,)),
            pltpu.SemaphoreType.DMA((2,)),
        ],
    )(seq, pe)
    mask = jnp.ones((B, 1), dtype=bool)
    return (out, mask)

# --- scband reference (transcript-rebuilt; emitter-appended) ---
"""Pipeline reference for scband-sequence-trimmer-28613072126644 (READ-ONLY COPY).

The authoritative reference and input builder live on the scoring server;
editing this copy changes nothing except your own understanding.
"""

import jax, jax.numpy as jnp
import numpy as np
import math

D_PE = 512
MAX_LEN = 2048

def make_pe(max_len, d_pe):
    pe = np.zeros((max_len, d_pe), dtype=np.float32)
    position = np.arange(0, max_len, dtype=np.float32)[:, None]
    div_term = np.exp(np.arange(0, d_pe, 2).astype(np.float32) * (-math.log(10000.0) / d_pe))
    pe[:, 0::2] = np.sin(position * div_term)
    pe[:, 1::2] = np.cos(position * div_term)
    return jnp.asarray(pe)[None]  # [1, max_len, d_pe]

def setup_inputs(seed: int = 0) -> dict:
    key = jax.random.key(seed)
    k1, k2 = jax.random.split(key)
    seq = jax.random.normal(k1, (16, 2048, 512), dtype=jnp.float32)
    times = jax.random.uniform(k2, (16, 2048), dtype=jnp.float32)
    pe = make_pe(MAX_LEN, D_PE)
    return {"seq": seq, "times": times, "pe": pe}

def reference(seq, times, pe):
    # SequenceTrimmer.forward with trimmer_types == []
    # apply_position_encoding: seq_encoded = seq + TimeEncoder(seq)
    #   where TimeEncoder(x) = x + pe[:, :t, :]  => seq_encoded = 2*seq + pe
    t = seq.shape[1]
    seq_encoded = seq + (seq + pe[:, :t, :])
    # generate_heatmap(seq) would call self.model; with empty trimmer_types the
    # heatmap is unused by the returned output (no-trimmer branch).
    # _handle_no_trimmer_types:
    seq_expanded = seq_encoded[:, None, :, :]  # unsqueeze(1)
    mask = jnp.ones((seq.shape[0], 1), dtype=bool)
    # original returns (None, seq_expanded, mask); drop the None placeholder
    return (seq_expanded, mask)

if __name__ == "__main__":
    import jax
    _d = setup_inputs()
    print(jax.jit(kernel)(*tuple(_d.values())))

</pallas_src>

<mosaic_0001>
#map = affine_map<(d0, d1) -> (0, 0, 0)>
#map1 = affine_map<(d0, d1) -> (0, 0, 0, 0)>
module attributes {stable_mosaic.version = 14 : i64} {
  func.func @_sc_trim(%arg0: i32, %arg1: i32, %arg2: memref<16x2048x512xf32, #tpu.memory_space<hbm>>, %arg3: memref<1x2048x512xf32, #tpu.memory_space<hbm>>, %arg4: memref<16x1x2048x512xf32, #tpu.memory_space<hbm>>, %arg5: memref<64x512xf32, #tpu.memory_space<vmem>>, %arg6: memref<64x512xf32, #tpu.memory_space<vmem>>, %arg7: memref<64x512xf32, #tpu.memory_space<vmem>>, %arg8: memref<!tpu.dma_semaphore, #tpu.memory_space<semaphore_mem>>, %arg9: memref<2x!tpu.dma_semaphore, #tpu.memory_space<semaphore_mem>>, %arg10: memref<2x!tpu.dma_semaphore, #tpu.memory_space<semaphore_mem>>) attributes {dimension_semantics = [#tpu.dimension_semantics<core_parallel>, #tpu.dimension_semantics<subcore_parallel>], iteration_bounds = array<i64: 2, 16>, scalar_prefetch = 0 : i64, scratch_operands = 6 : i64, tpu.core_type = #tpu.core_type<sc_vector_subcore>, window_params = [{transform_indices = #map}, {transform_indices = #map}, {transform_indices = #map1}]} {
    %mul3A = arith.constant 2 : i32
    %mul3A_0 = arith.muli %arg1, %mul3A : i32
    %add3A = arith.addi %mul3A_0, %arg0 : i32
    %mul3A_1 = arith.constant 64 : i32
    %mul3A_2 = arith.muli %add3A, %mul3A_1 : i32
    %dma_start3A = arith.constant 0 : i32
    %dma_start3A_3 = arith.constant 0 : i32
    %dma_start3A_4 = tpu.memref_slice %arg3[%dma_start3A, %mul3A_2, %dma_start3A_3] : memref<1x2048x512xf32, #tpu.memory_space<hbm>> -> memref<1x64x512xf32, #tpu.memory_space<hbm>>
    %dma_start3A_5 = tpu.memref_squeeze %dma_start3A_4 : memref<1x64x512xf32, #tpu.memory_space<hbm>> -> memref<64x512xf32, #tpu.memory_space<hbm>>
    %dma_start3A_6 = arith.constant 0 : i32
    %dma_start3A_7 = tpu.memref_slice %arg3[%dma_start3A, %mul3A_2, %dma_start3A_6] : memref<1x2048x512xf32, #tpu.memory_space<hbm>> -> memref<1x64x512xf32, #tpu.memory_space<hbm>>
    %dma_start3A_8 = tpu.memref_squeeze %dma_start3A_7 : memref<1x64x512xf32, #tpu.memory_space<hbm>> -> memref<64x512xf32, #tpu.memory_space<hbm>>
    tpu.enqueue_dma source(%dma_start3A_8 : memref<64x512xf32, #tpu.memory_space<hbm>>) target(%arg5 : memref<64x512xf32, #tpu.memory_space<vmem>>) target_semaphore(%arg8 : memref<!tpu.dma_semaphore, #tpu.memory_space<semaphore_mem>>)
    %dma_wait3A = arith.constant 0 : i32
    %dma_wait3A_9 = arith.constant 0 : i32
    %dma_wait3A_10 = tpu.memref_slice %arg3[%dma_wait3A, %mul3A_2, %dma_wait3A_9] : memref<1x2048x512xf32, #tpu.memory_space<hbm>> -> memref<1x64x512xf32, #tpu.memory_space<hbm>>
    %dma_wait3A_11 = tpu.memref_squeeze %dma_wait3A_10 : memref<1x64x512xf32, #tpu.memory_space<hbm>> -> memref<64x512xf32, #tpu.memory_space<hbm>>
    %dma_wait3A_12 = arith.constant 0 : i32
    %dma_wait3A_13 = tpu.memref_slice %arg3[%dma_wait3A, %mul3A_2, %dma_wait3A_12] : memref<1x2048x512xf32, #tpu.memory_space<hbm>> -> memref<1x64x512xf32, #tpu.memory_space<hbm>>
    %dma_wait3A_14 = tpu.memref_squeeze %dma_wait3A_13 : memref<1x64x512xf32, #tpu.memory_space<hbm>> -> memref<64x512xf32, #tpu.memory_space<hbm>>
    tpu.wait_dma2 semaphore(%arg8 : memref<!tpu.dma_semaphore, #tpu.memory_space<semaphore_mem>>) src(%dma_wait3A_14 : memref<64x512xf32, #tpu.memory_space<hbm>>) dst(%arg5 : memref<64x512xf32, #tpu.memory_space<vmem>>)
    %dma_start3A_15 = arith.constant 0 : i32
    %dma_start3A_16 = arith.constant 0 : i32
    %dma_start3A_17 = arith.constant 0 : i32
    %dma_start3A_18 = tpu.memref_slice %arg2[%dma_start3A_15, %mul3A_2, %dma_start3A_17] : memref<16x2048x512xf32, #tpu.memory_space<hbm>> -> memref<1x64x512xf32, #tpu.memory_space<hbm>>
    %dma_start3A_19 = tpu.memref_squeeze %dma_start3A_18 : memref<1x64x512xf32, #tpu.memory_space<hbm>> -> memref<64x512xf32, #tpu.memory_space<hbm>>
    %dma_start3A_20 = tpu.memref_slice %arg9[%dma_start3A_16] : memref<2x!tpu.dma_semaphore, #tpu.memory_space<semaphore_mem>> -> memref<1x!tpu.dma_semaphore, #tpu.memory_space<semaphore_mem>>
    %dma_start3A_21 = tpu.memref_squeeze %dma_start3A_20 : memref<1x!tpu.dma_semaphore, #tpu.memory_space<semaphore_mem>> -> memref<!tpu.dma_semaphore, #tpu.memory_space<semaphore_mem>>
    %dma_start3A_22 = arith.constant 0 : i32
    %dma_start3A_23 = tpu.memref_slice %arg2[%dma_start3A_15, %mul3A_2, %dma_start3A_22] : memref<16x2048x512xf32, #tpu.memory_space<hbm>> -> memref<1x64x512xf32, #tpu.memory_space<hbm>>
    %dma_start3A_24 = tpu.memref_squeeze %dma_start3A_23 : memref<1x64x512xf32, #tpu.memory_space<hbm>> -> memref<64x512xf32, #tpu.memory_space<hbm>>
    tpu.enqueue_dma source(%dma_start3A_24 : memref<64x512xf32, #tpu.memory_space<hbm>>) target(%arg6 : memref<64x512xf32, #tpu.memory_space<vmem>>) target_semaphore(%dma_start3A_21 : memref<!tpu.dma_semaphore, #tpu.memory_space<semaphore_mem>>)
    %dma_start3A_25 = arith.constant 1 : i32
    %dma_start3A_26 = arith.constant 1 : i32
    %dma_start3A_27 = arith.constant 0 : i32
    %dma_start3A_28 = tpu.memref_slice %arg2[%dma_start3A_25, %mul3A_2, %dma_start3A_27] : memref<16x2048x512xf32, #tpu.memory_space<hbm>> -> memref<1x64x512xf32, #tpu.memory_space<hbm>>
    %dma_start3A_29 = tpu.memref_squeeze %dma_start3A_28 : memref<1x64x512xf32, #tpu.memory_space<hbm>> -> memref<64x512xf32, #tpu.memory_space<hbm>>
    %dma_start3A_30 = tpu.memref_slice %arg9[%dma_start3A_26] : memref<2x!tpu.dma_semaphore, #tpu.memory_space<semaphore_mem>> -> memref<1x!tpu.dma_semaphore, #tpu.memory_space<semaphore_mem>>
    %dma_start3A_31 = tpu.memref_squeeze %dma_start3A_30 : memref<1x!tpu.dma_semaphore, #tpu.memory_space<semaphore_mem>> -> memref<!tpu.dma_semaphore, #tpu.memory_space<semaphore_mem>>
    %dma_start3A_32 = arith.constant 0 : i32
    %dma_start3A_33 = tpu.memref_slice %arg2[%dma_start3A_25, %mul3A_2, %dma_start3A_32] : memref<16x2048x512xf32, #tpu.memory_space<hbm>> -> memref<1x64x512xf32, #tpu.memory_space<hbm>>
    %dma_start3A_34 = tpu.memref_squeeze %dma_start3A_33 : memref<1x64x512xf32, #tpu.memory_space<hbm>> -> memref<64x512xf32, #tpu.memory_space<hbm>>
    tpu.enqueue_dma source(%dma_start3A_34 : memref<64x512xf32, #tpu.memory_space<hbm>>) target(%arg7 : memref<64x512xf32, #tpu.memory_space<vmem>>) target_semaphore(%dma_start3A_31 : memref<!tpu.dma_semaphore, #tpu.memory_space<semaphore_mem>>)
    %dma_wait3A_35 = arith.constant 0 : i32
    %dma_wait3A_36 = arith.constant 0 : i32
    %dma_wait3A_37 = arith.constant 0 : i32
    %dma_wait3A_38 = tpu.memref_slice %arg2[%dma_wait3A_35, %mul3A_2, %dma_wait3A_37] : memref<16x2048x512xf32, #tpu.memory_space<hbm>> -> memref<1x64x512xf32, #tpu.memory_space<hbm>>
    %dma_wait3A_39 = tpu.memref_squeeze %dma_wait3A_38 : memref<1x64x512xf32, #tpu.memory_space<hbm>> -> memref<64x512xf32, #tpu.memory_space<hbm>>
    %dma_wait3A_40 = tpu.memref_slice %arg9[%dma_wait3A_36] : memref<2x!tpu.dma_semaphore, #tpu.memory_space<semaphore_mem>> -> memref<1x!tpu.dma_semaphore, #tpu.memory_space<semaphore_mem>>
    %dma_wait3A_41 = tpu.memref_squeeze %dma_wait3A_40 : memref<1x!tpu.dma_semaphore, #tpu.memory_space<semaphore_mem>> -> memref<!tpu.dma_semaphore, #tpu.memory_space<semaphore_mem>>
    %dma_wait3A_42 = arith.constant 0 : i32
    %dma_wait3A_43 = tpu.memref_slice %arg2[%dma_wait3A_35, %mul3A_2, %dma_wait3A_42] : memref<16x2048x512xf32, #tpu.memory_space<hbm>> -> memref<1x64x512xf32, #tpu.memory_space<hbm>>
    %dma_wait3A_44 = tpu.memref_squeeze %dma_wait3A_43 : memref<1x64x512xf32, #tpu.memory_space<hbm>> -> memref<64x512xf32, #tpu.memory_space<hbm>>
    tpu.wait_dma2 semaphore(%dma_wait3A_41 : memref<!tpu.dma_semaphore, #tpu.memory_space<semaphore_mem>>) src(%dma_wait3A_44 : memref<64x512xf32, #tpu.memory_space<hbm>>) dst(%arg6 : memref<64x512xf32, #tpu.memory_space<vmem>>)
    %scan3A = arith.constant 0 : i32
    %scan3A_45 = arith.constant 64 : i32
    %scan3A_46 = arith.addi %scan3A, %scan3A_45 : i32
    %scan3A_47 = arith.constant 1 : i32
    scf.for %scan3A_766 = %scan3A to %scan3A_46 step %scan3A_47  : i32 {
      %mul3A_767 = arith.constant 1 : i32
      %mul3A_768 = arith.muli %scan3A_766, %mul3A_767 : i32
      %add3A_769 = arith.constant 0 : i32
      %add3A_770 = arith.addi %add3A_769, %mul3A_768 : i32
      %parallel_loop3A = arith.constant 0 : i32
      %parallel_loop3A_771 = arith.constant 512 : i32
      %parallel_loop3A_772 = arith.constant 16 : i32
      scf.for %parallel_loop3A_773 = %parallel_loop3A to %parallel_loop3A_771 step %parallel_loop3A_772  : i32 {
        %parallel_loop3A_774 = arith.index_cast %add3A_770 : i32 to index
        %parallel_loop3A_775 = arith.index_cast %parallel_loop3A_773 : i32 to index
        %parallel_loop3A_776 = tpu.vector_load %arg6[%parallel_loop3A_774, %parallel_loop3A_775] {strides = array<i32>} : memref<64x512xf32, #tpu.memory_space<vmem>>, vector<1x16xf32>,
        %parallel_loop3A_777 = vector.shape_cast %parallel_loop3A_776 : vector<1x16xf32> to vector<16xf32>
        %parallel_loop3A_778 = arith.constant 2.000000e+00 : f32
        %parallel_loop3A_779 = vector.broadcast %parallel_loop3A_778 : f32 to vector<16xf32>
        %parallel_loop3A_780 = arith.mulf %parallel_loop3A_777, %parallel_loop3A_779 : vector<16xf32>
        %parallel_loop3A_781 = arith.index_cast %add3A_770 : i32 to index
        %parallel_loop3A_782 = arith.index_cast %parallel_loop3A_773 : i32 to index
        %parallel_loop3A_783 = tpu.vector_load %arg5[%parallel_loop3A_781, %parallel_loop3A_782] {strides = array<i32>} : memref<64x512xf32, #tpu.memory_space<vmem>>, vector<1x16xf32>,
        %parallel_loop3A_784 = vector.shape_cast %parallel_loop3A_783 : vector<1x16xf32> to vector<16xf32>
        %parallel_loop3A_785 = arith.addf %parallel_loop3A_780, %parallel_loop3A_784 : vector<16xf32>
        %parallel_loop3A_786 = arith.index_cast %add3A_770 : i32 to index
        %parallel_loop3A_787 = arith.index_cast %parallel_loop3A_773 : i32 to index
        %parallel_loop3A_788 = tpu.vector_load %arg6[%parallel_loop3A_786, %parallel_loop3A_787] {strides = array<i32>} : memref<64x512xf32, #tpu.memory_space<vmem>>, vector<1x16xf32>,
        %parallel_loop3A_789 = vector.shape_cast %parallel_loop3A_788 : vector<1x16xf32> to vector<16xf32>
        %parallel_loop3A_790 = vector.shape_cast %parallel_loop3A_785 : vector<16xf32> to vector<1x16xf32>
        tpu.vector_store %arg6[%parallel_loop3A_786, %parallel_loop3A_787], %parallel_loop3A_790 {strides = array<i32>} : memref<64x512xf32, #tpu.memory_space<vmem>>, vector<1x16xf32>,
      } {sc.loop_unroll_factor = 8 : i64, sc.parallel_access}
    }
    %scan3A_48 = arith.constant 64 : i32
    %dma_start3A_49 = arith.constant 0 : i32
    %dma_start3A_50 = arith.constant 0 : i32
    %dma_start3A_51 = arith.constant 0 : i32
    %dma_start3A_52 = arith.constant 0 : i32
    %dma_start3A_53 = tpu.memref_slice %arg4[%dma_start3A_49, %dma_start3A_50, %mul3A_2, %dma_start3A_52] : memref<16x1x2048x512xf32, #tpu.memory_space<hbm>> -> memref<1x1x64x512xf32, #tpu.memory_space<hbm>>
    %dma_start3A_54 = tpu.memref_squeeze %dma_start3A_53 : memref<1x1x64x512xf32, #tpu.memory_space<hbm>> -> memref<64x512xf32, #tpu.memory_space<hbm>>
    %dma_start3A_55 = tpu.memref_slice %arg10[%dma_start3A_51] : memref<2x!tpu.dma_semaphore, #tpu.memory_space<semaphore_mem>> -> memref<1x!tpu.dma_semaphore, #tpu.memory_space<semaphore_mem>>
    %dma_start3A_56 = tpu.memref_squeeze %dma_start3A_55 : memref<1x!tpu.dma_semaphore, #tpu.memory_space<semaphore_mem>> -> memref<!tpu.dma_semaphore, #tpu.memory_space<semaphore_mem>>
    %dma_start3A_57 = arith.constant 0 : i32
    %dma_start3A_58 = tpu.memref_slice %arg4[%dma_start3A_49, %dma_start3A_50, %mul3A_2, %dma_start3A_57] : memref<16x1x2048x512xf32, #tpu.memory_space<hbm>> -> memref<1x1x64x512xf32, #tpu.memory_space<hbm>>
    %dma_start3A_59 = tpu.memref_squeeze %dma_start3A_58 : memref<1x1x64x512xf32, #tpu.memory_space<hbm>> -> memref<64x512xf32, #tpu.memory_space<hbm>>
    tpu.enqueue_dma source(%arg6 : memref<64x512xf32, #tpu.memory_space<vmem>>) target(%dma_start3A_59 : memref<64x512xf32, #tpu.memory_space<hbm>>) target_semaphore(%dma_start3A_56 : memref<!tpu.dma_semaphore, #tpu.memory_space<semaphore_mem>>)
    %dma_wait3A_60 = arith.constant 0 : i32
    %dma_wait3A_61 = arith.constant 0 : i32
    %dma_wait3A_62 = arith.constant 0 : i32
    %dma_wait3A_63 = arith.constant 0 : i32
    %dma_wait3A_64 = tpu.memref_slice %arg4[%dma_wait3A_60, %dma_wait3A_61, %mul3A_2, %dma_wait3A_63] : memref<16x1x2048x512xf32, #tpu.memory_space<hbm>> -> memref<1x1x64x512xf32, #tpu.memory_space<hbm>>
    %dma_wait3A_65 = tpu.memref_squeeze %dma_wait3A_64 : memref<1x1x64x512xf32, #tpu.memory_space<hbm>> -> memref<64x512xf32, #tpu.memory_space<hbm>>
    %dma_wait3A_66 = tpu.memref_slice %arg10[%dma_wait3A_62] : memref<2x!tpu.dma_semaphore, #tpu.memory_space<semaphore_mem>> -> memref<1x!tpu.dma_semaphore, #tpu.memory_space<semaphore_mem>>
    %dma_wait3A_67 = tpu.memref_squeeze %dma_wait3A_66 : memref<1x!tpu.dma_semaphore, #tpu.memory_space<semaphore_mem>> -> memref<!tpu.dma_semaphore, #tpu.memory_space<semaphore_mem>>
    %dma_wait3A_68 = arith.constant 0 : i32
    %dma_wait3A_69 = tpu.memref_slice %arg4[%dma_wait3A_60, %dma_wait3A_61, %mul3A_2, %dma_wait3A_68] : memref<16x1x2048x512xf32, #tpu.memory_space<hbm>> -> memref<1x1x64x512xf32, #tpu.memory_space<hbm>>
    %dma_wait3A_70 = tpu.memref_squeeze %dma_wait3A_69 : memref<1x1x64x512xf32, #tpu.memory_space<hbm>> -> memref<64x512xf32, #tpu.memory_space<hbm>>
    tpu.wait_dma2 semaphore(%dma_wait3A_67 : memref<!tpu.dma_semaphore, #tpu.memory_space<semaphore_mem>>) src(%arg6 : memref<64x512xf32, #tpu.memory_space<vmem>>) dst(%dma_wait3A_70 : memref<64x512xf32, #tpu.memory_space<hbm>>)
    %dma_start3A_71 = arith.constant 2 : i32
    %dma_start3A_72 = arith.constant 0 : i32
    %dma_start3A_73 = arith.constant 0 : i32
    %dma_start3A_74 = tpu.memref_slice %arg2[%dma_start3A_71, %mul3A_2, %dma_start3A_73] : memref<16x2048x512xf32, #tpu.memory_space<hbm>> -> memref<1x64x512xf32, #tpu.memory_space<hbm>>
    %dma_start3A_75 = tpu.memref_squeeze %dma_start3A_74 : memref<1x64x512xf32, #tpu.memory_space<hbm>> -> memref<64x512xf32, #tpu.memory_space<hbm>>
    %dma_start3A_76 = tpu.memref_slice %arg9[%dma_start3A_72] : memref<2x!tpu.dma_semaphore, #tpu.memory_space<semaphore_mem>> -> memref<1x!tpu.dma_semaphore, #tpu.memory_space<semaphore_mem>>
    %dma_start3A_77 = tpu.memref_squeeze %dma_start3A_76 : memref<1x!tpu.dma_semaphore, #tpu.memory_space<semaphore_mem>> -> memref<!tpu.dma_semaphore, #tpu.memory_space<semaphore_mem>>
    %dma_start3A_78 = arith.constant 0 : i32
    %dma_start3A_79 = tpu.memref_slice %arg2[%dma_start3A_71, %mul3A_2, %dma_start3A_78] : memref<16x2048x512xf32, #tpu.memory_space<hbm>> -> memref<1x64x512xf32, #tpu.memory_space<hbm>>
    %dma_start3A_80 = tpu.memref_squeeze %dma_start3A_79 : memref<1x64x512xf32, #tpu.memory_space<hbm>> -> memref<64x512xf32, #tpu.memory_space<hbm>>
    tpu.enqueue_dma source(%dma_start3A_80 : memref<64x512xf32, #tpu.memory_space<hbm>>) target(%arg6 : memref<64x512xf32, #tpu.memory_space<vmem>>) target_semaphore(%dma_start3A_77 : memref<!tpu.dma_semaphore, #tpu.memory_space<semaphore_mem>>)
    %dma_wait3A_81 = arith.constant 1 : i32
    %dma_wait3A_82 = arith.constant 1 : i32
    %dma_wait3A_83 = arith.constant 0 : i32
    %dma_wait3A_84 = tpu.memref_slice %arg2[%dma_wait3A_81, %mul3A_2, %dma_wait3A_83] : memref<16x2048x512xf32, #tpu.memory_space<hbm>> -> memref<1x64x512xf32, #tpu.memory_space<hbm>>
    %dma_wait3A_85 = tpu.memref_squeeze %dma_wait3A_84 : memref<1x64x512xf32, #tpu.memory_space<hbm>> -> memref<64x512xf32, #tpu.memory_space<hbm>>
    %dma_wait3A_86 = tpu.memref_slice %arg9[%dma_wait3A_82] : memref<2x!tpu.dma_semaphore, #tpu.memory_space<semaphore_mem>> -> memref<1x!tpu.dma_semaphore, #tpu.memory_space<semaphore_mem>>
    %dma_wait3A_87 = tpu.memref_squeeze %dma_wait3A_86 : memref<1x!tpu.dma_semaphore, #tpu.memory_space<semaphore_mem>> -> memref<!tpu.dma_semaphore, #tpu.memory_space<semaphore_mem>>
    %dma_wait3A_88 = arith.constant 0 : i32
    %dma_wait3A_89 = tpu.memref_slice %arg2[%dma_wait3A_81, %mul3A_2, %dma_wait3A_88] : memref<16x2048x512xf32, #tpu.memory_space<hbm>> -> memref<1x64x512xf32, #tpu.memory_space<hbm>>
    %dma_wait3A_90 = tpu.memref_squeeze %dma_wait3A_89 : memref<1x64x512xf32, #tpu.memory_space<hbm>> -> memref<64x512xf32, #tpu.memory_space<hbm>>
    tpu.wait_dma2 semaphore(%dma_wait3A_87 : memref<!tpu.dma_semaphore, #tpu.memory_space<semaphore_mem>>) src(%dma_wait3A_90 : memref<64x512xf32, #tpu.memory_space<hbm>>) dst(%arg7 : memref<64x512xf32, #tpu.memory_space<vmem>>)
    %scan3A_91 = arith.constant 0 : i32
    %scan3A_92 = arith.constant 64 : i32
    %scan3A_93 = arith.addi %scan3A_91, %scan3A_92 : i32
    %scan3A_94 = arith.constant 1 : i32
    scf.for %scan3A_766 = %scan3A_91 to %scan3A_93 step %scan3A_94  : i32 {
      %mul3A_767 = arith.constant 1 : i32
      %mul3A_768 = arith.muli %scan3A_766, %mul3A_767 : i32
      %add3A_769 = arith.constant 0 : i32
      %add3A_770 = arith.addi %add3A_769, %mul3A_768 : i32
      %parallel_loop3A = arith.constant 0 : i32
      %parallel_loop3A_771 = arith.constant 512 : i32
      %parallel_loop3A_772 = arith.constant 16 : i32
      scf.for %parallel_loop3A_773 = %parallel_loop3A to %parallel_loop3A_771 step %parallel_loop3A_772  : i32 {
        %parallel_loop3A_774 = arith.index_cast %add3A_770 : i32 to index
        %parallel_loop3A_775 = arith.index_cast %parallel_loop3A_773 : i32 to index
        %parallel_loop3A_776 = tpu.vector_load %arg7[%parallel_loop3A_774, %parallel_loop3A_775] {strides = array<i32>} : memref<64x512xf32, #tpu.memory_space<vmem>>, vector<1x16xf32>,
        %parallel_loop3A_777 = vector.shape_cast %parallel_loop3A_776 : vector<1x16xf32> to vector<16xf32>
        %parallel_loop3A_778 = arith.constant 2.000000e+00 : f32
        %parallel_loop3A_779 = vector.broadcast %parallel_loop3A_778 : f32 to vector<16xf32>
        %parallel_loop3A_780 = arith.mulf %parallel_loop3A_777, %parallel_loop3A_779 : vector<16xf32>
        %parallel_loop3A_781 = arith.index_cast %add3A_770 : i32 to index
        %parallel_loop3A_782 = arith.index_cast %parallel_loop3A_773 : i32 to index
        %parallel_loop3A_783 = tpu.vector_load %arg5[%parallel_loop3A_781, %parallel_loop3A_782] {strides = array<i32>} : memref<64x512xf32, #tpu.memory_space<vmem>>, vector<1x16xf32>,
        %parallel_loop3A_784 = vector.shape_cast %parallel_loop3A_783 : vector<1x16xf32> to vector<16xf32>
        %parallel_loop3A_785 = arith.addf %parallel_loop3A_780, %parallel_loop3A_784 : vector<16xf32>
        %parallel_loop3A_786 = arith.index_cast %add3A_770 : i32 to index
        %parallel_loop3A_787 = arith.index_cast %parallel_loop3A_773 : i32 to index
        %parallel_loop3A_788 = tpu.vector_load %arg7[%parallel_loop3A_786, %parallel_loop3A_787] {strides = array<i32>} : memref<64x512xf32, #tpu.memory_space<vmem>>, vector<1x16xf32>,
        %parallel_loop3A_789 = vector.shape_cast %parallel_loop3A_788 : vector<1x16xf32> to vector<16xf32>
        %parallel_loop3A_790 = vector.shape_cast %parallel_loop3A_785 : vector<16xf32> to vector<1x16xf32>
        tpu.vector_store %arg7[%parallel_loop3A_786, %parallel_loop3A_787], %parallel_loop3A_790 {strides = array<i32>} : memref<64x512xf32, #tpu.memory_space<vmem>>, vector<1x16xf32>,
      } {sc.loop_unroll_factor = 8 : i64, sc.parallel_access}
    }
    %scan3A_95 = arith.constant 64 : i32
    %dma_start3A_96 = arith.constant 1 : i32
    %dma_start3A_97 = arith.constant 0 : i32
    %dma_start3A_98 = arith.constant 1 : i32
    %dma_start3A_99 = arith.constant 0 : i32
    %dma_start3A_100 = tpu.memref_slice %arg4[%dma_start3A_96, %dma_start3A_97, %mul3A_2, %dma_start3A_99] : memref<16x1x2048x512xf32, #tpu.memory_space<hbm>> -> memref<1x1x64x512xf32, #tpu.memory_space<hbm>>
    %dma_start3A_101 = tpu.memref_squeeze %dma_start3A_100 : memref<1x1x64x512xf32, #tpu.memory_space<hbm>> -> memref<64x512xf32, #tpu.memory_space<hbm>>
    %dma_start3A_102 = tpu.memref_slice %arg10[%dma_start3A_98] : memref<2x!tpu.dma_semaphore, #tpu.memory_space<semaphore_mem>> -> memref<1x!tpu.dma_semaphore, #tpu.memory_space<semaphore_mem>>
    %dma_start3A_103 = tpu.memref_squeeze %dma_start3A_102 : memref<1x!tpu.dma_semaphore, #tpu.memory_space<semaphore_mem>> -> memref<!tpu.dma_semaphore, #tpu.memory_space<semaphore_mem>>
    %dma_start3A_104 = arith.constant 0 : i32
    %dma_start3A_105 = tpu.memref_slice %arg4[%dma_start3A_96, %dma_start3A_97, %mul3A_2, %dma_start3A_104] : memref<16x1x2048x512xf32, #tpu.memory_space<hbm>> -> memref<1x1x64x512xf32, #tpu.memory_space<hbm>>
    %dma_start3A_106 = tpu.memref_squeeze %dma_start3A_105 : memref<1x1x64x512xf32, #tpu.memory_space<hbm>> -> memref<64x512xf32, #tpu.memory_space<hbm>>
    tpu.enqueue_dma source(%arg7 : memref<64x512xf32, #tpu.memory_space<vmem>>) target(%dma_start3A_106 : memref<64x512xf32, #tpu.memory_space<hbm>>) target_semaphore(%dma_start3A_103 : memref<!tpu.dma_semaphore, #tpu.memory_space<semaphore_mem>>)
    %dma_wait3A_107 = arith.constant 1 : i32
    %dma_wait3A_108 = arith.constant 0 : i32
    %dma_wait3A_109 = arith.constant 1 : i32
    %dma_wait3A_110 = arith.constant 0 : i32
    %dma_wait3A_111 = tpu.memref_slice %arg4[%dma_wait3A_107, %dma_wait3A_108, %mul3A_2, %dma_wait3A_110] : memref<16x1x2048x512xf32, #tpu.memory_space<hbm>> -> memref<1x1x64x512xf32, #tpu.memory_space<hbm>>
    %dma_wait3A_112 = tpu.memref_squeeze %dma_wait3A_111 : memref<1x1x64x512xf32, #tpu.memory_space<hbm>> -> memref<64x512xf32, #tpu.memory_space<hbm>>
    %dma_wait3A_113 = tpu.memref_slice %arg10[%dma_wait3A_109] : memref<2x!tpu.dma_semaphore, #tpu.memory_space<semaphore_mem>> -> memref<1x!tpu.dma_semaphore, #tpu.memory_space<semaphore_mem>>
    %dma_wait3A_114 = tpu.memref_squeeze %dma_wait3A_113 : memref<1x!tpu.dma_semaphore, #tpu.memory_space<semaphore_mem>> -> memref<!tpu.dma_semaphore, #tpu.memory_space<semaphore_mem>>
    %dma_wait3A_115 = arith.constant 0 : i32
    %dma_wait3A_116 = tpu.memref_slice %arg4[%dma_wait3A_107, %dma_wait3A_108, %mul3A_2, %dma_wait3A_115] : memref<16x1x2048x512xf32, #tpu.memory_space<hbm>> -> memref<1x1x64x512xf32, #tpu.memory_space<hbm>>
    %dma_wait3A_117 = tpu.memref_squeeze %dma_wait3A_116 : memref<1x1x64x512xf32, #tpu.memory_space<hbm>> -> memref<64x512xf32, #tpu.memory_space<hbm>>
    tpu.wait_dma2 semaphore(%dma_wait3A_114 : memref<!tpu.dma_semaphore, #tpu.memory_space<semaphore_mem>>) src(%arg7 : memref<64x512xf32, #tpu.memory_space<vmem>>) dst(%dma_wait3A_117 : memref<64x512xf32, #tpu.memory_space<hbm>>)
    %dma_start3A_118 = arith.constant 3 : i32
    %dma_start3A_119 = arith.constant 1 : i32
    %dma_start3A_120 = arith.constant 0 : i32
    %dma_start3A_121 = tpu.memref_slice %arg2[%dma_start3A_118, %mul3A_2, %dma_start3A_120] : memref<16x2048x512xf32, #tpu.memory_space<hbm>> -> memref<1x64x512xf32, #tpu.memory_space<hbm>>
    %dma_start3A_122 = tpu.memref_squeeze %dma_start3A_121 : memref<1x64x512xf32, #tpu.memory_space<hbm>> -> memref<64x512xf32, #tpu.memory_space<hbm>>
    %dma_start3A_123 = tpu.memref_slice %arg9[%dma_start3A_119] : memref<2x!tpu.dma_semaphore, #tpu.memory_space<semaphore_mem>> -> memref<1x!tpu.dma_semaphore, #tpu.memory_space<semaphore_mem>>
    %dma_start3A_124 = tpu.memref_squeeze %dma_start3A_123 : memref<1x!tpu.dma_semaphore, #tpu.memory_space<semaphore_mem>> -> memref<!tpu.dma_semaphore, #tpu.memory_space<semaphore_mem>>
    %dma_start3A_125 = arith.constant 0 : i32
    %dma_start3A_126 = tpu.memref_slice %arg2[%dma_start3A_118, %mul3A_2, %dma_start3A_125] : memref<16x2048x512xf32, #tpu.memory_space<hbm>> -> memref<1x64x512xf32, #tpu.memory_space<hbm>>
    %dma_start3A_127 = tpu.memref_squeeze %dma_start3A_126 : memref<1x64x512xf32, #tpu.memory_space<hbm>> -> memref<64x512xf32, #tpu.memory_space<hbm>>
    tpu.enqueue_dma source(%dma_start3A_127 : memref<64x512xf32, #tpu.memory_space<hbm>>) target(%arg7 : memref<64x512xf32, #tpu.memory_space<vmem>>) target_semaphore(%dma_start3A_124 : memref<!tpu.dma_semaphore, #tpu.memory_space<semaphore_mem>>)
    %dma_wait3A_128 = arith.constant 2 : i32
    %dma_wait3A_129 = arith.constant 0 : i32
    %dma_wait3A_130 = arith.constant 0 : i32
    %dma_wait3A_131 = tpu.memref_slice %arg2[%dma_wait3A_128, %mul3A_2, %dma_wait3A_130] : memref<16x2048x512xf32, #tpu.memory_space<hbm>> -> memref<1x64x512xf32, #tpu.memory_space<hbm>>
    %dma_wait3A_132 = tpu.memref_squeeze %dma_wait3A_131 : memref<1x64x512xf32, #tpu.memory_space<hbm>> -> memref<64x512xf32, #tpu.memory_space<hbm>>
    %dma_wait3A_133 = tpu.memref_slice %arg9[%dma_wait3A_129] : memref<2x!tpu.dma_semaphore, #tpu.memory_space<semaphore_mem>> -> memref<1x!tpu.dma_semaphore, #tpu.memory_space<semaphore_mem>>
    %dma_wait3A_134 = tpu.memref_squeeze %dma_wait3A_133 : memref<1x!tpu.dma_semaphore, #tpu.memory_space<semaphore_mem>> -> memref<!tpu.dma_semaphore, #tpu.memory_space<semaphore_mem>>
    %dma_wait3A_135 = arith.constant 0 : i32
    %dma_wait3A_136 = tpu.memref_slice %arg2[%dma_wait3A_128, %mul3A_2, %dma_wait3A_135] : memref<16x2048x512xf32, #tpu.memory_space<hbm>> -> memref<1x64x512xf32, #tpu.memory_space<hbm>>
    %dma_wait3A_137 = tpu.memref_squeeze %dma_wait3A_136 : memref<1x64x512xf32, #tpu.memory_space<hbm>> -> memref<64x512xf32, #tpu.memory_space<hbm>>
    tpu.wait_dma2 semaphore(%dma_wait3A_134 : memref<!tpu.dma_semaphore, #tpu.memory_space<semaphore_mem>>) src(%dma_wait3A_137 : memref<64x512xf32, #tpu.memory_space<hbm>>) dst(%arg6 : memref<64x512xf32, #tpu.memory_space<vmem>>)
    %scan3A_138 = arith.constant 0 : i32
    %scan3A_139 = arith.constant 64 : i32
    %scan3A_140 = arith.addi %scan3A_138, %scan3A_139 : i32
    %scan3A_141 = arith.constant 1 : i32
    scf.for %scan3A_766 = %scan3A_138 to %scan3A_140 step %scan3A_141  : i32 {
      %mul3A_767 = arith.constant 1 : i32
      %mul3A_768 = arith.muli %scan3A_766, %mul3A_767 : i32
      %add3A_769 = arith.constant 0 : i32
      %add3A_770 = arith.addi %add3A_769, %mul3A_768 : i32
      %parallel_loop3A = arith.constant 0 : i32
      %parallel_loop3A_771 = arith.constant 512 : i32
      %parallel_loop3A_772 = arith.constant 16 : i32
      scf.for %parallel_loop3A_773 = %parallel_loop3A to %parallel_loop3A_771 step %parallel_loop3A_772  : i32 {
        %parallel_loop3A_774 = arith.index_cast %add3A_770 : i32 to index
        %parallel_loop3A_775 = arith.index_cast %parallel_loop3A_773 : i32 to index
        %parallel_loop3A_776 = tpu.vector_load %arg6[%parallel_loop3A_774, %parallel_loop3A_775] {strides = array<i32>} : memref<64x512xf32, #tpu.memory_space<vmem>>, vector<1x16xf32>,
        %parallel_loop3A_777 = vector.shape_cast %parallel_loop3A_776 : vector<1x16xf32> to vector<16xf32>
        %parallel_loop3A_778 = arith.constant 2.000000e+00 : f32
        %parallel_loop3A_779 = vector.broadcast %parallel_loop3A_778 : f32 to vector<16xf32>
        %parallel_loop3A_780 = arith.mulf %parallel_loop3A_777, %parallel_loop3A_779 : vector<16xf32>
        %parallel_loop3A_781 = arith.index_cast %add3A_770 : i32 to index
        %parallel_loop3A_782 = arith.index_cast %parallel_loop3A_773 : i32 to index
        %parallel_loop3A_783 = tpu.vector_load %arg5[%parallel_loop3A_781, %parallel_loop3A_782] {strides = array<i32>} : memref<64x512xf32, #tpu.memory_space<vmem>>, vector<1x16xf32>,
        %parallel_loop3A_784 = vector.shape_cast %parallel_loop3A_783 : vector<1x16xf32> to vector<16xf32>
        %parallel_loop3A_785 = arith.addf %parallel_loop3A_780, %parallel_loop3A_784 : vector<16xf32>
        %parallel_loop3A_786 = arith.index_cast %add3A_770 : i32 to index
        %parallel_loop3A_787 = arith.index_cast %parallel_loop3A_773 : i32 to index
        %parallel_loop3A_788 = tpu.vector_load %arg6[%parallel_loop3A_786, %parallel_loop3A_787] {strides = array<i32>} : memref<64x512xf32, #tpu.memory_space<vmem>>, vector<1x16xf32>,
        %parallel_loop3A_789 = vector.shape_cast %parallel_loop3A_788 : vector<1x16xf32> to vector<16xf32>
        %parallel_loop3A_790 = vector.shape_cast %parallel_loop3A_785 : vector<16xf32> to vector<1x16xf32>
        tpu.vector_store %arg6[%parallel_loop3A_786, %parallel_loop3A_787], %parallel_loop3A_790 {strides = array<i32>} : memref<64x512xf32, #tpu.memory_space<vmem>>, vector<1x16xf32>,
      } {sc.loop_unroll_factor = 8 : i64, sc.parallel_access}
    }
    %scan3A_142 = arith.constant 64 : i32
    %dma_start3A_143 = arith.constant 2 : i32
    %dma_start3A_144 = arith.constant 0 : i32
    %dma_start3A_145 = arith.constant 0 : i32
    %dma_start3A_146 = arith.constant 0 : i32
    %dma_start3A_147 = tpu.memref_slice %arg4[%dma_start3A_143, %dma_start3A_144, %mul3A_2, %dma_start3A_146] : memref<16x1x2048x512xf32, #tpu.memory_space<hbm>> -> memref<1x1x64x512xf32, #tpu.memory_space<hbm>>
    %dma_start3A_148 = tpu.memref_squeeze %dma_start3A_147 : memref<1x1x64x512xf32, #tpu.memory_space<hbm>> -> memref<64x512xf32, #tpu.memory_space<hbm>>
    %dma_start3A_149 = tpu.memref_slice %arg10[%dma_start3A_145] : memref<2x!tpu.dma_semaphore, #tpu.memory_space<semaphore_mem>> -> memref<1x!tpu.dma_semaphore, #tpu.memory_space<semaphore_mem>>
    %dma_start3A_150 = tpu.memref_squeeze %dma_start3A_149 : memref<1x!tpu.dma_semaphore, #tpu.memory_space<semaphore_mem>> -> memref<!tpu.dma_semaphore, #tpu.memory_space<semaphore_mem>>
    %dma_start3A_151 = arith.constant 0 : i32
    %dma_start3A_152 = tpu.memref_slice %arg4[%dma_start3A_143, %dma_start3A_144, %mul3A_2, %dma_start3A_151] : memref<16x1x2048x512xf32, #tpu.memory_space<hbm>> -> memref<1x1x64x512xf32, #tpu.memory_space<hbm>>
    %dma_start3A_153 = tpu.memref_squeeze %dma_start3A_152 : memref<1x1x64x512xf32, #tpu.memory_space<hbm>> -> memref<64x512xf32, #tpu.memory_space<hbm>>
    tpu.enqueue_dma source(%arg6 : memref<64x512xf32, #tpu.memory_space<vmem>>) target(%dma_start3A_153 : memref<64x512xf32, #tpu.memory_space<hbm>>) target_semaphore(%dma_start3A_150 : memref<!tpu.dma_semaphore, #tpu.memory_space<semaphore_mem>>)
    %dma_wait3A_154 = arith.constant 2 : i32
    %dma_wait3A_155 = arith.constant 0 : i32
    %dma_wait3A_156 = arith.constant 0 : i32
    %dma_wait3A_157 = arith.constant 0 : i32
    %dma_wait3A_158 = tpu.memref_slice %arg4[%dma_wait3A_154, %dma_wait3A_155, %mul3A_2, %dma_wait3A_157] : memref<16x1x2048x512xf32, #tpu.memory_space<hbm>> -> memref<1x1x64x512xf32, #tpu.memory_space<hbm>>
    %dma_wait3A_159 = tpu.memref_squeeze %dma_wait3A_158 : memref<1x1x64x512xf32, #tpu.memory_space<hbm>> -> memref<64x512xf32, #tpu.memory_space<hbm>>
    %dma_wait3A_160 = tpu.memref_slice %arg10[%dma_wait3A_156] : memref<2x!tpu.dma_semaphore, #tpu.memory_space<semaphore_mem>> -> memref<1x!tpu.dma_semaphore, #tpu.memory_space<semaphore_mem>>
    %dma_wait3A_161 = tpu.memref_squeeze %dma_wait3A_160 : memref<1x!tpu.dma_semaphore, #tpu.memory_space<semaphore_mem>> -> memref<!tpu.dma_semaphore, #tpu.memory_space<semaphore_mem>>
    %dma_wait3A_162 = arith.constant 0 : i32
    %dma_wait3A_163 = tpu.memref_slice %arg4[%dma_wait3A_154, %dma_wait3A_155, %mul3A_2, %dma_wait3A_162] : memref<16x1x2048x512xf32, #tpu.memory_space<hbm>> -> memref<1x1x64x512xf32, #tpu.memory_space<hbm>>
    %dma_wait3A_164 = tpu.memref_squeeze %dma_wait3A_163 : memref<1x1x64x512xf32, #tpu.memory_space<hbm>> -> memref<64x512xf32, #tpu.memory_space<hbm>>
    tpu.wait_dma2 semaphore(%dma_wait3A_161 : memref<!tpu.dma_semaphore, #tpu.memory_space<semaphore_mem>>) src(%arg6 : memref<64x512xf32, #tpu.memory_space<vmem>>) dst(%dma_wait3A_164 : memref<64x512xf32, #tpu.memory_space<hbm>>)
    %dma_start3A_165 = arith.constant 4 : i32
    %dma_start3A_166 = arith.constant 0 : i32
    %dma_start3A_167 = arith.constant 0 : i32
    %dma_start3A_168 = tpu.memref_slice %arg2[%dma_start3A_165, %mul3A_2, %dma_start3A_167] : memref<16x2048x512xf32, #tpu.memory_space<hbm>> -> memref<1x64x512xf32, #tpu.memory_space<hbm>>
    %dma_start3A_169 = tpu.memref_squeeze %dma_start3A_168 : memref<1x64x512xf32, #tpu.memory_space<hbm>> -> memref<64x512xf32, #tpu.memory_space<hbm>>
    %dma_start3A_170 = tpu.memref_slice %arg9[%dma_start3A_166] : memref<2x!tpu.dma_semaphore, #tpu.memory_space<semaphore_mem>> -> memref<1x!tpu.dma_semaphore, #tpu.memory_space<semaphore_mem>>
    %dma_start3A_171 = tpu.memref_squeeze %dma_start3A_170 : memref<1x!tpu.dma_semaphore, #tpu.memory_space<semaphore_mem>> -> memref<!tpu.dma_semaphore, #tpu.memory_space<semaphore_mem>>
    %dma_start3A_172 = arith.constant 0 : i32
    %dma_start3A_173 = tpu.memref_slice %arg2[%dma_start3A_165, %mul3A_2, %dma_start3A_172] : memref<16x2048x512xf32, #tpu.memory_space<hbm>> -> memref<1x64x512xf32, #tpu.memory_space<hbm>>
    %dma_start3A_174 = tpu.memref_squeeze %dma_start3A_173 : memref<1x64x512xf32, #tpu.memory_space<hbm>> -> memref<64x512xf32, #tpu.memory_space<hbm>>
    tpu.enqueue_dma source(%dma_start3A_174 : memref<64x512xf32, #tpu.memory_space<hbm>>) target(%arg6 : memref<64x512xf32, #tpu.memory_space<vmem>>) target_semaphore(%dma_start3A_171 : memref<!tpu.dma_semaphore, #tpu.memory_space<semaphore_mem>>)
    %dma_wait3A_175 = arith.constant 3 : i32
    %dma_wait3A_176 = arith.constant 1 : i32
    %dma_wait3A_177 = arith.constant 0 : i32
    %dma_wait3A_178 = tpu.memref_slice %arg2[%dma_wait3A_175, %mul3A_2, %dma_wait3A_177] : memref<16x2048x512xf32, #tpu.memory_space<hbm>> -> memref<1x64x512xf32, #tpu.memory_space<hbm>>
    %dma_wait3A_179 = tpu.memref_squeeze %dma_wait3A_178 : memref<1x64x512xf32, #tpu.memory_space<hbm>> -> memref<64x512xf32, #tpu.memory_space<hbm>>
    %dma_wait3A_180 = tpu.memref_slice %arg9[%dma_wait3A_176] : memref<2x!tpu.dma_semaphore, #tpu.memory_space<semaphore_mem>> -> memref<1x!tpu.dma_semaphore, #tpu.memory_space<semaphore_mem>>
    %dma_wait3A_181 = tpu.memref_squeeze %dma_wait3A_180 : memref<1x!tpu.dma_semaphore, #tpu.memory_space<semaphore_mem>> -> memref<!tpu.dma_semaphore, #tpu.memory_space<semaphore_mem>>
    %dma_wait3A_182 = arith.constant 0 : i32
    %dma_wait3A_183 = tpu.memref_slice %arg2[%dma_wait3A_175, %mul3A_2, %dma_wait3A_182] : memref<16x2048x512xf32, #tpu.memory_space<hbm>> -> memref<1x64x512xf32, #tpu.memory_space<hbm>>
    %dma_wait3A_184 = tpu.memref_squeeze %dma_wait3A_183 : memref<1x64x512xf32, #tpu.memory_space<hbm>> -> memref<64x512xf32, #tpu.memory_space<hbm>>
    tpu.wait_dma2 semaphore(%dma_wait3A_181 : memref<!tpu.dma_semaphore, #tpu.memory_space<semaphore_mem>>) src(%dma_wait3A_184 : memref<64x512xf32, #tpu.memory_space<hbm>>) dst(%arg7 : memref<64x512xf32, #tpu.memory_space<vmem>>)
    %scan3A_185 = arith.constant 0 : i32
    %scan3A_186 = arith.constant 64 : i32
    %scan3A_187 = arith.addi %scan3A_185, %scan3A_186 : i32
    %scan3A_188 = arith.constant 1 : i32
    scf.for %scan3A_766 = %scan3A_185 to %scan3A_187 step %scan3A_188  : i32 {
      %mul3A_767 = arith.constant 1 : i32
      %mul3A_768 = arith.muli %scan3A_766, %mul3A_767 : i32
      %add3A_769 = arith.constant 0 : i32
      %add3A_770 = arith.addi %add3A_769, %mul3A_768 : i32
      %parallel_loop3A = arith.constant 0 : i32
      %parallel_loop3A_771 = arith.constant 512 : i32
      %parallel_loop3A_772 = arith.constant 16 : i32
      scf.for %parallel_loop3A_773 = %parallel_loop3A to %parallel_loop3A_771 step %parallel_loop3A_772  : i32 {
        %parallel_loop3A_774 = arith.index_cast %add3A_770 : i32 to index
        %parallel_loop3A_775 = arith.index_cast %parallel_loop3A_773 : i32 to index
        %parallel_loop3A_776 = tpu.vector_load %arg7[%parallel_loop3A_774, %parallel_loop3A_775] {strides = array<i32>} : memref<64x512xf32, #tpu.memory_space<vmem>>, vector<1x16xf32>,
        %parallel_loop3A_777 = vector.shape_cast %parallel_loop3A_776 : vector<1x16xf32> to vector<16xf32>
        %parallel_loop3A_778 = arith.constant 2.000000e+00 : f32
        %parallel_loop3A_779 = vector.broadcast %parallel_loop3A_778 : f32 to vector<16xf32>
        %parallel_loop3A_780 = arith.mulf %parallel_loop3A_777, %parallel_loop3A_779 : vector<16xf32>
        %parallel_loop3A_781 = arith.index_cast %add3A_770 : i32 to index
        %parallel_loop3A_782 = arith.index_cast %parallel_loop3A_773 : i32 to index
        %parallel_loop3A_783 = tpu.vector_load %arg5[%parallel_loop3A_781, %parallel_loop3A_782] {strides = array<i32>} : memref<64x512xf32, #tpu.memory_space<vmem>>, vector<1x16xf32>,
        %parallel_loop3A_784 = vector.shape_cast %parallel_loop3A_783 : vector<1x16xf32> to vector<16xf32>
        %parallel_loop3A_785 = arith.addf %parallel_loop3A_780, %parallel_loop3A_784 : vector<16xf32>
        %parallel_loop3A_786 = arith.index_cast %add3A_770 : i32 to index
        %parallel_loop3A_787 = arith.index_cast %parallel_loop3A_773 : i32 to index
        %parallel_loop3A_788 = tpu.vector_load %arg7[%parallel_loop3A_786, %parallel_loop3A_787] {strides = array<i32>} : memref<64x512xf32, #tpu.memory_space<vmem>>, vector<1x16xf32>,
        %parallel_loop3A_789 = vector.shape_cast %parallel_loop3A_788 : vector<1x16xf32> to vector<16xf32>
        %parallel_loop3A_790 = vector.shape_cast %parallel_loop3A_785 : vector<16xf32> to vector<1x16xf32>
        tpu.vector_store %arg7[%parallel_loop3A_786, %parallel_loop3A_787], %parallel_loop3A_790 {strides = array<i32>} : memref<64x512xf32, #tpu.memory_space<vmem>>, vector<1x16xf32>,
      } {sc.loop_unroll_factor = 8 : i64, sc.parallel_access}
    }
    %scan3A_189 = arith.constant 64 : i32
    %dma_start3A_190 = arith.constant 3 : i32
    %dma_start3A_191 = arith.constant 0 : i32
    %dma_start3A_192 = arith.constant 1 : i32
    %dma_start3A_193 = arith.constant 0 : i32
    %dma_start3A_194 = tpu.memref_slice %arg4[%dma_start3A_190, %dma_start3A_191, %mul3A_2, %dma_start3A_193] : memref<16x1x2048x512xf32, #tpu.memory_space<hbm>> -> memref<1x1x64x512xf32, #tpu.memory_space<hbm>>
    %dma_start3A_195 = tpu.memref_squeeze %dma_start3A_194 : memref<1x1x64x512xf32, #tpu.memory_space<hbm>> -> memref<64x512xf32, #tpu.memory_space<hbm>>
    %dma_start3A_196 = tpu.memref_slice %arg10[%dma_start3A_192] : memref<2x!tpu.dma_semaphore, #tpu.memory_space<semaphore_mem>> -> memref<1x!tpu.dma_semaphore, #tpu.memory_space<semaphore_mem>>
    %dma_start3A_197 = tpu.memref_squeeze %dma_start3A_196 : memref<1x!tpu.dma_semaphore, #tpu.memory_space<semaphore_mem>> -> memref<!tpu.dma_semaphore, #tpu.memory_space<semaphore_mem>>
    %dma_start3A_198 = arith.constant 0 : i32
    %dma_start3A_199 = tpu.memref_slice %arg4[%dma_start3A_190, %dma_start3A_191, %mul3A_2, %dma_start3A_198] : memref<16x1x2048x512xf32, #tpu.memory_space<hbm>> -> memref<1x1x64x512xf32, #tpu.memory_space<hbm>>
    %dma_start3A_200 = tpu.memref_squeeze %dma_start3A_199 : memref<1x1x64x512xf32, #tpu.memory_space<hbm>> -> memref<64x512xf32, #tpu.memory_space<hbm>>
    tpu.enqueue_dma source(%arg7 : memref<64x512xf32, #tpu.memory_space<vmem>>) target(%dma_start3A_200 : memref<64x512xf32, #tpu.memory_space<hbm>>) target_semaphore(%dma_start3A_197 : memref<!tpu.dma_semaphore, #tpu.memory_space<semaphore_mem>>)
    %dma_wait3A_201 = arith.constant 3 : i32
    %dma_wait3A_202 = arith.constant 0 : i32
    %dma_wait3A_203 = arith.constant 1 : i32
    %dma_wait3A_204 = arith.constant 0 : i32
    %dma_wait3A_205 = tpu.memref_slice %arg4[%dma_wait3A_201, %dma_wait3A_202, %mul3A_2, %dma_wait3A_204] : memref<16x1x2048x512xf32, #tpu.memory_space<hbm>> -> memref<1x1x64x512xf32, #tpu.memory_space<hbm>>
    %dma_wait3A_206 = tpu.memref_squeeze %dma_wait3A_205 : memref<1x1x64x512xf32, #tpu.memory_space<hbm>> -> memref<64x512xf32, #tpu.memory_space<hbm>>
    %dma_wait3A_207 = tpu.memref_slice %arg10[%dma_wait3A_203] : memref<2x!tpu.dma_semaphore, #tpu.memory_space<semaphore_mem>> -> memref<1x!tpu.dma_semaphore, #tpu.memory_space<semaphore_mem>>
    %dma_wait3A_208 = tpu.memref_squeeze %dma_wait3A_207 : memref<1x!tpu.dma_semaphore, #tpu.memory_space<semaphore_mem>> -> memref<!tpu.dma_semaphore, #tpu.memory_space<semaphore_mem>>
    %dma_wait3A_209 = arith.constant 0 : i32
    %dma_wait3A_210 = tpu.memref_slice %arg4[%dma_wait3A_201, %dma_wait3A_202, %mul3A_2, %dma_wait3A_209] : memref<16x1x2048x512xf32, #tpu.memory_space<hbm>> -> memref<1x1x64x512xf32, #tpu.memory_space<hbm>>
    %dma_wait3A_211 = tpu.memref_squeeze %dma_wait3A_210 : memref<1x1x64x512xf32, #tpu.memory_space<hbm>> -> memref<64x512xf32, #tpu.memory_space<hbm>>
    tpu.wait_dma2 semaphore(%dma_wait3A_208 : memref<!tpu.dma_semaphore, #tpu.memory_space<semaphore_mem>>) src(%arg7 : memref<64x512xf32, #tpu.memory_space<vmem>>) dst(%dma_wait3A_211 : memref<64x512xf32, #tpu.memory_space<hbm>>)
    %dma_start3A_212 = arith.constant 5 : i32
    %dma_start3A_213 = arith.constant 1 : i32
    %dma_start3A_214 = arith.constant 0 : i32
    %dma_start3A_215 = tpu.memref_slice %arg2[%dma_start3A_212, %mul3A_2, %dma_start3A_214] : memref<16x2048x512xf32, #tpu.memory_space<hbm>> -> memref<1x64x512xf32, #tpu.memory_space<hbm>>
    %dma_start3A_216 = tpu.memref_squeeze %dma_start3A_215 : memref<1x64x512xf32, #tpu.memory_space<hbm>> -> memref<64x512xf32, #tpu.memory_space<hbm>>
    %dma_start3A_217 = tpu.memref_slice %arg9[%dma_start3A_213] : memref<2x!tpu.dma_semaphore, #tpu.memory_space<semaphore_mem>> -> memref<1x!tpu.dma_semaphore, #tpu.memory_space<semaphore_mem>>
    %dma_start3A_218 = tpu.memref_squeeze %dma_start3A_217 : memref<1x!tpu.dma_semaphore, #tpu.memory_space<semaphore_mem>> -> memref<!tpu.dma_semaphore, #tpu.memory_space<semaphore_mem>>
    %dma_start3A_219 = arith.constant 0 : i32
    %dma_start3A_220 = tpu.memref_slice %arg2[%dma_start3A_212, %mul3A_2, %dma_start3A_219] : memref<16x2048x512xf32, #tpu.memory_space<hbm>> -> memref<1x64x512xf32, #tpu.memory_space<hbm>>
    %dma_start3A_221 = tpu.memref_squeeze %dma_start3A_220 : memref<1x64x512xf32, #tpu.memory_space<hbm>> -> memref<64x512xf32, #tpu.memory_space<hbm>>
    tpu.enqueue_dma source(%dma_start3A_221 : memref<64x512xf32, #tpu.memory_space<hbm>>) target(%arg7 : memref<64x512xf32, #tpu.memory_space<vmem>>) target_semaphore(%dma_start3A_218 : memref<!tpu.dma_semaphore, #tpu.memory_space<semaphore_mem>>)
    %dma_wait3A_222 = arith.constant 4 : i32
    %dma_wait3A_223 = arith.constant 0 : i32
    %dma_wait3A_224 = arith.constant 0 : i32
    %dma_wait3A_225 = tpu.memref_slice %arg2[%dma_wait3A_222, %mul3A_2, %dma_wait3A_224] : memref<16x2048x512xf32, #tpu.memory_space<hbm>> -> memref<1x64x512xf32, #tpu.memory_space<hbm>>
    %dma_wait3A_226 = tpu.memref_squeeze %dma_wait3A_225 : memref<1x64x512xf32, #tpu.memory_space<hbm>> -> memref<64x512xf32, #tpu.memory_space<hbm>>
    %dma_wait3A_227 = tpu.memref_slice %arg9[%dma_wait3A_223] : memref<2x!tpu.dma_semaphore, #tpu.memory_space<semaphore_mem>> -> memref<1x!tpu.dma_semaphore, #tpu.memory_space<semaphore_mem>>
    %dma_wait3A_228 = tpu.memref_squeeze %dma_wait3A_227 : memref<1x!tpu.dma_semaphore, #tpu.memory_space<semaphore_mem>> -> memref<!tpu.dma_semaphore, #tpu.memory_space<semaphore_mem>>
    %dma_wait3A_229 = arith.constant 0 : i32
    %dma_wait3A_230 = tpu.memref_slice %arg2[%dma_wait3A_222, %mul3A_2, %dma_wait3A_229] : memref<16x2048x512xf32, #tpu.memory_space<hbm>> -> memref<1x64x512xf32, #tpu.memory_space<hbm>>
    %dma_wait3A_231 = tpu.memref_squeeze %dma_wait3A_230 : memref<1x64x512xf32, #tpu.memory_space<hbm>> -> memref<64x512xf32, #tpu.memory_space<hbm>>
    tpu.wait_dma2 semaphore(%dma_wait3A_228 : memref<!tpu.dma_semaphore, #tpu.memory_space<semaphore_mem>>) src(%dma_wait3A_231 : memref<64x512xf32, #tpu.memory_space<hbm>>) dst(%arg6 : memref<64x512xf32, #tpu.memory_space<vmem>>)
    %scan3A_232 = arith.constant 0 : i32
    %scan3A_233 = arith.constant 64 : i32
    %scan3A_234 = arith.addi %scan3A_232, %scan3A_233 : i32
    %scan3A_235 = arith.constant 1 : i32
    scf.for %scan3A_766 = %scan3A_232 to %scan3A_234 step %scan3A_235  : i32 {
      %mul3A_767 = arith.constant 1 : i32
      %mul3A_768 = arith.muli %scan3A_766, %mul3A_767 : i32
      %add3A_769 = arith.constant 0 : i32
      %add3A_770 = arith.addi %add3A_769, %mul3A_768 : i32
      %parallel_loop3A = arith.constant 0 : i32
      %parallel_loop3A_771 = arith.constant 512 : i32
      %parallel_loop3A_772 = arith.constant 16 : i32
      scf.for %parallel_loop3A_773 = %parallel_loop3A to %parallel_loop3A_771 step %parallel_loop3A_772  : i32 {
        %parallel_loop3A_774 = arith.index_cast %add3A_770 : i32 to index
        %parallel_loop3A_775 = arith.index_cast %parallel_loop3A_773 : i32 to index
        %parallel_loop3A_776 = tpu.vector_load %arg6[%parallel_loop3A_774, %parallel_loop3A_775] {strides = array<i32>} : memref<64x512xf32, #tpu.memory_space<vmem>>, vector<1x16xf32>,
        %parallel_loop3A_777 = vector.shape_cast %parallel_loop3A_776 : vector<1x16xf32> to vector<16xf32>
        %parallel_loop3A_778 = arith.constant 2.000000e+00 : f32
        %parallel_loop3A_779 = vector.broadcast %parallel_loop3A_778 : f32 to vector<16xf32>
        %parallel_loop3A_780 = arith.mulf %parallel_loop3A_777, %parallel_loop3A_779 : vector<16xf32>
        %parallel_loop3A_781 = arith.index_cast %add3A_770 : i32 to index
        %parallel_loop3A_782 = arith.index_cast %parallel_loop3A_773 : i32 to index
        %parallel_loop3A_783 = tpu.vector_load %arg5[%parallel_loop3A_781, %parallel_loop3A_782] {strides = array<i32>} : memref<64x512xf32, #tpu.memory_space<vmem>>, vector<1x16xf32>,
        %parallel_loop3A_784 = vector.shape_cast %parallel_loop3A_783 : vector<1x16xf32> to vector<16xf32>
        %parallel_loop3A_785 = arith.addf %parallel_loop3A_780, %parallel_loop3A_784 : vector<16xf32>
        %parallel_loop3A_786 = arith.index_cast %add3A_770 : i32 to index
        %parallel_loop3A_787 = arith.index_cast %parallel_loop3A_773 : i32 to index
        %parallel_loop3A_788 = tpu.vector_load %arg6[%parallel_loop3A_786, %parallel_loop3A_787] {strides = array<i32>} : memref<64x512xf32, #tpu.memory_space<vmem>>, vector<1x16xf32>,
        %parallel_loop3A_789 = vector.shape_cast %parallel_loop3A_788 : vector<1x16xf32> to vector<16xf32>
        %parallel_loop3A_790 = vector.shape_cast %parallel_loop3A_785 : vector<16xf32> to vector<1x16xf32>
        tpu.vector_store %arg6[%parallel_loop3A_786, %parallel_loop3A_787], %parallel_loop3A_790 {strides = array<i32>} : memref<64x512xf32, #tpu.memory_space<vmem>>, vector<1x16xf32>,
      } {sc.loop_unroll_factor = 8 : i64, sc.parallel_access}
    }
    %scan3A_236 = arith.constant 64 : i32
    %dma_start3A_237 = arith.constant 4 : i32
    %dma_start3A_238 = arith.constant 0 : i32
    %dma_start3A_239 = arith.constant 0 : i32
    %dma_start3A_240 = arith.constant 0 : i32
    %dma_start3A_241 = tpu.memref_slice %arg4[%dma_start3A_237, %dma_start3A_238, %mul3A_2, %dma_start3A_240] : memref<16x1x2048x512xf32, #tpu.memory_space<hbm>> -> memref<1x1x64x512xf32, #tpu.memory_space<hbm>>
    %dma_start3A_242 = tpu.memref_squeeze %dma_start3A_241 : memref<1x1x64x512xf32, #tpu.memory_space<hbm>> -> memref<64x512xf32, #tpu.memory_space<hbm>>
    %dma_start3A_243 = tpu.memref_slice %arg10[%dma_start3A_239] : memref<2x!tpu.dma_semaphore, #tpu.memory_space<semaphore_mem>> -> memref<1x!tpu.dma_semaphore, #tpu.memory_space<semaphore_mem>>
    %dma_start3A_244 = tpu.memref_squeeze %dma_start3A_243 : memref<1x!tpu.dma_semaphore, #tpu.memory_space<semaphore_mem>> -> memref<!tpu.dma_semaphore, #tpu.memory_space<semaphore_mem>>
    %dma_start3A_245 = arith.constant 0 : i32
    %dma_start3A_246 = tpu.memref_slice %arg4[%dma_start3A_237, %dma_start3A_238, %mul3A_2, %dma_start3A_245] : memref<16x1x2048x512xf32, #tpu.memory_space<hbm>> -> memref<1x1x64x512xf32, #tpu.memory_space<hbm>>
    %dma_start3A_247 = tpu.memref_squeeze %dma_start3A_246 : memref<1x1x64x512xf32, #tpu.memory_space<hbm>> -> memref<64x512xf32, #tpu.memory_space<hbm>>
    tpu.enqueue_dma source(%arg6 : memref<64x512xf32, #tpu.memory_space<vmem>>) target(%dma_start3A_247 : memref<64x512xf32, #tpu.memory_space<hbm>>) target_semaphore(%dma_start3A_244 : memref<!tpu.dma_semaphore, #tpu.memory_space<semaphore_mem>>)
    %dma_wait3A_248 = arith.constant 4 : i32
    %dma_wait3A_249 = arith.constant 0 : i32
    %dma_wait3A_250 = arith.constant 0 : i32
    %dma_wait3A_251 = arith.constant 0 : i32
    %dma_wait3A_252 = tpu.memref_slice %arg4[%dma_wait3A_248, %dma_wait3A_249, %mul3A_2, %dma_wait3A_251] : memref<16x1x2048x512xf32, #tpu.memory_space<hbm>> -> memref<1x1x64x512xf32, #tpu.memory_space<hbm>>
    %dma_wait3A_253 = tpu.memref_squeeze %dma_wait3A_252 : memref<1x1x64x512xf32, #tpu.memory_space<hbm>> -> memref<64x512xf32, #tpu.memory_space<hbm>>
    %dma_wait3A_254 = tpu.memref_slice %arg10[%dma_wait3A_250] : memref<2x!tpu.dma_semaphore, #tpu.memory_space<semaphore_mem>> -> memref<1x!tpu.dma_semaphore, #tpu.memory_space<semaphore_mem>>
    %dma_wait3A_255 = tpu.memref_squeeze %dma_wait3A_254 : memref<1x!tpu.dma_semaphore, #tpu.memory_space<semaphore_mem>> -> memref<!tpu.dma_semaphore, #tpu.memory_space<semaphore_mem>>
    %dma_wait3A_256 = arith.constant 0 : i32
    %dma_wait3A_257 = tpu.memref_slice %arg4[%dma_wait3A_248, %dma_wait3A_249, %mul3A_2, %dma_wait3A_256] : memref<16x1x2048x512xf32, #tpu.memory_space<hbm>> -> memref<1x1x64x512xf32, #tpu.memory_space<hbm>>
    %dma_wait3A_258 = tpu.memref_squeeze %dma_wait3A_257 : memref<1x1x64x512xf32, #tpu.memory_space<hbm>> -> memref<64x512xf32, #tpu.memory_space<hbm>>
    tpu.wait_dma2 semaphore(%dma_wait3A_255 : memref<!tpu.dma_semaphore, #tpu.memory_space<semaphore_mem>>) src(%arg6 : memref<64x512xf32, #tpu.memory_space<vmem>>) dst(%dma_wait3A_258 : memref<64x512xf32, #tpu.memory_space<hbm>>)
    %dma_start3A_259 = arith.constant 6 : i32
    %dma_start3A_260 = arith.constant 0 : i32
    %dma_start3A_261 = arith.constant 0 : i32
    %dma_start3A_262 = tpu.memref_slice %arg2[%dma_start3A_259, %mul3A_2, %dma_start3A_261] : memref<16x2048x512xf32, #tpu.memory_space<hbm>> -> memref<1x64x512xf32, #tpu.memory_space<hbm>>
    %dma_start3A_263 = tpu.memref_squeeze %dma_start3A_262 : memref<1x64x512xf32, #tpu.memory_space<hbm>> -> memref<64x512xf32, #tpu.memory_space<hbm>>
    %dma_start3A_264 = tpu.memref_slice %arg9[%dma_start3A_260] : memref<2x!tpu.dma_semaphore, #tpu.memory_space<semaphore_mem>> -> memref<1x!tpu.dma_semaphore, #tpu.memory_space<semaphore_mem>>
    %dma_start3A_265 = tpu.memref_squeeze %dma_start3A_264 : memref<1x!tpu.dma_semaphore, #tpu.memory_space<semaphore_mem>> -> memref<!tpu.dma_semaphore, #tpu.memory_space<semaphore_mem>>
    %dma_start3A_266 = arith.constant 0 : i32
    %dma_start3A_267 = tpu.memref_slice %arg2[%dma_start3A_259, %mul3A_2, %dma_start3A_266] : memref<16x2048x512xf32, #tpu.memory_space<hbm>> -> memref<1x64x512xf32, #tpu.memory_space<hbm>>
    %dma_start3A_268 = tpu.memref_squeeze %dma_start3A_267 : memref<1x64x512xf32, #tpu.memory_space<hbm>> -> memref<64x512xf32, #tpu.memory_space<hbm>>
    tpu.enqueue_dma source(%dma_start3A_268 : memref<64x512xf32, #tpu.memory_space<hbm>>) target(%arg6 : memref<64x512xf32, #tpu.memory_space<vmem>>) target_semaphore(%dma_start3A_265 : memref<!tpu.dma_semaphore, #tpu.memory_space<semaphore_mem>>)
    %dma_wait3A_269 = arith.constant 5 : i32
    %dma_wait3A_270 = arith.constant 1 : i32
    %dma_wait3A_271 = arith.constant 0 : i32
    %dma_wait3A_272 = tpu.memref_slice %arg2[%dma_wait3A_269, %mul3A_2, %dma_wait3A_271] : memref<16x2048x512xf32, #tpu.memory_space<hbm>> -> memref<1x64x512xf32, #tpu.memory_space<hbm>>
    %dma_wait3A_273 = tpu.memref_squeeze %dma_wait3A_272 : memref<1x64x512xf32, #tpu.memory_space<hbm>> -> memref<64x512xf32, #tpu.memory_space<hbm>>
    %dma_wait3A_274 = tpu.memref_slice %arg9[%dma_wait3A_270] : memref<2x!tpu.dma_semaphore, #tpu.memory_space<semaphore_mem>> -> memref<1x!tpu.dma_semaphore, #tpu.memory_space<semaphore_mem>>
    %dma_wait3A_275 = tpu.memref_squeeze %dma_wait3A_274 : memref<1x!tpu.dma_semaphore, #tpu.memory_space<semaphore_mem>> -> memref<!tpu.dma_semaphore, #tpu.memory_space<semaphore_mem>>
    %dma_wait3A_276 = arith.constant 0 : i32
    %dma_wait3A_277 = tpu.memref_slice %arg2[%dma_wait3A_269, %mul3A_2, %dma_wait3A_276] : memref<16x2048x512xf32, #tpu.memory_space<hbm>> -> memref<1x64x512xf32, #tpu.memory_space<hbm>>
    %dma_wait3A_278 = tpu.memref_squeeze %dma_wait3A_277 : memref<1x64x512xf32, #tpu.memory_space<hbm>> -> memref<64x512xf32, #tpu.memory_space<hbm>>
    tpu.wait_dma2 semaphore(%dma_wait3A_275 : memref<!tpu.dma_semaphore, #tpu.memory_space<semaphore_mem>>) src(%dma_wait3A_278 : memref<64x512xf32, #tpu.memory_space<hbm>>) dst(%arg7 : memref<64x512xf32, #tpu.memory_space<vmem>>)
    %scan3A_279 = arith.constant 0 : i32
    %scan3A_280 = arith.constant 64 : i32
    %scan3A_281 = arith.addi %scan3A_279, %scan3A_280 : i32
    %scan3A_282 = arith.constant 1 : i32
    scf.for %scan3A_766 = %scan3A_279 to %scan3A_281 step %scan3A_282  : i32 {
      %mul3A_767 = arith.constant 1 : i32
      %mul3A_768 = arith.muli %scan3A_766, %mul3A_767 : i32
      %add3A_769 = arith.constant 0 : i32
      %add3A_770 = arith.addi %add3A_769, %mul3A_768 : i32
      %parallel_loop3A = arith.constant 0 : i32
      %parallel_loop3A_771 = arith.constant 512 : i32
      %parallel_loop3A_772 = arith.constant 16 : i32
      scf.for %parallel_loop3A_773 = %parallel_loop3A to %parallel_loop3A_771 step %parallel_loop3A_772  : i32 {
        %parallel_loop3A_774 = arith.index_cast %add3A_770 : i32 to index
        %parallel_loop3A_775 = arith.index_cast %parallel_loop3A_773 : i32 to index
        %parallel_loop3A_776 = tpu.vector_load %arg7[%parallel_loop3A_774, %parallel_loop3A_775] {strides = array<i32>} : memref<64x512xf32, #tpu.memory_space<vmem>>, vector<1x16xf32>,
        %parallel_loop3A_777 = vector.shape_cast %parallel_loop3A_776 : vector<1x16xf32> to vector<16xf32>
        %parallel_loop3A_778 = arith.constant 2.000000e+00 : f32
        %parallel_loop3A_779 = vector.broadcast %parallel_loop3A_778 : f32 to vector<16xf32>
        %parallel_loop3A_780 = arith.mulf %parallel_loop3A_777, %parallel_loop3A_779 : vector<16xf32>
        %parallel_loop3A_781 = arith.index_cast %add3A_770 : i32 to index
        %parallel_loop3A_782 = arith.index_cast %parallel_loop3A_773 : i32 to index
        %parallel_loop3A_783 = tpu.vector_load %arg5[%parallel_loop3A_781, %parallel_loop3A_782] {strides = array<i32>} : memref<64x512xf32, #tpu.memory_space<vmem>>, vector<1x16xf32>,
        %parallel_loop3A_784 = vector.shape_cast %parallel_loop3A_783 : vector<1x16xf32> to vector<16xf32>
        %parallel_loop3A_785 = arith.addf %parallel_loop3A_780, %parallel_loop3A_784 : vector<16xf32>
        %parallel_loop3A_786 = arith.index_cast %add3A_770 : i32 to index
        %parallel_loop3A_787 = arith.index_cast %parallel_loop3A_773 : i32 to index
        %parallel_loop3A_788 = tpu.vector_load %arg7[%parallel_loop3A_786, %parallel_loop3A_787] {strides = array<i32>} : memref<64x512xf32, #tpu.memory_space<vmem>>, vector<1x16xf32>,
        %parallel_loop3A_789 = vector.shape_cast %parallel_loop3A_788 : vector<1x16xf32> to vector<16xf32>
        %parallel_loop3A_790 = vector.shape_cast %parallel_loop3A_785 : vector<16xf32> to vector<1x16xf32>
        tpu.vector_store %arg7[%parallel_loop3A_786, %parallel_loop3A_787], %parallel_loop3A_790 {strides = array<i32>} : memref<64x512xf32, #tpu.memory_space<vmem>>, vector<1x16xf32>,
      } {sc.loop_unroll_factor = 8 : i64, sc.parallel_access}
    }
    %scan3A_283 = arith.constant 64 : i32
    %dma_start3A_284 = arith.constant 5 : i32
    %dma_start3A_285 = arith.constant 0 : i32
    %dma_start3A_286 = arith.constant 1 : i32
    %dma_start3A_287 = arith.constant 0 : i32
    %dma_start3A_288 = tpu.memref_slice %arg4[%dma_start3A_284, %dma_start3A_285, %mul3A_2, %dma_start3A_287] : memref<16x1x2048x512xf32, #tpu.memory_space<hbm>> -> memref<1x1x64x512xf32, #tpu.memory_space<hbm>>
    %dma_start3A_289 = tpu.memref_squeeze %dma_start3A_288 : memref<1x1x64x512xf32, #tpu.memory_space<hbm>> -> memref<64x512xf32, #tpu.memory_space<hbm>>
    %dma_start3A_290 = tpu.memref_slice %arg10[%dma_start3A_286] : memref<2x!tpu.dma_semaphore, #tpu.memory_space<semaphore_mem>> -> memref<1x!tpu.dma_semaphore, #tpu.memory_space<semaphore_mem>>
    %dma_start3A_291 = tpu.memref_squeeze %dma_start3A_290 : memref<1x!tpu.dma_semaphore, #tpu.memory_space<semaphore_mem>> -> memref<!tpu.dma_semaphore, #tpu.memory_space<semaphore_mem>>
    %dma_start3A_292 = arith.constant 0 : i32
    %dma_start3A_293 = tpu.memref_slice %arg4[%dma_start3A_284, %dma_start3A_285, %mul3A_2, %dma_start3A_292] : memref<16x1x2048x512xf32, #tpu.memory_space<hbm>> -> memref<1x1x64x512xf32, #tpu.memory_space<hbm>>
    %dma_start3A_294 = tpu.memref_squeeze %dma_start3A_293 : memref<1x1x64x512xf32, #tpu.memory_space<hbm>> -> memref<64x512xf32, #tpu.memory_space<hbm>>
    tpu.enqueue_dma source(%arg7 : memref<64x512xf32, #tpu.memory_space<vmem>>) target(%dma_start3A_294 : memref<64x512xf32, #tpu.memory_space<hbm>>) target_semaphore(%dma_start3A_291 : memref<!tpu.dma_semaphore, #tpu.memory_space<semaphore_mem>>)
    %dma_wait3A_295 = arith.constant 5 : i32
    %dma_wait3A_296 = arith.constant 0 : i32
    %dma_wait3A_297 = arith.constant 1 : i32
    %dma_wait3A_298 = arith.constant 0 : i32
    %dma_wait3A_299 = tpu.memref_slice %arg4[%dma_wait3A_295, %dma_wait3A_296, %mul3A_2, %dma_wait3A_298] : memref<16x1x2048x512xf32, #tpu.memory_space<hbm>> -> memref<1x1x64x512xf32, #tpu.memory_space<hbm>>
    %dma_wait3A_300 = tpu.memref_squeeze %dma_wait3A_299 : memref<1x1x64x512xf32, #tpu.memory_space<hbm>> -> memref<64x512xf32, #tpu.memory_space<hbm>>
    %dma_wait3A_301 = tpu.memref_slice %arg10[%dma_wait3A_297] : memref<2x!tpu.dma_semaphore, #tpu.memory_space<semaphore_mem>> -> memref<1x!tpu.dma_semaphore, #tpu.memory_space<semaphore_mem>>
    %dma_wait3A_302 = tpu.memref_squeeze %dma_wait3A_301 : memref<1x!tpu.dma_semaphore, #tpu.memory_space<semaphore_mem>> -> memref<!tpu.dma_semaphore, #tpu.memory_space<semaphore_mem>>
    %dma_wait3A_303 = arith.constant 0 : i32
    %dma_wait3A_304 = tpu.memref_slice %arg4[%dma_wait3A_295, %dma_wait3A_296, %mul3A_2, %dma_wait3A_303] : memref<16x1x2048x512xf32, #tpu.memory_space<hbm>> -> memref<1x1x64x512xf32, #tpu.memory_space<hbm>>
    %dma_wait3A_305 = tpu.memref_squeeze %dma_wait3A_304 : memref<1x1x64x512xf32, #tpu.memory_space<hbm>> -> memref<64x512xf32, #tpu.memory_space<hbm>>
    tpu.wait_dma2 semaphore(%dma_wait3A_302 : memref<!tpu.dma_semaphore, #tpu.memory_space<semaphore_mem>>) src(%arg7 : memref<64x512xf32, #tpu.memory_space<vmem>>) dst(%dma_wait3A_305 : memref<64x512xf32, #tpu.memory_space<hbm>>)
    %dma_start3A_306 = arith.constant 7 : i32
    %dma_start3A_307 = arith.constant 1 : i32
    %dma_start3A_308 = arith.constant 0 : i32
    %dma_start3A_309 = tpu.memref_slice %arg2[%dma_start3A_306, %mul3A_2, %dma_start3A_308] : memref<16x2048x512xf32, #tpu.memory_space<hbm>> -> memref<1x64x512xf32, #tpu.memory_space<hbm>>
    %dma_start3A_310 = tpu.memref_squeeze %dma_start3A_309 : memref<1x64x512xf32, #tpu.memory_space<hbm>> -> memref<64x512xf32, #tpu.memory_space<hbm>>
    %dma_start3A_311 = tpu.memref_slice %arg9[%dma_start3A_307] : memref<2x!tpu.dma_semaphore, #tpu.memory_space<semaphore_mem>> -> memref<1x!tpu.dma_semaphore, #tpu.memory_space<semaphore_mem>>
    %dma_start3A_312 = tpu.memref_squeeze %dma_start3A_311 : memref<1x!tpu.dma_semaphore, #tpu.memory_space<semaphore_mem>> -> memref<!tpu.dma_semaphore, #tpu.memory_space<semaphore_mem>>
    %dma_start3A_313 = arith.constant 0 : i32
    %dma_start3A_314 = tpu.memref_slice %arg2[%dma_start3A_306, %mul3A_2, %dma_start3A_313] : memref<16x2048x512xf32, #tpu.memory_space<hbm>> -> memref<1x64x512xf32, #tpu.memory_space<hbm>>
    %dma_start3A_315 = tpu.memref_squeeze %dma_start3A_314 : memref<1x64x512xf32, #tpu.memory_space<hbm>> -> memref<64x512xf32, #tpu.memory_space<hbm>>
    tpu.enqueue_dma source(%dma_start3A_315 : memref<64x512xf32, #tpu.memory_space<hbm>>) target(%arg7 : memref<64x512xf32, #tpu.memory_space<vmem>>) target_semaphore(%dma_start3A_312 : memref<!tpu.dma_semaphore, #tpu.memory_space<semaphore_mem>>)
    %dma_wait3A_316 = arith.constant 6 : i32
    %dma_wait3A_317 = arith.constant 0 : i32
    %dma_wait3A_318 = arith.constant 0 : i32
    %dma_wait3A_319 = tpu.memref_slice %arg2[%dma_wait3A_316, %mul3A_2, %dma_wait3A_318] : memref<16x2048x512xf32, #tpu.memory_space<hbm>> -> memref<1x64x512xf32, #tpu.memory_space<hbm>>
    %dma_wait3A_320 = tpu.memref_squeeze %dma_wait3A_319 : memref<1x64x512xf32, #tpu.memory_space<hbm>> -> memref<64x512xf32, #tpu.memory_space<hbm>>
    %dma_wait3A_321 = tpu.memref_slice %arg9[%dma_wait3A_317] : memref<2x!tpu.dma_semaphore, #tpu.memory_space<semaphore_mem>> -> memref<1x!tpu.dma_semaphore, #tpu.memory_space<semaphore_mem>>
    %dma_wait3A_322 = tpu.memref_squeeze %dma_wait3A_321 : memref<1x!tpu.dma_semaphore, #tpu.memory_space<semaphore_mem>> -> memref<!tpu.dma_semaphore, #tpu.memory_space<semaphore_mem>>
    %dma_wait3A_323 = arith.constant 0 : i32
    %dma_wait3A_324 = tpu.memref_slice %arg2[%dma_wait3A_316, %mul3A_2, %dma_wait3A_323] : memref<16x2048x512xf32, #tpu.memory_space<hbm>> -> memref<1x64x512xf32, #tpu.memory_space<hbm>>
    %dma_wait3A_325 = tpu.memref_squeeze %dma_wait3A_324 : memref<1x64x512xf32, #tpu.memory_space<hbm>> -> memref<64x512xf32, #tpu.memory_space<hbm>>
    tpu.wait_dma2 semaphore(%dma_wait3A_322 : memref<!tpu.dma_semaphore, #tpu.memory_space<semaphore_mem>>) src(%dma_wait3A_325 : memref<64x512xf32, #tpu.memory_space<hbm>>) dst(%arg6 : memref<64x512xf32, #tpu.memory_space<vmem>>)
    %scan3A_326 = arith.constant 0 : i32
    %scan3A_327 = arith.constant 64 : i32
    %scan3A_328 = arith.addi %scan3A_326, %scan3A_327 : i32
    %scan3A_329 = arith.constant 1 : i32
    scf.for %scan3A_766 = %scan3A_326 to %scan3A_328 step %scan3A_329  : i32 {
      %mul3A_767 = arith.constant 1 : i32
      %mul3A_768 = arith.muli %scan3A_766, %mul3A_767 : i32
      %add3A_769 = arith.constant 0 : i32
      %add3A_770 = arith.addi %add3A_769, %mul3A_768 : i32
      %parallel_loop3A = arith.constant 0 : i32
      %parallel_loop3A_771 = arith.constant 512 : i32
      %parallel_loop3A_772 = arith.constant 16 : i32
      scf.for %parallel_loop3A_773 = %parallel_loop3A to %parallel_loop3A_771 step %parallel_loop3A_772  : i32 {
        %parallel_loop3A_774 = arith.index_cast %add3A_770 : i32 to index
        %parallel_loop3A_775 = arith.index_cast %parallel_loop3A_773 : i32 to index
        %parallel_loop3A_776 = tpu.vector_load %arg6[%parallel_loop3A_774, %parallel_loop3A_775] {strides = array<i32>} : memref<64x512xf32, #tpu.memory_space<vmem>>, vector<1x16xf32>,
        %parallel_loop3A_777 = vector.shape_cast %parallel_loop3A_776 : vector<1x16xf32> to vector<16xf32>
        %parallel_loop3A_778 = arith.constant 2.000000e+00 : f32
        %parallel_loop3A_779 = vector.broadcast %parallel_loop3A_778 : f32 to vector<16xf32>
        %parallel_loop3A_780 = arith.mulf %parallel_loop3A_777, %parallel_loop3A_779 : vector<16xf32>
        %parallel_loop3A_781 = arith.index_cast %add3A_770 : i32 to index
        %parallel_loop3A_782 = arith.index_cast %parallel_loop3A_773 : i32 to index
        %parallel_loop3A_783 = tpu.vector_load %arg5[%parallel_loop3A_781, %parallel_loop3A_782] {strides = array<i32>} : memref<64x512xf32, #tpu.memory_space<vmem>>, vector<1x16xf32>,
        %parallel_loop3A_784 = vector.shape_cast %parallel_loop3A_783 : vector<1x16xf32> to vector<16xf32>
        %parallel_loop3A_785 = arith.addf %parallel_loop3A_780, %parallel_loop3A_784 : vector<16xf32>
        %parallel_loop3A_786 = arith.index_cast %add3A_770 : i32 to index
        %parallel_loop3A_787 = arith.index_cast %parallel_loop3A_773 : i32 to index
        %parallel_loop3A_788 = tpu.vector_load %arg6[%parallel_loop3A_786, %parallel_loop3A_787] {strides = array<i32>} : memref<64x512xf32, #tpu.memory_space<vmem>>, vector<1x16xf32>,
        %parallel_loop3A_789 = vector.shape_cast %parallel_loop3A_788 : vector<1x16xf32> to vector<16xf32>
        %parallel_loop3A_790 = vector.shape_cast %parallel_loop3A_785 : vector<16xf32> to vector<1x16xf32>
        tpu.vector_store %arg6[%parallel_loop3A_786, %parallel_loop3A_787], %parallel_loop3A_790 {strides = array<i32>} : memref<64x512xf32, #tpu.memory_space<vmem>>, vector<1x16xf32>,
      } {sc.loop_unroll_factor = 8 : i64, sc.parallel_access}
    }
    %scan3A_330 = arith.constant 64 : i32
    %dma_start3A_331 = arith.constant 6 : i32
    %dma_start3A_332 = arith.constant 0 : i32
    %dma_start3A_333 = arith.constant 0 : i32
    %dma_start3A_334 = arith.constant 0 : i32
    %dma_start3A_335 = tpu.memref_slice %arg4[%dma_start3A_331, %dma_start3A_332, %mul3A_2, %dma_start3A_334] : memref<16x1x2048x512xf32, #tpu.memory_space<hbm>> -> memref<1x1x64x512xf32, #tpu.memory_space<hbm>>
    %dma_start3A_336 = tpu.memref_squeeze %dma_start3A_335 : memref<1x1x64x512xf32, #tpu.memory_space<hbm>> -> memref<64x512xf32, #tpu.memory_space<hbm>>
    %dma_start3A_337 = tpu.memref_slice %arg10[%dma_start3A_333] : memref<2x!tpu.dma_semaphore, #tpu.memory_space<semaphore_mem>> -> memref<1x!tpu.dma_semaphore, #tpu.memory_space<semaphore_mem>>
    %dma_start3A_338 = tpu.memref_squeeze %dma_start3A_337 : memref<1x!tpu.dma_semaphore, #tpu.memory_space<semaphore_mem>> -> memref<!tpu.dma_semaphore, #tpu.memory_space<semaphore_mem>>
    %dma_start3A_339 = arith.constant 0 : i32
    %dma_start3A_340 = tpu.memref_slice %arg4[%dma_start3A_331, %dma_start3A_332, %mul3A_2, %dma_start3A_339] : memref<16x1x2048x512xf32, #tpu.memory_space<hbm>> -> memref<1x1x64x512xf32, #tpu.memory_space<hbm>>
    %dma_start3A_341 = tpu.memref_squeeze %dma_start3A_340 : memref<1x1x64x512xf32, #tpu.memory_space<hbm>> -> memref<64x512xf32, #tpu.memory_space<hbm>>
    tpu.enqueue_dma source(%arg6 : memref<64x512xf32, #tpu.memory_space<vmem>>) target(%dma_start3A_341 : memref<64x512xf32, #tpu.memory_space<hbm>>) target_semaphore(%dma_start3A_338 : memref<!tpu.dma_semaphore, #tpu.memory_space<semaphore_mem>>)
    %dma_wait3A_342 = arith.constant 6 : i32
    %dma_wait3A_343 = arith.constant 0 : i32
    %dma_wait3A_344 = arith.constant 0 : i32
    %dma_wait3A_345 = arith.constant 0 : i32
    %dma_wait3A_346 = tpu.memref_slice %arg4[%dma_wait3A_342, %dma_wait3A_343, %mul3A_2, %dma_wait3A_345] : memref<16x1x2048x512xf32, #tpu.memory_space<hbm>> -> memref<1x1x64x512xf32, #tpu.memory_space<hbm>>
    %dma_wait3A_347 = tpu.memref_squeeze %dma_wait3A_346 : memref<1x1x64x512xf32, #tpu.memory_space<hbm>> -> memref<64x512xf32, #tpu.memory_space<hbm>>
    %dma_wait3A_348 = tpu.memref_slice %arg10[%dma_wait3A_344] : memref<2x!tpu.dma_semaphore, #tpu.memory_space<semaphore_mem>> -> memref<1x!tpu.dma_semaphore, #tpu.memory_space<semaphore_mem>>
    %dma_wait3A_349 = tpu.memref_squeeze %dma_wait3A_348 : memref<1x!tpu.dma_semaphore, #tpu.memory_space<semaphore_mem>> -> memref<!tpu.dma_semaphore, #tpu.memory_space<semaphore_mem>>
    %dma_wait3A_350 = arith.constant 0 : i32
    %dma_wait3A_351 = tpu.memref_slice %arg4[%dma_wait3A_342, %dma_wait3A_343, %mul3A_2, %dma_wait3A_350] : memref<16x1x2048x512xf32, #tpu.memory_space<hbm>> -> memref<1x1x64x512xf32, #tpu.memory_space<hbm>>
    %dma_wait3A_352 = tpu.memref_squeeze %dma_wait3A_351 : memref<1x1x64x512xf32, #tpu.memory_space<hbm>> -> memref<64x512xf32, #tpu.memory_space<hbm>>
    tpu.wait_dma2 semaphore(%dma_wait3A_349 : memref<!tpu.dma_semaphore, #tpu.memory_space<semaphore_mem>>) src(%arg6 : memref<64x512xf32, #tpu.memory_space<vmem>>) dst(%dma_wait3A_352 : memref<64x512xf32, #tpu.memory_space<hbm>>)
    %dma_start3A_353 = arith.constant 8 : i32
    %dma_start3A_354 = arith.constant 0 : i32
    %dma_start3A_355 = arith.constant 0 : i32
    %dma_start3A_356 = tpu.memref_slice %arg2[%dma_start3A_353, %mul3A_2, %dma_start3A_355] : memref<16x2048x512xf32, #tpu.memory_space<hbm>> -> memref<1x64x512xf32, #tpu.memory_space<hbm>>
    %dma_start3A_357 = tpu.memref_squeeze %dma_start3A_356 : memref<1x64x512xf32, #tpu.memory_space<hbm>> -> memref<64x512xf32, #tpu.memory_space<hbm>>
    %dma_start3A_358 = tpu.memref_slice %arg9[%dma_start3A_354] : memref<2x!tpu.dma_semaphore, #tpu.memory_space<semaphore_mem>> -> memref<1x!tpu.dma_semaphore, #tpu.memory_space<semaphore_mem>>
    %dma_start3A_359 = tpu.memref_squeeze %dma_start3A_358 : memref<1x!tpu.dma_semaphore, #tpu.memory_space<semaphore_mem>> -> memref<!tpu.dma_semaphore, #tpu.memory_space<semaphore_mem>>
    %dma_start3A_360 = arith.constant 0 : i32
    %dma_start3A_361 = tpu.memref_slice %arg2[%dma_start3A_353, %mul3A_2, %dma_start3A_360] : memref<16x2048x512xf32, #tpu.memory_space<hbm>> -> memref<1x64x512xf32, #tpu.memory_space<hbm>>
    %dma_start3A_362 = tpu.memref_squeeze %dma_start3A_361 : memref<1x64x512xf32, #tpu.memory_space<hbm>> -> memref<64x512xf32, #tpu.memory_space<hbm>>
    tpu.enqueue_dma source(%dma_start3A_362 : memref<64x512xf32, #tpu.memory_space<hbm>>) target(%arg6 : memref<64x512xf32, #tpu.memory_space<vmem>>) target_semaphore(%dma_start3A_359 : memref<!tpu.dma_semaphore, #tpu.memory_space<semaphore_mem>>)
    %dma_wait3A_363 = arith.constant 7 : i32
    %dma_wait3A_364 = arith.constant 1 : i32
    %dma_wait3A_365 = arith.constant 0 : i32
    %dma_wait3A_366 = tpu.memref_slice %arg2[%dma_wait3A_363, %mul3A_2, %dma_wait3A_365] : memref<16x2048x512xf32, #tpu.memory_space<hbm>> -> memref<1x64x512xf32, #tpu.memory_space<hbm>>
    %dma_wait3A_367 = tpu.memref_squeeze %dma_wait3A_366 : memref<1x64x512xf32, #tpu.memory_space<hbm>> -> memref<64x512xf32, #tpu.memory_space<hbm>>
    %dma_wait3A_368 = tpu.memref_slice %arg9[%dma_wait3A_364] : memref<2x!tpu.dma_semaphore, #tpu.memory_space<semaphore_mem>> -> memref<1x!tpu.dma_semaphore, #tpu.memory_space<semaphore_mem>>
    %dma_wait3A_369 = tpu.memref_squeeze %dma_wait3A_368 : memref<1x!tpu.dma_semaphore, #tpu.memory_space<semaphore_mem>> -> memref<!tpu.dma_semaphore, #tpu.memory_space<semaphore_mem>>
    %dma_wait3A_370 = arith.constant 0 : i32
    %dma_wait3A_371 = tpu.memref_slice %arg2[%dma_wait3A_363, %mul3A_2, %dma_wait3A_370] : memref<16x2048x512xf32, #tpu.memory_space<hbm>> -> memref<1x64x512xf32, #tpu.memory_space<hbm>>
    %dma_wait3A_372 = tpu.memref_squeeze %dma_wait3A_371 : memref<1x64x512xf32, #tpu.memory_space<hbm>> -> memref<64x512xf32, #tpu.memory_space<hbm>>
    tpu.wait_dma2 semaphore(%dma_wait3A_369 : memref<!tpu.dma_semaphore, #tpu.memory_space<semaphore_mem>>) src(%dma_wait3A_372 : memref<64x512xf32, #tpu.memory_space<hbm>>) dst(%arg7 : memref<64x512xf32, #tpu.memory_space<vmem>>)
    %scan3A_373 = arith.constant 0 : i32
    %scan3A_374 = arith.constant 64 : i32
    %scan3A_375 = arith.addi %scan3A_373, %scan3A_374 : i32
    %scan3A_376 = arith.constant 1 : i32
    scf.for %scan3A_766 = %scan3A_373 to %scan3A_375 step %scan3A_376  : i32 {
      %mul3A_767 = arith.constant 1 : i32
      %mul3A_768 = arith.muli %scan3A_766, %mul3A_767 : i32
      %add3A_769 = arith.constant 0 : i32
      %add3A_770 = arith.addi %add3A_769, %mul3A_768 : i32
      %parallel_loop3A = arith.constant 0 : i32
      %parallel_loop3A_771 = arith.constant 512 : i32
      %parallel_loop3A_772 = arith.constant 16 : i32
      scf.for %parallel_loop3A_773 = %parallel_loop3A to %parallel_loop3A_771 step %parallel_loop3A_772  : i32 {
        %parallel_loop3A_774 = arith.index_cast %add3A_770 : i32 to index
        %parallel_loop3A_775 = arith.index_cast %parallel_loop3A_773 : i32 to index
        %parallel_loop3A_776 = tpu.vector_load %arg7[%parallel_loop3A_774, %parallel_loop3A_775] {strides = array<i32>} : memref<64x512xf32, #tpu.memory_space<vmem>>, vector<1x16xf32>,
        %parallel_loop3A_777 = vector.shape_cast %parallel_loop3A_776 : vector<1x16xf32> to vector<16xf32>
        %parallel_loop3A_778 = arith.constant 2.000000e+00 : f32
        %parallel_loop3A_779 = vector.broadcast %parallel_loop3A_778 : f32 to vector<16xf32>
        %parallel_loop3A_780 = arith.mulf %parallel_loop3A_777, %parallel_loop3A_779 : vector<16xf32>
        %parallel_loop3A_781 = arith.index_cast %add3A_770 : i32 to index
        %parallel_loop3A_782 = arith.index_cast %parallel_loop3A_773 : i32 to index
        %parallel_loop3A_783 = tpu.vector_load %arg5[%parallel_loop3A_781, %parallel_loop3A_782] {strides = array<i32>} : memref<64x512xf32, #tpu.memory_space<vmem>>, vector<1x16xf32>,
        %parallel_loop3A_784 = vector.shape_cast %parallel_loop3A_783 : vector<1x16xf32> to vector<16xf32>
        %parallel_loop3A_785 = arith.addf %parallel_loop3A_780, %parallel_loop3A_784 : vector<16xf32>
        %parallel_loop3A_786 = arith.index_cast %add3A_770 : i32 to index
        %parallel_loop3A_787 = arith.index_cast %parallel_loop3A_773 : i32 to index
        %parallel_loop3A_788 = tpu.vector_load %arg7[%parallel_loop3A_786, %parallel_loop3A_787] {strides = array<i32>} : memref<64x512xf32, #tpu.memory_space<vmem>>, vector<1x16xf32>,
        %parallel_loop3A_789 = vector.shape_cast %parallel_loop3A_788 : vector<1x16xf32> to vector<16xf32>
        %parallel_loop3A_790 = vector.shape_cast %parallel_loop3A_785 : vector<16xf32> to vector<1x16xf32>
        tpu.vector_store %arg7[%parallel_loop3A_786, %parallel_loop3A_787], %parallel_loop3A_790 {strides = array<i32>} : memref<64x512xf32, #tpu.memory_space<vmem>>, vector<1x16xf32>,
      } {sc.loop_unroll_factor = 8 : i64, sc.parallel_access}
    }
    %scan3A_377 = arith.constant 64 : i32
    %dma_start3A_378 = arith.constant 7 : i32
    %dma_start3A_379 = arith.constant 0 : i32
    %dma_start3A_380 = arith.constant 1 : i32
    %dma_start3A_381 = arith.constant 0 : i32
    %dma_start3A_382 = tpu.memref_slice %arg4[%dma_start3A_378, %dma_start3A_379, %mul3A_2, %dma_start3A_381] : memref<16x1x2048x512xf32, #tpu.memory_space<hbm>> -> memref<1x1x64x512xf32, #tpu.memory_space<hbm>>
    %dma_start3A_383 = tpu.memref_squeeze %dma_start3A_382 : memref<1x1x64x512xf32, #tpu.memory_space<hbm>> -> memref<64x512xf32, #tpu.memory_space<hbm>>
    %dma_start3A_384 = tpu.memref_slice %arg10[%dma_start3A_380] : memref<2x!tpu.dma_semaphore, #tpu.memory_space<semaphore_mem>> -> memref<1x!tpu.dma_semaphore, #tpu.memory_space<semaphore_mem>>
    %dma_start3A_385 = tpu.memref_squeeze %dma_start3A_384 : memref<1x!tpu.dma_semaphore, #tpu.memory_space<semaphore_mem>> -> memref<!tpu.dma_semaphore, #tpu.memory_space<semaphore_mem>>
    %dma_start3A_386 = arith.constant 0 : i32
    %dma_start3A_387 = tpu.memref_slice %arg4[%dma_start3A_378, %dma_start3A_379, %mul3A_2, %dma_start3A_386] : memref<16x1x2048x512xf32, #tpu.memory_space<hbm>> -> memref<1x1x64x512xf32, #tpu.memory_space<hbm>>
    %dma_start3A_388 = tpu.memref_squeeze %dma_start3A_387 : memref<1x1x64x512xf32, #tpu.memory_space<hbm>> -> memref<64x512xf32, #tpu.memory_space<hbm>>
    tpu.enqueue_dma source(%arg7 : memref<64x512xf32, #tpu.memory_space<vmem>>) target(%dma_start3A_388 : memref<64x512xf32, #tpu.memory_space<hbm>>) target_semaphore(%dma_start3A_385 : memref<!tpu.dma_semaphore, #tpu.memory_space<semaphore_mem>>)
    %dma_wait3A_389 = arith.constant 7 : i32
    %dma_wait3A_390 = arith.constant 0 : i32
    %dma_wait3A_391 = arith.constant 1 : i32
    %dma_wait3A_392 = arith.constant 0 : i32
    %dma_wait3A_393 = tpu.memref_slice %arg4[%dma_wait3A_389, %dma_wait3A_390, %mul3A_2, %dma_wait3A_392] : memref<16x1x2048x512xf32, #tpu.memory_space<hbm>> -> memref<1x1x64x512xf32, #tpu.memory_space<hbm>>
    %dma_wait3A_394 = tpu.memref_squeeze %dma_wait3A_393 : memref<1x1x64x512xf32, #tpu.memory_space<hbm>> -> memref<64x512xf32, #tpu.memory_space<hbm>>
    %dma_wait3A_395 = tpu.memref_slice %arg10[%dma_wait3A_391] : memref<2x!tpu.dma_semaphore, #tpu.memory_space<semaphore_mem>> -> memref<1x!tpu.dma_semaphore, #tpu.memory_space<semaphore_mem>>
    %dma_wait3A_396 = tpu.memref_squeeze %dma_wait3A_395 : memref<1x!tpu.dma_semaphore, #tpu.memory_space<semaphore_mem>> -> memref<!tpu.dma_semaphore, #tpu.memory_space<semaphore_mem>>
    %dma_wait3A_397 = arith.constant 0 : i32
    %dma_wait3A_398 = tpu.memref_slice %arg4[%dma_wait3A_389, %dma_wait3A_390, %mul3A_2, %dma_wait3A_397] : memref<16x1x2048x512xf32, #tpu.memory_space<hbm>> -> memref<1x1x64x512xf32, #tpu.memory_space<hbm>>
    %dma_wait3A_399 = tpu.memref_squeeze %dma_wait3A_398 : memref<1x1x64x512xf32, #tpu.memory_space<hbm>> -> memref<64x512xf32, #tpu.memory_space<hbm>>
    tpu.wait_dma2 semaphore(%dma_wait3A_396 : memref<!tpu.dma_semaphore, #tpu.memory_space<semaphore_mem>>) src(%arg7 : memref<64x512xf32, #tpu.memory_space<vmem>>) dst(%dma_wait3A_399 : memref<64x512xf32, #tpu.memory_space<hbm>>)
    %dma_start3A_400 = arith.constant 9 : i32
    %dma_start3A_401 = arith.constant 1 : i32
    %dma_start3A_402 = arith.constant 0 : i32
    %dma_start3A_403 = tpu.memref_slice %arg2[%dma_start3A_400, %mul3A_2, %dma_start3A_402] : memref<16x2048x512xf32, #tpu.memory_space<hbm>> -> memref<1x64x512xf32, #tpu.memory_space<hbm>>
    %dma_start3A_404 = tpu.memref_squeeze %dma_start3A_403 : memref<1x64x512xf32, #tpu.memory_space<hbm>> -> memref<64x512xf32, #tpu.memory_space<hbm>>
    %dma_start3A_405 = tpu.memref_slice %arg9[%dma_start3A_401] : memref<2x!tpu.dma_semaphore, #tpu.memory_space<semaphore_mem>> -> memref<1x!tpu.dma_semaphore, #tpu.memory_space<semaphore_mem>>
    %dma_start3A_406 = tpu.memref_squeeze %dma_start3A_405 : memref<1x!tpu.dma_semaphore, #tpu.memory_space<semaphore_mem>> -> memref<!tpu.dma_semaphore, #tpu.memory_space<semaphore_mem>>
    %dma_start3A_407 = arith.constant 0 : i32
    %dma_start3A_408 = tpu.memref_slice %arg2[%dma_start3A_400, %mul3A_2, %dma_start3A_407] : memref<16x2048x512xf32, #tpu.memory_space<hbm>> -> memref<1x64x512xf32, #tpu.memory_space<hbm>>
    %dma_start3A_409 = tpu.memref_squeeze %dma_start3A_408 : memref<1x64x512xf32, #tpu.memory_space<hbm>> -> memref<64x512xf32, #tpu.memory_space<hbm>>
    tpu.enqueue_dma source(%dma_start3A_409 : memref<64x512xf32, #tpu.memory_space<hbm>>) target(%arg7 : memref<64x512xf32, #tpu.memory_space<vmem>>) target_semaphore(%dma_start3A_406 : memref<!tpu.dma_semaphore, #tpu.memory_space<semaphore_mem>>)
    %dma_wait3A_410 = arith.constant 8 : i32
    %dma_wait3A_411 = arith.constant 0 : i32
    %dma_wait3A_412 = arith.constant 0 : i32
    %dma_wait3A_413 = tpu.memref_slice %arg2[%dma_wait3A_410, %mul3A_2, %dma_wait3A_412] : memref<16x2048x512xf32, #tpu.memory_space<hbm>> -> memref<1x64x512xf32, #tpu.memory_space<hbm>>
    %dma_wait3A_414 = tpu.memref_squeeze %dma_wait3A_413 : memref<1x64x512xf32, #tpu.memory_space<hbm>> -> memref<64x512xf32, #tpu.memory_space<hbm>>
    %dma_wait3A_415 = tpu.memref_slice %arg9[%dma_wait3A_411] : memref<2x!tpu.dma_semaphore, #tpu.memory_space<semaphore_mem>> -> memref<1x!tpu.dma_semaphore, #tpu.memory_space<semaphore_mem>>
    %dma_wait3A_416 = tpu.memref_squeeze %dma_wait3A_415 : memref<1x!tpu.dma_semaphore, #tpu.memory_space<semaphore_mem>> -> memref<!tpu.dma_semaphore, #tpu.memory_space<semaphore_mem>>
    %dma_wait3A_417 = arith.constant 0 : i32
    %dma_wait3A_418 = tpu.memref_slice %arg2[%dma_wait3A_410, %mul3A_2, %dma_wait3A_417] : memref<16x2048x512xf32, #tpu.memory_space<hbm>> -> memref<1x64x512xf32, #tpu.memory_space<hbm>>
    %dma_wait3A_419 = tpu.memref_squeeze %dma_wait3A_418 : memref<1x64x512xf32, #tpu.memory_space<hbm>> -> memref<64x512xf32, #tpu.memory_space<hbm>>
    tpu.wait_dma2 semaphore(%dma_wait3A_416 : memref<!tpu.dma_semaphore, #tpu.memory_space<semaphore_mem>>) src(%dma_wait3A_419 : memref<64x512xf32, #tpu.memory_space<hbm>>) dst(%arg6 : memref<64x512xf32, #tpu.memory_space<vmem>>)
    %scan3A_420 = arith.constant 0 : i32
    %scan3A_421 = arith.constant 64 : i32
    %scan3A_422 = arith.addi %scan3A_420, %scan3A_421 : i32
    %scan3A_423 = arith.constant 1 : i32
    scf.for %scan3A_766 = %scan3A_420 to %scan3A_422 step %scan3A_423  : i32 {
      %mul3A_767 = arith.constant 1 : i32
      %mul3A_768 = arith.muli %scan3A_766, %mul3A_767 : i32
      %add3A_769 = arith.constant 0 : i32
      %add3A_770 = arith.addi %add3A_769, %mul3A_768 : i32
      %parallel_loop3A = arith.constant 0 : i32
      %parallel_loop3A_771 = arith.constant 512 : i32
      %parallel_loop3A_772 = arith.constant 16 : i32
      scf.for %parallel_loop3A_773 = %parallel_loop3A to %parallel_loop3A_771 step %parallel_loop3A_772  : i32 {
        %parallel_loop3A_774 = arith.index_cast %add3A_770 : i32 to index
        %parallel_loop3A_775 = arith.index_cast %parallel_loop3A_773 : i32 to index
        %parallel_loop3A_776 = tpu.vector_load %arg6[%parallel_loop3A_774, %parallel_loop3A_775] {strides = array<i32>} : memref<64x512xf32, #tpu.memory_space<vmem>>, vector<1x16xf32>,
        %parallel_loop3A_777 = vector.shape_cast %parallel_loop3A_776 : vector<1x16xf32> to vector<16xf32>
        %parallel_loop3A_778 = arith.constant 2.000000e+00 : f32
        %parallel_loop3A_779 = vector.broadcast %parallel_loop3A_778 : f32 to vector<16xf32>
        %parallel_loop3A_780 = arith.mulf %parallel_loop3A_777, %parallel_loop3A_779 : vector<16xf32>
        %parallel_loop3A_781 = arith.index_cast %add3A_770 : i32 to index
        %parallel_loop3A_782 = arith.index_cast %parallel_loop3A_773 : i32 to index
        %parallel_loop3A_783 = tpu.vector_load %arg5[%parallel_loop3A_781, %parallel_loop3A_782] {strides = array<i32>} : memref<64x512xf32, #tpu.memory_space<vmem>>, vector<1x16xf32>,
        %parallel_loop3A_784 = vector.shape_cast %parallel_loop3A_783 : vector<1x16xf32> to vector<16xf32>
        %parallel_loop3A_785 = arith.addf %parallel_loop3A_780, %parallel_loop3A_784 : vector<16xf32>
        %parallel_loop3A_786 = arith.index_cast %add3A_770 : i32 to index
        %parallel_loop3A_787 = arith.index_cast %parallel_loop3A_773 : i32 to index
        %parallel_loop3A_788 = tpu.vector_load %arg6[%parallel_loop3A_786, %parallel_loop3A_787] {strides = array<i32>} : memref<64x512xf32, #tpu.memory_space<vmem>>, vector<1x16xf32>,
        %parallel_loop3A_789 = vector.shape_cast %parallel_loop3A_788 : vector<1x16xf32> to vector<16xf32>
        %parallel_loop3A_790 = vector.shape_cast %parallel_loop3A_785 : vector<16xf32> to vector<1x16xf32>
        tpu.vector_store %arg6[%parallel_loop3A_786, %parallel_loop3A_787], %parallel_loop3A_790 {strides = array<i32>} : memref<64x512xf32, #tpu.memory_space<vmem>>, vector<1x16xf32>,
      } {sc.loop_unroll_factor = 8 : i64, sc.parallel_access}
    }
    %scan3A_424 = arith.constant 64 : i32
    %dma_start3A_425 = arith.constant 8 : i32
    %dma_start3A_426 = arith.constant 0 : i32
    %dma_start3A_427 = arith.constant 0 : i32
    %dma_start3A_428 = arith.constant 0 : i32
    %dma_start3A_429 = tpu.memref_slice %arg4[%dma_start3A_425, %dma_start3A_426, %mul3A_2, %dma_start3A_428] : memref<16x1x2048x512xf32, #tpu.memory_space<hbm>> -> memref<1x1x64x512xf32, #tpu.memory_space<hbm>>
    %dma_start3A_430 = tpu.memref_squeeze %dma_start3A_429 : memref<1x1x64x512xf32, #tpu.memory_space<hbm>> -> memref<64x512xf32, #tpu.memory_space<hbm>>
    %dma_start3A_431 = tpu.memref_slice %arg10[%dma_start3A_427] : memref<2x!tpu.dma_semaphore, #tpu.memory_space<semaphore_mem>> -> memref<1x!tpu.dma_semaphore, #tpu.memory_space<semaphore_mem>>
    %dma_start3A_432 = tpu.memref_squeeze %dma_start3A_431 : memref<1x!tpu.dma_semaphore, #tpu.memory_space<semaphore_mem>> -> memref<!tpu.dma_semaphore, #tpu.memory_space<semaphore_mem>>
    %dma_start3A_433 = arith.constant 0 : i32
    %dma_start3A_434 = tpu.memref_slice %arg4[%dma_start3A_425, %dma_start3A_426, %mul3A_2, %dma_start3A_433] : memref<16x1x2048x512xf32, #tpu.memory_space<hbm>> -> memref<1x1x64x512xf32, #tpu.memory_space<hbm>>
    %dma_start3A_435 = tpu.memref_squeeze %dma_start3A_434 : memref<1x1x64x512xf32, #tpu.memory_space<hbm>> -> memref<64x512xf32, #tpu.memory_space<hbm>>
    tpu.enqueue_dma source(%arg6 : memref<64x512xf32, #tpu.memory_space<vmem>>) target(%dma_start3A_435 : memref<64x512xf32, #tpu.memory_space<hbm>>) target_semaphore(%dma_start3A_432 : memref<!tpu.dma_semaphore, #tpu.memory_space<semaphore_mem>>)
    %dma_wait3A_436 = arith.constant 8 : i32
    %dma_wait3A_437 = arith.constant 0 : i32
    %dma_wait3A_438 = arith.constant 0 : i32
    %dma_wait3A_439 = arith.constant 0 : i32
    %dma_wait3A_440 = tpu.memref_slice %arg4[%dma_wait3A_436, %dma_wait3A_437, %mul3A_2, %dma_wait3A_439] : memref<16x1x2048x512xf32, #tpu.memory_space<hbm>> -> memref<1x1x64x512xf32, #tpu.memory_space<hbm>>
    %dma_wait3A_441 = tpu.memref_squeeze %dma_wait3A_440 : memref<1x1x64x512xf32, #tpu.memory_space<hbm>> -> memref<64x512xf32, #tpu.memory_space<hbm>>
    %dma_wait3A_442 = tpu.memref_slice %arg10[%dma_wait3A_438] : memref<2x!tpu.dma_semaphore, #tpu.memory_space<semaphore_mem>> -> memref<1x!tpu.dma_semaphore, #tpu.memory_space<semaphore_mem>>
    %dma_wait3A_443 = tpu.memref_squeeze %dma_wait3A_442 : memref<1x!tpu.dma_semaphore, #tpu.memory_space<semaphore_mem>> -> memref<!tpu.dma_semaphore, #tpu.memory_space<semaphore_mem>>
    %dma_wait3A_444 = arith.constant 0 : i32
    %dma_wait3A_445 = tpu.memref_slice %arg4[%dma_wait3A_436, %dma_wait3A_437, %mul3A_2, %dma_wait3A_444] : memref<16x1x2048x512xf32, #tpu.memory_space<hbm>> -> memref<1x1x64x512xf32, #tpu.memory_space<hbm>>
    %dma_wait3A_446 = tpu.memref_squeeze %dma_wait3A_445 : memref<1x1x64x512xf32, #tpu.memory_space<hbm>> -> memref<64x512xf32, #tpu.memory_space<hbm>>
    tpu.wait_dma2 semaphore(%dma_wait3A_443 : memref<!tpu.dma_semaphore, #tpu.memory_space<semaphore_mem>>) src(%arg6 : memref<64x512xf32, #tpu.memory_space<vmem>>) dst(%dma_wait3A_446 : memref<64x512xf32, #tpu.memory_space<hbm>>)
    %dma_start3A_447 = arith.constant 10 : i32
    %dma_start3A_448 = arith.constant 0 : i32
    %dma_start3A_449 = arith.constant 0 : i32
    %dma_start3A_450 = tpu.memref_slice %arg2[%dma_start3A_447, %mul3A_2, %dma_start3A_449] : memref<16x2048x512xf32, #tpu.memory_space<hbm>> -> memref<1x64x512xf32, #tpu.memory_space<hbm>>
    %dma_start3A_451 = tpu.memref_squeeze %dma_start3A_450 : memref<1x64x512xf32, #tpu.memory_space<hbm>> -> memref<64x512xf32, #tpu.memory_space<hbm>>
    %dma_start3A_452 = tpu.memref_slice %arg9[%dma_start3A_448] : memref<2x!tpu.dma_semaphore, #tpu.memory_space<semaphore_mem>> -> memref<1x!tpu.dma_semaphore, #tpu.memory_space<semaphore_mem>>
    %dma_start3A_453 = tpu.memref_squeeze %dma_start3A_452 : memref<1x!tpu.dma_semaphore, #tpu.memory_space<semaphore_mem>> -> memref<!tpu.dma_semaphore, #tpu.memory_space<semaphore_mem>>
    %dma_start3A_454 = arith.constant 0 : i32
    %dma_start3A_455 = tpu.memref_slice %arg2[%dma_start3A_447, %mul3A_2, %dma_start3A_454] : memref<16x2048x512xf32, #tpu.memory_space<hbm>> -> memref<1x64x512xf32, #tpu.memory_space<hbm>>
    %dma_start3A_456 = tpu.memref_squeeze %dma_start3A_455 : memref<1x64x512xf32, #tpu.memory_space<hbm>> -> memref<64x512xf32, #tpu.memory_space<hbm>>
    tpu.enqueue_dma source(%dma_start3A_456 : memref<64x512xf32, #tpu.memory_space<hbm>>) target(%arg6 : memref<64x512xf32, #tpu.memory_space<vmem>>) target_semaphore(%dma_start3A_453 : memref<!tpu.dma_semaphore, #tpu.memory_space<semaphore_mem>>)
    %dma_wait3A_457 = arith.constant 9 : i32
    %dma_wait3A_458 = arith.constant 1 : i32
    %dma_wait3A_459 = arith.constant 0 : i32
    %dma_wait3A_460 = tpu.memref_slice %arg2[%dma_wait3A_457, %mul3A_2, %dma_wait3A_459] : memref<16x2048x512xf32, #tpu.memory_space<hbm>> -> memref<1x64x512xf32, #tpu.memory_space<hbm>>
    %dma_wait3A_461 = tpu.memref_squeeze %dma_wait3A_460 : memref<1x64x512xf32, #tpu.memory_space<hbm>> -> memref<64x512xf32, #tpu.memory_space<hbm>>
    %dma_wait3A_462 = tpu.memref_slice %arg9[%dma_wait3A_458] : memref<2x!tpu.dma_semaphore, #tpu.memory_space<semaphore_mem>> -> memref<1x!tpu.dma_semaphore, #tpu.memory_space<semaphore_mem>>
    %dma_wait3A_463 = tpu.memref_squeeze %dma_wait3A_462 : memref<1x!tpu.dma_semaphore, #tpu.memory_space<semaphore_mem>> -> memref<!tpu.dma_semaphore, #tpu.memory_space<semaphore_mem>>
    %dma_wait3A_464 = arith.constant 0 : i32
    %dma_wait3A_465 = tpu.memref_slice %arg2[%dma_wait3A_457, %mul3A_2, %dma_wait3A_464] : memref<16x2048x512xf32, #tpu.memory_space<hbm>> -> memref<1x64x512xf32, #tpu.memory_space<hbm>>
    %dma_wait3A_466 = tpu.memref_squeeze %dma_wait3A_465 : memref<1x64x512xf32, #tpu.memory_space<hbm>> -> memref<64x512xf32, #tpu.memory_space<hbm>>
    tpu.wait_dma2 semaphore(%dma_wait3A_463 : memref<!tpu.dma_semaphore, #tpu.memory_space<semaphore_mem>>) src(%dma_wait3A_466 : memref<64x512xf32, #tpu.memory_space<hbm>>) dst(%arg7 : memref<64x512xf32, #tpu.memory_space<vmem>>)
    %scan3A_467 = arith.constant 0 : i32
    %scan3A_468 = arith.constant 64 : i32
    %scan3A_469 = arith.addi %scan3A_467, %scan3A_468 : i32
    %scan3A_470 = arith.constant 1 : i32
    scf.for %scan3A_766 = %scan3A_467 to %scan3A_469 step %scan3A_470  : i32 {
      %mul3A_767 = arith.constant 1 : i32
      %mul3A_768 = arith.muli %scan3A_766, %mul3A_767 : i32
      %add3A_769 = arith.constant 0 : i32
      %add3A_770 = arith.addi %add3A_769, %mul3A_768 : i32
      %parallel_loop3A = arith.constant 0 : i32
      %parallel_loop3A_771 = arith.constant 512 : i32
      %parallel_loop3A_772 = arith.constant 16 : i32
      scf.for %parallel_loop3A_773 = %parallel_loop3A to %parallel_loop3A_771 step %parallel_loop3A_772  : i32 {
        %parallel_loop3A_774 = arith.index_cast %add3A_770 : i32 to index
        %parallel_loop3A_775 = arith.index_cast %parallel_loop3A_773 : i32 to index
        %parallel_loop3A_776 = tpu.vector_load %arg7[%parallel_loop3A_774, %parallel_loop3A_775] {strides = array<i32>} : memref<64x512xf32, #tpu.memory_space<vmem>>, vector<1x16xf32>,
        %parallel_loop3A_777 = vector.shape_cast %parallel_loop3A_776 : vector<1x16xf32> to vector<16xf32>
        %parallel_loop3A_778 = arith.constant 2.000000e+00 : f32
        %parallel_loop3A_779 = vector.broadcast %parallel_loop3A_778 : f32 to vector<16xf32>
        %parallel_loop3A_780 = arith.mulf %parallel_loop3A_777, %parallel_loop3A_779 : vector<16xf32>
        %parallel_loop3A_781 = arith.index_cast %add3A_770 : i32 to index
        %parallel_loop3A_782 = arith.index_cast %parallel_loop3A_773 : i32 to index
        %parallel_loop3A_783 = tpu.vector_load %arg5[%parallel_loop3A_781, %parallel_loop3A_782] {strides = array<i32>} : memref<64x512xf32, #tpu.memory_space<vmem>>, vector<1x16xf32>,
        %parallel_loop3A_784 = vector.shape_cast %parallel_loop3A_783 : vector<1x16xf32> to vector<16xf32>
        %parallel_loop3A_785 = arith.addf %parallel_loop3A_780, %parallel_loop3A_784 : vector<16xf32>
        %parallel_loop3A_786 = arith.index_cast %add3A_770 : i32 to index
        %parallel_loop3A_787 = arith.index_cast %parallel_loop3A_773 : i32 to index
        %parallel_loop3A_788 = tpu.vector_load %arg7[%parallel_loop3A_786, %parallel_loop3A_787] {strides = array<i32>} : memref<64x512xf32, #tpu.memory_space<vmem>>, vector<1x16xf32>,
        %parallel_loop3A_789 = vector.shape_cast %parallel_loop3A_788 : vector<1x16xf32> to vector<16xf32>
        %parallel_loop3A_790 = vector.shape_cast %parallel_loop3A_785 : vector<16xf32> to vector<1x16xf32>
        tpu.vector_store %arg7[%parallel_loop3A_786, %parallel_loop3A_787], %parallel_loop3A_790 {strides = array<i32>} : memref<64x512xf32, #tpu.memory_space<vmem>>, vector<1x16xf32>,
      } {sc.loop_unroll_factor = 8 : i64, sc.parallel_access}
    }
    %scan3A_471 = arith.constant 64 : i32
    %dma_start3A_472 = arith.constant 9 : i32
    %dma_start3A_473 = arith.constant 0 : i32
    %dma_start3A_474 = arith.constant 1 : i32
    %dma_start3A_475 = arith.constant 0 : i32
    %dma_start3A_476 = tpu.memref_slice %arg4[%dma_start3A_472, %dma_start3A_473, %mul3A_2, %dma_start3A_475] : memref<16x1x2048x512xf32, #tpu.memory_space<hbm>> -> memref<1x1x64x512xf32, #tpu.memory_space<hbm>>
    %dma_start3A_477 = tpu.memref_squeeze %dma_start3A_476 : memref<1x1x64x512xf32, #tpu.memory_space<hbm>> -> memref<64x512xf32, #tpu.memory_space<hbm>>
    %dma_start3A_478 = tpu.memref_slice %arg10[%dma_start3A_474] : memref<2x!tpu.dma_semaphore, #tpu.memory_space<semaphore_mem>> -> memref<1x!tpu.dma_semaphore, #tpu.memory_space<semaphore_mem>>
    %dma_start3A_479 = tpu.memref_squeeze %dma_start3A_478 : memref<1x!tpu.dma_semaphore, #tpu.memory_space<semaphore_mem>> -> memref<!tpu.dma_semaphore, #tpu.memory_space<semaphore_mem>>
    %dma_start3A_480 = arith.constant 0 : i32
    %dma_start3A_481 = tpu.memref_slice %arg4[%dma_start3A_472, %dma_start3A_473, %mul3A_2, %dma_start3A_480] : memref<16x1x2048x512xf32, #tpu.memory_space<hbm>> -> memref<1x1x64x512xf32, #tpu.memory_space<hbm>>
    %dma_start3A_482 = tpu.memref_squeeze %dma_start3A_481 : memref<1x1x64x512xf32, #tpu.memory_space<hbm>> -> memref<64x512xf32, #tpu.memory_space<hbm>>
    tpu.enqueue_dma source(%arg7 : memref<64x512xf32, #tpu.memory_space<vmem>>) target(%dma_start3A_482 : memref<64x512xf32, #tpu.memory_space<hbm>>) target_semaphore(%dma_start3A_479 : memref<!tpu.dma_semaphore, #tpu.memory_space<semaphore_mem>>)
    %dma_wait3A_483 = arith.constant 9 : i32
    %dma_wait3A_484 = arith.constant 0 : i32
    %dma_wait3A_485 = arith.constant 1 : i32
    %dma_wait3A_486 = arith.constant 0 : i32
    %dma_wait3A_487 = tpu.memref_slice %arg4[%dma_wait3A_483, %dma_wait3A_484, %mul3A_2, %dma_wait3A_486] : memref<16x1x2048x512xf32, #tpu.memory_space<hbm>> -> memref<1x1x64x512xf32, #tpu.memory_space<hbm>>
    %dma_wait3A_488 = tpu.memref_squeeze %dma_wait3A_487 : memref<1x1x64x512xf32, #tpu.memory_space<hbm>> -> memref<64x512xf32, #tpu.memory_space<hbm>>
    %dma_wait3A_489 = tpu.memref_slice %arg10[%dma_wait3A_485] : memref<2x!tpu.dma_semaphore, #tpu.memory_space<semaphore_mem>> -> memref<1x!tpu.dma_semaphore, #tpu.memory_space<semaphore_mem>>
    %dma_wait3A_490 = tpu.memref_squeeze %dma_wait3A_489 : memref<1x!tpu.dma_semaphore, #tpu.memory_space<semaphore_mem>> -> memref<!tpu.dma_semaphore, #tpu.memory_space<semaphore_mem>>
    %dma_wait3A_491 = arith.constant 0 : i32
    %dma_wait3A_492 = tpu.memref_slice %arg4[%dma_wait3A_483, %dma_wait3A_484, %mul3A_2, %dma_wait3A_491] : memref<16x1x2048x512xf32, #tpu.memory_space<hbm>> -> memref<1x1x64x512xf32, #tpu.memory_space<hbm>>
    %dma_wait3A_493 = tpu.memref_squeeze %dma_wait3A_492 : memref<1x1x64x512xf32, #tpu.memory_space<hbm>> -> memref<64x512xf32, #tpu.memory_space<hbm>>
    tpu.wait_dma2 semaphore(%dma_wait3A_490 : memref<!tpu.dma_semaphore, #tpu.memory_space<semaphore_mem>>) src(%arg7 : memref<64x512xf32, #tpu.memory_space<vmem>>) dst(%dma_wait3A_493 : memref<64x512xf32, #tpu.memory_space<hbm>>)
    %dma_start3A_494 = arith.constant 11 : i32
    %dma_start3A_495 = arith.constant 1 : i32
    %dma_start3A_496 = arith.constant 0 : i32
    %dma_start3A_497 = tpu.memref_slice %arg2[%dma_start3A_494, %mul3A_2, %dma_start3A_496] : memref<16x2048x512xf32, #tpu.memory_space<hbm>> -> memref<1x64x512xf32, #tpu.memory_space<hbm>>
    %dma_start3A_498 = tpu.memref_squeeze %dma_start3A_497 : memref<1x64x512xf32, #tpu.memory_space<hbm>> -> memref<64x512xf32, #tpu.memory_space<hbm>>
    %dma_start3A_499 = tpu.memref_slice %arg9[%dma_start3A_495] : memref<2x!tpu.dma_semaphore, #tpu.memory_space<semaphore_mem>> -> memref<1x!tpu.dma_semaphore, #tpu.memory_space<semaphore_mem>>
    %dma_start3A_500 = tpu.memref_squeeze %dma_start3A_499 : memref<1x!tpu.dma_semaphore, #tpu.memory_space<semaphore_mem>> -> memref<!tpu.dma_semaphore, #tpu.memory_space<semaphore_mem>>
    %dma_start3A_501 = arith.constant 0 : i32
    %dma_start3A_502 = tpu.memref_slice %arg2[%dma_start3A_494, %mul3A_2, %dma_start3A_501] : memref<16x2048x512xf32, #tpu.memory_space<hbm>> -> memref<1x64x512xf32, #tpu.memory_space<hbm>>
    %dma_start3A_503 = tpu.memref_squeeze %dma_start3A_502 : memref<1x64x512xf32, #tpu.memory_space<hbm>> -> memref<64x512xf32, #tpu.memory_space<hbm>>
    tpu.enqueue_dma source(%dma_start3A_503 : memref<64x512xf32, #tpu.memory_space<hbm>>) target(%arg7 : memref<64x512xf32, #tpu.memory_space<vmem>>) target_semaphore(%dma_start3A_500 : memref<!tpu.dma_semaphore, #tpu.memory_space<semaphore_mem>>)
    %dma_wait3A_504 = arith.constant 10 : i32
    %dma_wait3A_505 = arith.constant 0 : i32
    %dma_wait3A_506 = arith.constant 0 : i32
    %dma_wait3A_507 = tpu.memref_slice %arg2[%dma_wait3A_504, %mul3A_2, %dma_wait3A_506] : memref<16x2048x512xf32, #tpu.memory_space<hbm>> -> memref<1x64x512xf32, #tpu.memory_space<hbm>>
    %dma_wait3A_508 = tpu.memref_squeeze %dma_wait3A_507 : memref<1x64x512xf32, #tpu.memory_space<hbm>> -> memref<64x512xf32, #tpu.memory_space<hbm>>
    %dma_wait3A_509 = tpu.memref_slice %arg9[%dma_wait3A_505] : memref<2x!tpu.dma_semaphore, #tpu.memory_space<semaphore_mem>> -> memref<1x!tpu.dma_semaphore, #tpu.memory_space<semaphore_mem>>
    %dma_wait3A_510 = tpu.memref_squeeze %dma_wait3A_509 : memref<1x!tpu.dma_semaphore, #tpu.memory_space<semaphore_mem>> -> memref<!tpu.dma_semaphore, #tpu.memory_space<semaphore_mem>>
    %dma_wait3A_511 = arith.constant 0 : i32
    %dma_wait3A_512 = tpu.memref_slice %arg2[%dma_wait3A_504, %mul3A_2, %dma_wait3A_511] : memref<16x2048x512xf32, #tpu.memory_space<hbm>> -> memref<1x64x512xf32, #tpu.memory_space<hbm>>
    %dma_wait3A_513 = tpu.memref_squeeze %dma_wait3A_512 : memref<1x64x512xf32, #tpu.memory_space<hbm>> -> memref<64x512xf32, #tpu.memory_space<hbm>>
    tpu.wait_dma2 semaphore(%dma_wait3A_510 : memref<!tpu.dma_semaphore, #tpu.memory_space<semaphore_mem>>) src(%dma_wait3A_513 : memref<64x512xf32, #tpu.memory_space<hbm>>) dst(%arg6 : memref<64x512xf32, #tpu.memory_space<vmem>>)
    %scan3A_514 = arith.constant 0 : i32
    %scan3A_515 = arith.constant 64 : i32
    %scan3A_516 = arith.addi %scan3A_514, %scan3A_515 : i32
    %scan3A_517 = arith.constant 1 : i32
    scf.for %scan3A_766 = %scan3A_514 to %scan3A_516 step %scan3A_517  : i32 {
      %mul3A_767 = arith.constant 1 : i32
      %mul3A_768 = arith.muli %scan3A_766, %mul3A_767 : i32
      %add3A_769 = arith.constant 0 : i32
      %add3A_770 = arith.addi %add3A_769, %mul3A_768 : i32
      %parallel_loop3A = arith.constant 0 : i32
      %parallel_loop3A_771 = arith.constant 512 : i32
      %parallel_loop3A_772 = arith.constant 16 : i32
      scf.for %parallel_loop3A_773 = %parallel_loop3A to %parallel_loop3A_771 step %parallel_loop3A_772  : i32 {
        %parallel_loop3A_774 = arith.index_cast %add3A_770 : i32 to index
        %parallel_loop3A_775 = arith.index_cast %parallel_loop3A_773 : i32 to index
        %parallel_loop3A_776 = tpu.vector_load %arg6[%parallel_loop3A_774, %parallel_loop3A_775] {strides = array<i32>} : memref<64x512xf32, #tpu.memory_space<vmem>>, vector<1x16xf32>,
        %parallel_loop3A_777 = vector.shape_cast %parallel_loop3A_776 : vector<1x16xf32> to vector<16xf32>
        %parallel_loop3A_778 = arith.constant 2.000000e+00 : f32
        %parallel_loop3A_779 = vector.broadcast %parallel_loop3A_778 : f32 to vector<16xf32>
        %parallel_loop3A_780 = arith.mulf %parallel_loop3A_777, %parallel_loop3A_779 : vector<16xf32>
        %parallel_loop3A_781 = arith.index_cast %add3A_770 : i32 to index
        %parallel_loop3A_782 = arith.index_cast %parallel_loop3A_773 : i32 to index
        %parallel_loop3A_783 = tpu.vector_load %arg5[%parallel_loop3A_781, %parallel_loop3A_782] {strides = array<i32>} : memref<64x512xf32, #tpu.memory_space<vmem>>, vector<1x16xf32>,
        %parallel_loop3A_784 = vector.shape_cast %parallel_loop3A_783 : vector<1x16xf32> to vector<16xf32>
        %parallel_loop3A_785 = arith.addf %parallel_loop3A_780, %parallel_loop3A_784 : vector<16xf32>
        %parallel_loop3A_786 = arith.index_cast %add3A_770 : i32 to index
        %parallel_loop3A_787 = arith.index_cast %parallel_loop3A_773 : i32 to index
        %parallel_loop3A_788 = tpu.vector_load %arg6[%parallel_loop3A_786, %parallel_loop3A_787] {strides = array<i32>} : memref<64x512xf32, #tpu.memory_space<vmem>>, vector<1x16xf32>,
        %parallel_loop3A_789 = vector.shape_cast %parallel_loop3A_788 : vector<1x16xf32> to vector<16xf32>
        %parallel_loop3A_790 = vector.shape_cast %parallel_loop3A_785 : vector<16xf32> to vector<1x16xf32>
        tpu.vector_store %arg6[%parallel_loop3A_786, %parallel_loop3A_787], %parallel_loop3A_790 {strides = array<i32>} : memref<64x512xf32, #tpu.memory_space<vmem>>, vector<1x16xf32>,
      } {sc.loop_unroll_factor = 8 : i64, sc.parallel_access}
    }
    %scan3A_518 = arith.constant 64 : i32
    %dma_start3A_519 = arith.constant 10 : i32
    %dma_start3A_520 = arith.constant 0 : i32
    %dma_start3A_521 = arith.constant 0 : i32
    %dma_start3A_522 = arith.constant 0 : i32
    %dma_start3A_523 = tpu.memref_slice %arg4[%dma_start3A_519, %dma_start3A_520, %mul3A_2, %dma_start3A_522] : memref<16x1x2048x512xf32, #tpu.memory_space<hbm>> -> memref<1x1x64x512xf32, #tpu.memory_space<hbm>>
    %dma_start3A_524 = tpu.memref_squeeze %dma_start3A_523 : memref<1x1x64x512xf32, #tpu.memory_space<hbm>> -> memref<64x512xf32, #tpu.memory_space<hbm>>
    %dma_start3A_525 = tpu.memref_slice %arg10[%dma_start3A_521] : memref<2x!tpu.dma_semaphore, #tpu.memory_space<semaphore_mem>> -> memref<1x!tpu.dma_semaphore, #tpu.memory_space<semaphore_mem>>
    %dma_start3A_526 = tpu.memref_squeeze %dma_start3A_525 : memref<1x!tpu.dma_semaphore, #tpu.memory_space<semaphore_mem>> -> memref<!tpu.dma_semaphore, #tpu.memory_space<semaphore_mem>>
    %dma_start3A_527 = arith.constant 0 : i32
    %dma_start3A_528 = tpu.memref_slice %arg4[%dma_start3A_519, %dma_start3A_520, %mul3A_2, %dma_start3A_527] : memref<16x1x2048x512xf32, #tpu.memory_space<hbm>> -> memref<1x1x64x512xf32, #tpu.memory_space<hbm>>
    %dma_start3A_529 = tpu.memref_squeeze %dma_start3A_528 : memref<1x1x64x512xf32, #tpu.memory_space<hbm>> -> memref<64x512xf32, #tpu.memory_space<hbm>>
    tpu.enqueue_dma source(%arg6 : memref<64x512xf32, #tpu.memory_space<vmem>>) target(%dma_start3A_529 : memref<64x512xf32, #tpu.memory_space<hbm>>) target_semaphore(%dma_start3A_526 : memref<!tpu.dma_semaphore, #tpu.memory_space<semaphore_mem>>)
    %dma_wait3A_530 = arith.constant 10 : i32
    %dma_wait3A_531 = arith.constant 0 : i32
    %dma_wait3A_532 = arith.constant 0 : i32
    %dma_wait3A_533 = arith.constant 0 : i32
    %dma_wait3A_534 = tpu.memref_slice %arg4[%dma_wait3A_530, %dma_wait3A_531, %mul3A_2, %dma_wait3A_533] : memref<16x1x2048x512xf32, #tpu.memory_space<hbm>> -> memref<1x1x64x512xf32, #tpu.memory_space<hbm>>
    %dma_wait3A_535 = tpu.memref_squeeze %dma_wait3A_534 : memref<1x1x64x512xf32, #tpu.memory_space<hbm>> -> memref<64x512xf32, #tpu.memory_space<hbm>>
    %dma_wait3A_536 = tpu.memref_slice %arg10[%dma_wait3A_532] : memref<2x!tpu.dma_semaphore, #tpu.memory_space<semaphore_mem>> -> memref<1x!tpu.dma_semaphore, #tpu.memory_space<semaphore_mem>>
    %dma_wait3A_537 = tpu.memref_squeeze %dma_wait3A_536 : memref<1x!tpu.dma_semaphore, #tpu.memory_space<semaphore_mem>> -> memref<!tpu.dma_semaphore, #tpu.memory_space<semaphore_mem>>
    %dma_wait3A_538 = arith.constant 0 : i32
    %dma_wait3A_539 = tpu.memref_slice %arg4[%dma_wait3A_530, %dma_wait3A_531, %mul3A_2, %dma_wait3A_538] : memref<16x1x2048x512xf32, #tpu.memory_space<hbm>> -> memref<1x1x64x512xf32, #tpu.memory_space<hbm>>
    %dma_wait3A_540 = tpu.memref_squeeze %dma_wait3A_539 : memref<1x1x64x512xf32, #tpu.memory_space<hbm>> -> memref<64x512xf32, #tpu.memory_space<hbm>>
    tpu.wait_dma2 semaphore(%dma_wait3A_537 : memref<!tpu.dma_semaphore, #tpu.memory_space<semaphore_mem>>) src(%arg6 : memref<64x512xf32, #tpu.memory_space<vmem>>) dst(%dma_wait3A_540 : memref<64x512xf32, #tpu.memory_space<hbm>>)
    %dma_start3A_541 = arith.constant 12 : i32
    %dma_start3A_542 = arith.constant 0 : i32
    %dma_start3A_543 = arith.constant 0 : i32
    %dma_start3A_544 = tpu.memref_slice %arg2[%dma_start3A_541, %mul3A_2, %dma_start3A_543] : memref<16x2048x512xf32, #tpu.memory_space<hbm>> -> memref<1x64x512xf32, #tpu.memory_space<hbm>>
    %dma_start3A_545 = tpu.memref_squeeze %dma_start3A_544 : memref<1x64x512xf32, #tpu.memory_space<hbm>> -> memref<64x512xf32, #tpu.memory_space<hbm>>
    %dma_start3A_546 = tpu.memref_slice %arg9[%dma_start3A_542] : memref<2x!tpu.dma_semaphore, #tpu.memory_space<semaphore_mem>> -> memref<1x!tpu.dma_semaphore, #tpu.memory_space<semaphore_mem>>
    %dma_start3A_547 = tpu.memref_squeeze %dma_start3A_546 : memref<1x!tpu.dma_semaphore, #tpu.memory_space<semaphore_mem>> -> memref<!tpu.dma_semaphore, #tpu.memory_space<semaphore_mem>>
    %dma_start3A_548 = arith.constant 0 : i32
    %dma_start3A_549 = tpu.memref_slice %arg2[%dma_start3A_541, %mul3A_2, %dma_start3A_548] : memref<16x2048x512xf32, #tpu.memory_space<hbm>> -> memref<1x64x512xf32, #tpu.memory_space<hbm>>
    %dma_start3A_550 = tpu.memref_squeeze %dma_start3A_549 : memref<1x64x512xf32, #tpu.memory_space<hbm>> -> memref<64x512xf32, #tpu.memory_space<hbm>>
    tpu.enqueue_dma source(%dma_start3A_550 : memref<64x512xf32, #tpu.memory_space<hbm>>) target(%arg6 : memref<64x512xf32, #tpu.memory_space<vmem>>) target_semaphore(%dma_start3A_547 : memref<!tpu.dma_semaphore, #tpu.memory_space<semaphore_mem>>)
    %dma_wait3A_551 = arith.constant 11 : i32
    %dma_wait3A_552 = arith.constant 1 : i32
    %dma_wait3A_553 = arith.constant 0 : i32
    %dma_wait3A_554 = tpu.memref_slice %arg2[%dma_wait3A_551, %mul3A_2, %dma_wait3A_553] : memref<16x2048x512xf32, #tpu.memory_space<hbm>> -> memref<1x64x512xf32, #tpu.memory_space<hbm>>
    %dma_wait3A_555 = tpu.memref_squeeze %dma_wait3A_554 : memref<1x64x512xf32, #tpu.memory_space<hbm>> -> memref<64x512xf32, #tpu.memory_space<hbm>>
    %dma_wait3A_556 = tpu.memref_slice %arg9[%dma_wait3A_552] : memref<2x!tpu.dma_semaphore, #tpu.memory_space<semaphore_mem>> -> memref<1x!tpu.dma_semaphore, #tpu.memory_space<semaphore_mem>>
    %dma_wait3A_557 = tpu.memref_squeeze %dma_wait3A_556 : memref<1x!tpu.dma_semaphore, #tpu.memory_space<semaphore_mem>> -> memref<!tpu.dma_semaphore, #tpu.memory_space<semaphore_mem>>
    %dma_wait3A_558 = arith.constant 0 : i32
    %dma_wait3A_559 = tpu.memref_slice %arg2[%dma_wait3A_551, %mul3A_2, %dma_wait3A_558] : memref<16x2048x512xf32, #tpu.memory_space<hbm>> -> memref<1x64x512xf32, #tpu.memory_space<hbm>>
    %dma_wait3A_560 = tpu.memref_squeeze %dma_wait3A_559 : memref<1x64x512xf32, #tpu.memory_space<hbm>> -> memref<64x512xf32, #tpu.memory_space<hbm>>
    tpu.wait_dma2 semaphore(%dma_wait3A_557 : memref<!tpu.dma_semaphore, #tpu.memory_space<semaphore_mem>>) src(%dma_wait3A_560 : memref<64x512xf32, #tpu.memory_space<hbm>>) dst(%arg7 : memref<64x512xf32, #tpu.memory_space<vmem>>)
    %scan3A_561 = arith.constant 0 : i32
    %scan3A_562 = arith.constant 64 : i32
    %scan3A_563 = arith.addi %scan3A_561, %scan3A_562 : i32
    %scan3A_564 = arith.constant 1 : i32
    scf.for %scan3A_766 = %scan3A_561 to %scan3A_563 step %scan3A_564  : i32 {
      %mul3A_767 = arith.constant 1 : i32
      %mul3A_768 = arith.muli %scan3A_766, %mul3A_767 : i32
      %add3A_769 = arith.constant 0 : i32
      %add3A_770 = arith.addi %add3A_769, %mul3A_768 : i32
      %parallel_loop3A = arith.constant 0 : i32
      %parallel_loop3A_771 = arith.constant 512 : i32
      %parallel_loop3A_772 = arith.constant 16 : i32
      scf.for %parallel_loop3A_773 = %parallel_loop3A to %parallel_loop3A_771 step %parallel_loop3A_772  : i32 {
        %parallel_loop3A_774 = arith.index_cast %add3A_770 : i32 to index
        %parallel_loop3A_775 = arith.index_cast %parallel_loop3A_773 : i32 to index
        %parallel_loop3A_776 = tpu.vector_load %arg7[%parallel_loop3A_774, %parallel_loop3A_775] {strides = array<i32>} : memref<64x512xf32, #tpu.memory_space<vmem>>, vector<1x16xf32>,
        %parallel_loop3A_777 = vector.shape_cast %parallel_loop3A_776 : vector<1x16xf32> to vector<16xf32>
        %parallel_loop3A_778 = arith.constant 2.000000e+00 : f32
        %parallel_loop3A_779 = vector.broadcast %parallel_loop3A_778 : f32 to vector<16xf32>
        %parallel_loop3A_780 = arith.mulf %parallel_loop3A_777, %parallel_loop3A_779 : vector<16xf32>
        %parallel_loop3A_781 = arith.index_cast %add3A_770 : i32 to index
        %parallel_loop3A_782 = arith.index_cast %parallel_loop3A_773 : i32 to index
        %parallel_loop3A_783 = tpu.vector_load %arg5[%parallel_loop3A_781, %parallel_loop3A_782] {strides = array<i32>} : memref<64x512xf32, #tpu.memory_space<vmem>>, vector<1x16xf32>,
        %parallel_loop3A_784 = vector.shape_cast %parallel_loop3A_783 : vector<1x16xf32> to vector<16xf32>
        %parallel_loop3A_785 = arith.addf %parallel_loop3A_780, %parallel_loop3A_784 : vector<16xf32>
        %parallel_loop3A_786 = arith.index_cast %add3A_770 : i32 to index
        %parallel_loop3A_787 = arith.index_cast %parallel_loop3A_773 : i32 to index
        %parallel_loop3A_788 = tpu.vector_load %arg7[%parallel_loop3A_786, %parallel_loop3A_787] {strides = array<i32>} : memref<64x512xf32, #tpu.memory_space<vmem>>, vector<1x16xf32>,
        %parallel_loop3A_789 = vector.shape_cast %parallel_loop3A_788 : vector<1x16xf32> to vector<16xf32>
        %parallel_loop3A_790 = vector.shape_cast %parallel_loop3A_785 : vector<16xf32> to vector<1x16xf32>
        tpu.vector_store %arg7[%parallel_loop3A_786, %parallel_loop3A_787], %parallel_loop3A_790 {strides = array<i32>} : memref<64x512xf32, #tpu.memory_space<vmem>>, vector<1x16xf32>,
      } {sc.loop_unroll_factor = 8 : i64, sc.parallel_access}
    }
    %scan3A_565 = arith.constant 64 : i32
    %dma_start3A_566 = arith.constant 11 : i32
    %dma_start3A_567 = arith.constant 0 : i32
    %dma_start3A_568 = arith.constant 1 : i32
    %dma_start3A_569 = arith.constant 0 : i32
    %dma_start3A_570 = tpu.memref_slice %arg4[%dma_start3A_566, %dma_start3A_567, %mul3A_2, %dma_start3A_569] : memref<16x1x2048x512xf32, #tpu.memory_space<hbm>> -> memref<1x1x64x512xf32, #tpu.memory_space<hbm>>
    %dma_start3A_571 = tpu.memref_squeeze %dma_start3A_570 : memref<1x1x64x512xf32, #tpu.memory_space<hbm>> -> memref<64x512xf32, #tpu.memory_space<hbm>>
    %dma_start3A_572 = tpu.memref_slice %arg10[%dma_start3A_568] : memref<2x!tpu.dma_semaphore, #tpu.memory_space<semaphore_mem>> -> memref<1x!tpu.dma_semaphore, #tpu.memory_space<semaphore_mem>>
    %dma_start3A_573 = tpu.memref_squeeze %dma_start3A_572 : memref<1x!tpu.dma_semaphore, #tpu.memory_space<semaphore_mem>> -> memref<!tpu.dma_semaphore, #tpu.memory_space<semaphore_mem>>
    %dma_start3A_574 = arith.constant 0 : i32
    %dma_start3A_575 = tpu.memref_slice %arg4[%dma_start3A_566, %dma_start3A_567, %mul3A_2, %dma_start3A_574] : memref<16x1x2048x512xf32, #tpu.memory_space<hbm>> -> memref<1x1x64x512xf32, #tpu.memory_space<hbm>>
    %dma_start3A_576 = tpu.memref_squeeze %dma_start3A_575 : memref<1x1x64x512xf32, #tpu.memory_space<hbm>> -> memref<64x512xf32, #tpu.memory_space<hbm>>
    tpu.enqueue_dma source(%arg7 : memref<64x512xf32, #tpu.memory_space<vmem>>) target(%dma_start3A_576 : memref<64x512xf32, #tpu.memory_space<hbm>>) target_semaphore(%dma_start3A_573 : memref<!tpu.dma_semaphore, #tpu.memory_space<semaphore_mem>>)
    %dma_wait3A_577 = arith.constant 11 : i32
    %dma_wait3A_578 = arith.constant 0 : i32
    %dma_wait3A_579 = arith.constant 1 : i32
    %dma_wait3A_580 = arith.constant 0 : i32
    %dma_wait3A_581 = tpu.memref_slice %arg4[%dma_wait3A_577, %dma_wait3A_578, %mul3A_2, %dma_wait3A_580] : memref<16x1x2048x512xf32, #tpu.memory_space<hbm>> -> memref<1x1x64x512xf32, #tpu.memory_space<hbm>>
    %dma_wait3A_582 = tpu.memref_squeeze %dma_wait3A_581 : memref<1x1x64x512xf32, #tpu.memory_space<hbm>> -> memref<64x512xf32, #tpu.memory_space<hbm>>
    %dma_wait3A_583 = tpu.memref_slice %arg10[%dma_wait3A_579] : memref<2x!tpu.dma_semaphore, #tpu.memory_space<semaphore_mem>> -> memref<1x!tpu.dma_semaphore, #tpu.memory_space<semaphore_mem>>
    %dma_wait3A_584 = tpu.memref_squeeze %dma_wait3A_583 : memref<1x!tpu.dma_semaphore, #tpu.memory_space<semaphore_mem>> -> memref<!tpu.dma_semaphore, #tpu.memory_space<semaphore_mem>>
    %dma_wait3A_585 = arith.constant 0 : i32
    %dma_wait3A_586 = tpu.memref_slice %arg4[%dma_wait3A_577, %dma_wait3A_578, %mul3A_2, %dma_wait3A_585] : memref<16x1x2048x512xf32, #tpu.memory_space<hbm>> -> memref<1x1x64x512xf32, #tpu.memory_space<hbm>>
    %dma_wait3A_587 = tpu.memref_squeeze %dma_wait3A_586 : memref<1x1x64x512xf32, #tpu.memory_space<hbm>> -> memref<64x512xf32, #tpu.memory_space<hbm>>
    tpu.wait_dma2 semaphore(%dma_wait3A_584 : memref<!tpu.dma_semaphore, #tpu.memory_space<semaphore_mem>>) src(%arg7 : memref<64x512xf32, #tpu.memory_space<vmem>>) dst(%dma_wait3A_587 : memref<64x512xf32, #tpu.memory_space<hbm>>)
    %dma_start3A_588 = arith.constant 13 : i32
    %dma_start3A_589 = arith.constant 1 : i32
    %dma_start3A_590 = arith.constant 0 : i32
    %dma_start3A_591 = tpu.memref_slice %arg2[%dma_start3A_588, %mul3A_2, %dma_start3A_590] : memref<16x2048x512xf32, #tpu.memory_space<hbm>> -> memref<1x64x512xf32, #tpu.memory_space<hbm>>
    %dma_start3A_592 = tpu.memref_squeeze %dma_start3A_591 : memref<1x64x512xf32, #tpu.memory_space<hbm>> -> memref<64x512xf32, #tpu.memory_space<hbm>>
    %dma_start3A_593 = tpu.memref_slice %arg9[%dma_start3A_589] : memref<2x!tpu.dma_semaphore, #tpu.memory_space<semaphore_mem>> -> memref<1x!tpu.dma_semaphore, #tpu.memory_space<semaphore_mem>>
    %dma_start3A_594 = tpu.memref_squeeze %dma_start3A_593 : memref<1x!tpu.dma_semaphore, #tpu.memory_space<semaphore_mem>> -> memref<!tpu.dma_semaphore, #tpu.memory_space<semaphore_mem>>
    %dma_start3A_595 = arith.constant 0 : i32
    %dma_start3A_596 = tpu.memref_slice %arg2[%dma_start3A_588, %mul3A_2, %dma_start3A_595] : memref<16x2048x512xf32, #tpu.memory_space<hbm>> -> memref<1x64x512xf32, #tpu.memory_space<hbm>>
    %dma_start3A_597 = tpu.memref_squeeze %dma_start3A_596 : memref<1x64x512xf32, #tpu.memory_space<hbm>> -> memref<64x512xf32, #tpu.memory_space<hbm>>
    tpu.enqueue_dma source(%dma_start3A_597 : memref<64x512xf32, #tpu.memory_space<hbm>>) target(%arg7 : memref<64x512xf32, #tpu.memory_space<vmem>>) target_semaphore(%dma_start3A_594 : memref<!tpu.dma_semaphore, #tpu.memory_space<semaphore_mem>>)
    %dma_wait3A_598 = arith.constant 12 : i32
    %dma_wait3A_599 = arith.constant 0 : i32
    %dma_wait3A_600 = arith.constant 0 : i32
    %dma_wait3A_601 = tpu.memref_slice %arg2[%dma_wait3A_598, %mul3A_2, %dma_wait3A_600] : memref<16x2048x512xf32, #tpu.memory_space<hbm>> -> memref<1x64x512xf32, #tpu.memory_space<hbm>>
    %dma_wait3A_602 = tpu.memref_squeeze %dma_wait3A_601 : memref<1x64x512xf32, #tpu.memory_space<hbm>> -> memref<64x512xf32, #tpu.memory_space<hbm>>
    %dma_wait3A_603 = tpu.memref_slice %arg9[%dma_wait3A_599] : memref<2x!tpu.dma_semaphore, #tpu.memory_space<semaphore_mem>> -> memref<1x!tpu.dma_semaphore, #tpu.memory_space<semaphore_mem>>
    %dma_wait3A_604 = tpu.memref_squeeze %dma_wait3A_603 : memref<1x!tpu.dma_semaphore, #tpu.memory_space<semaphore_mem>> -> memref<!tpu.dma_semaphore, #tpu.memory_space<semaphore_mem>>
    %dma_wait3A_605 = arith.constant 0 : i32
    %dma_wait3A_606 = tpu.memref_slice %arg2[%dma_wait3A_598, %mul3A_2, %dma_wait3A_605] : memref<16x2048x512xf32, #tpu.memory_space<hbm>> -> memref<1x64x512xf32, #tpu.memory_space<hbm>>
    %dma_wait3A_607 = tpu.memref_squeeze %dma_wait3A_606 : memref<1x64x512xf32, #tpu.memory_space<hbm>> -> memref<64x512xf32, #tpu.memory_space<hbm>>
    tpu.wait_dma2 semaphore(%dma_wait3A_604 : memref<!tpu.dma_semaphore, #tpu.memory_space<semaphore_mem>>) src(%dma_wait3A_607 : memref<64x512xf32, #tpu.memory_space<hbm>>) dst(%arg6 : memref<64x512xf32, #tpu.memory_space<vmem>>)
    %scan3A_608 = arith.constant 0 : i32
    %scan3A_609 = arith.constant 64 : i32
    %scan3A_610 = arith.addi %scan3A_608, %scan3A_609 : i32
    %scan3A_611 = arith.constant 1 : i32
    scf.for %scan3A_766 = %scan3A_608 to %scan3A_610 step %scan3A_611  : i32 {
      %mul3A_767 = arith.constant 1 : i32
      %mul3A_768 = arith.muli %scan3A_766, %mul3A_767 : i32
      %add3A_769 = arith.constant 0 : i32
      %add3A_770 = arith.addi %add3A_769, %mul3A_768 : i32
      %parallel_loop3A = arith.constant 0 : i32
      %parallel_loop3A_771 = arith.constant 512 : i32
      %parallel_loop3A_772 = arith.constant 16 : i32
      scf.for %parallel_loop3A_773 = %parallel_loop3A to %parallel_loop3A_771 step %parallel_loop3A_772  : i32 {
        %parallel_loop3A_774 = arith.index_cast %add3A_770 : i32 to index
        %parallel_loop3A_775 = arith.index_cast %parallel_loop3A_773 : i32 to index
        %parallel_loop3A_776 = tpu.vector_load %arg6[%parallel_loop3A_774, %parallel_loop3A_775] {strides = array<i32>} : memref<64x512xf32, #tpu.memory_space<vmem>>, vector<1x16xf32>,
        %parallel_loop3A_777 = vector.shape_cast %parallel_loop3A_776 : vector<1x16xf32> to vector<16xf32>
        %parallel_loop3A_778 = arith.constant 2.000000e+00 : f32
        %parallel_loop3A_779 = vector.broadcast %parallel_loop3A_778 : f32 to vector<16xf32>
        %parallel_loop3A_780 = arith.mulf %parallel_loop3A_777, %parallel_loop3A_779 : vector<16xf32>
        %parallel_loop3A_781 = arith.index_cast %add3A_770 : i32 to index
        %parallel_loop3A_782 = arith.index_cast %parallel_loop3A_773 : i32 to index
        %parallel_loop3A_783 = tpu.vector_load %arg5[%parallel_loop3A_781, %parallel_loop3A_782] {strides = array<i32>} : memref<64x512xf32, #tpu.memory_space<vmem>>, vector<1x16xf32>,
        %parallel_loop3A_784 = vector.shape_cast %parallel_loop3A_783 : vector<1x16xf32> to vector<16xf32>
        %parallel_loop3A_785 = arith.addf %parallel_loop3A_780, %parallel_loop3A_784 : vector<16xf32>
        %parallel_loop3A_786 = arith.index_cast %add3A_770 : i32 to index
        %parallel_loop3A_787 = arith.index_cast %parallel_loop3A_773 : i32 to index
        %parallel_loop3A_788 = tpu.vector_load %arg6[%parallel_loop3A_786, %parallel_loop3A_787] {strides = array<i32>} : memref<64x512xf32, #tpu.memory_space<vmem>>, vector<1x16xf32>,
        %parallel_loop3A_789 = vector.shape_cast %parallel_loop3A_788 : vector<1x16xf32> to vector<16xf32>
        %parallel_loop3A_790 = vector.shape_cast %parallel_loop3A_785 : vector<16xf32> to vector<1x16xf32>
        tpu.vector_store %arg6[%parallel_loop3A_786, %parallel_loop3A_787], %parallel_loop3A_790 {strides = array<i32>} : memref<64x512xf32, #tpu.memory_space<vmem>>, vector<1x16xf32>,
      } {sc.loop_unroll_factor = 8 : i64, sc.parallel_access}
    }
    %scan3A_612 = arith.constant 64 : i32
    %dma_start3A_613 = arith.constant 12 : i32
    %dma_start3A_614 = arith.constant 0 : i32
    %dma_start3A_615 = arith.constant 0 : i32
    %dma_start3A_616 = arith.constant 0 : i32
    %dma_start3A_617 = tpu.memref_slice %arg4[%dma_start3A_613, %dma_start3A_614, %mul3A_2, %dma_start3A_616] : memref<16x1x2048x512xf32, #tpu.memory_space<hbm>> -> memref<1x1x64x512xf32, #tpu.memory_space<hbm>>
    %dma_start3A_618 = tpu.memref_squeeze %dma_start3A_617 : memref<1x1x64x512xf32, #tpu.memory_space<hbm>> -> memref<64x512xf32, #tpu.memory_space<hbm>>
    %dma_start3A_619 = tpu.memref_slice %arg10[%dma_start3A_615] : memref<2x!tpu.dma_semaphore, #tpu.memory_space<semaphore_mem>> -> memref<1x!tpu.dma_semaphore, #tpu.memory_space<semaphore_mem>>
    %dma_start3A_620 = tpu.memref_squeeze %dma_start3A_619 : memref<1x!tpu.dma_semaphore, #tpu.memory_space<semaphore_mem>> -> memref<!tpu.dma_semaphore, #tpu.memory_space<semaphore_mem>>
    %dma_start3A_621 = arith.constant 0 : i32
    %dma_start3A_622 = tpu.memref_slice %arg4[%dma_start3A_613, %dma_start3A_614, %mul3A_2, %dma_start3A_621] : memref<16x1x2048x512xf32, #tpu.memory_space<hbm>> -> memref<1x1x64x512xf32, #tpu.memory_space<hbm>>
    %dma_start3A_623 = tpu.memref_squeeze %dma_start3A_622 : memref<1x1x64x512xf32, #tpu.memory_space<hbm>> -> memref<64x512xf32, #tpu.memory_space<hbm>>
    tpu.enqueue_dma source(%arg6 : memref<64x512xf32, #tpu.memory_space<vmem>>) target(%dma_start3A_623 : memref<64x512xf32, #tpu.memory_space<hbm>>) target_semaphore(%dma_start3A_620 : memref<!tpu.dma_semaphore, #tpu.memory_space<semaphore_mem>>)
    %dma_wait3A_624 = arith.constant 12 : i32
    %dma_wait3A_625 = arith.constant 0 : i32
    %dma_wait3A_626 = arith.constant 0 : i32
    %dma_wait3A_627 = arith.constant 0 : i32
    %dma_wait3A_628 = tpu.memref_slice %arg4[%dma_wait3A_624, %dma_wait3A_625, %mul3A_2, %dma_wait3A_627] : memref<16x1x2048x512xf32, #tpu.memory_space<hbm>> -> memref<1x1x64x512xf32, #tpu.memory_space<hbm>>
    %dma_wait3A_629 = tpu.memref_squeeze %dma_wait3A_628 : memref<1x1x64x512xf32, #tpu.memory_space<hbm>> -> memref<64x512xf32, #tpu.memory_space<hbm>>
    %dma_wait3A_630 = tpu.memref_slice %arg10[%dma_wait3A_626] : memref<2x!tpu.dma_semaphore, #tpu.memory_space<semaphore_mem>> -> memref<1x!tpu.dma_semaphore, #tpu.memory_space<semaphore_mem>>
    %dma_wait3A_631 = tpu.memref_squeeze %dma_wait3A_630 : memref<1x!tpu.dma_semaphore, #tpu.memory_space<semaphore_mem>> -> memref<!tpu.dma_semaphore, #tpu.memory_space<semaphore_mem>>
    %dma_wait3A_632 = arith.constant 0 : i32
    %dma_wait3A_633 = tpu.memref_slice %arg4[%dma_wait3A_624, %dma_wait3A_625, %mul3A_2, %dma_wait3A_632] : memref<16x1x2048x512xf32, #tpu.memory_space<hbm>> -> memref<1x1x64x512xf32, #tpu.memory_space<hbm>>
    %dma_wait3A_634 = tpu.memref_squeeze %dma_wait3A_633 : memref<1x1x64x512xf32, #tpu.memory_space<hbm>> -> memref<64x512xf32, #tpu.memory_space<hbm>>
    tpu.wait_dma2 semaphore(%dma_wait3A_631 : memref<!tpu.dma_semaphore, #tpu.memory_space<semaphore_mem>>) src(%arg6 : memref<64x512xf32, #tpu.memory_space<vmem>>) dst(%dma_wait3A_634 : memref<64x512xf32, #tpu.memory_space<hbm>>)
    %dma_start3A_635 = arith.constant 14 : i32
    %dma_start3A_636 = arith.constant 0 : i32
    %dma_start3A_637 = arith.constant 0 : i32
    %dma_start3A_638 = tpu.memref_slice %arg2[%dma_start3A_635, %mul3A_2, %dma_start3A_637] : memref<16x2048x512xf32, #tpu.memory_space<hbm>> -> memref<1x64x512xf32, #tpu.memory_space<hbm>>
    %dma_start3A_639 = tpu.memref_squeeze %dma_start3A_638 : memref<1x64x512xf32, #tpu.memory_space<hbm>> -> memref<64x512xf32, #tpu.memory_space<hbm>>
    %dma_start3A_640 = tpu.memref_slice %arg9[%dma_start3A_636] : memref<2x!tpu.dma_semaphore, #tpu.memory_space<semaphore_mem>> -> memref<1x!tpu.dma_semaphore, #tpu.memory_space<semaphore_mem>>
    %dma_start3A_641 = tpu.memref_squeeze %dma_start3A_640 : memref<1x!tpu.dma_semaphore, #tpu.memory_space<semaphore_mem>> -> memref<!tpu.dma_semaphore, #tpu.memory_space<semaphore_mem>>
    %dma_start3A_642 = arith.constant 0 : i32
    %dma_start3A_643 = tpu.memref_slice %arg2[%dma_start3A_635, %mul3A_2, %dma_start3A_642] : memref<16x2048x512xf32, #tpu.memory_space<hbm>> -> memref<1x64x512xf32, #tpu.memory_space<hbm>>
    %dma_start3A_644 = tpu.memref_squeeze %dma_start3A_643 : memref<1x64x512xf32, #tpu.memory_space<hbm>> -> memref<64x512xf32, #tpu.memory_space<hbm>>
    tpu.enqueue_dma source(%dma_start3A_644 : memref<64x512xf32, #tpu.memory_space<hbm>>) target(%arg6 : memref<64x512xf32, #tpu.memory_space<vmem>>) target_semaphore(%dma_start3A_641 : memref<!tpu.dma_semaphore, #tpu.memory_space<semaphore_mem>>)
    %dma_wait3A_645 = arith.constant 13 : i32
    %dma_wait3A_646 = arith.constant 1 : i32
    %dma_wait3A_647 = arith.constant 0 : i32
    %dma_wait3A_648 = tpu.memref_slice %arg2[%dma_wait3A_645, %mul3A_2, %dma_wait3A_647] : memref<16x2048x512xf32, #tpu.memory_space<hbm>> -> memref<1x64x512xf32, #tpu.memory_space<hbm>>
    %dma_wait3A_649 = tpu.memref_squeeze %dma_wait3A_648 : memref<1x64x512xf32, #tpu.memory_space<hbm>> -> memref<64x512xf32, #tpu.memory_space<hbm>>
    %dma_wait3A_650 = tpu.memref_slice %arg9[%dma_wait3A_646] : memref<2x!tpu.dma_semaphore, #tpu.memory_space<semaphore_mem>> -> memref<1x!tpu.dma_semaphore, #tpu.memory_space<semaphore_mem>>
    %dma_wait3A_651 = tpu.memref_squeeze %dma_wait3A_650 : memref<1x!tpu.dma_semaphore, #tpu.memory_space<semaphore_mem>> -> memref<!tpu.dma_semaphore, #tpu.memory_space<semaphore_mem>>
    %dma_wait3A_652 = arith.constant 0 : i32
    %dma_wait3A_653 = tpu.memref_slice %arg2[%dma_wait3A_645, %mul3A_2, %dma_wait3A_652] : memref<16x2048x512xf32, #tpu.memory_space<hbm>> -> memref<1x64x512xf32, #tpu.memory_space<hbm>>
    %dma_wait3A_654 = tpu.memref_squeeze %dma_wait3A_653 : memref<1x64x512xf32, #tpu.memory_space<hbm>> -> memref<64x512xf32, #tpu.memory_space<hbm>>
    tpu.wait_dma2 semaphore(%dma_wait3A_651 : memref<!tpu.dma_semaphore, #tpu.memory_space<semaphore_mem>>) src(%dma_wait3A_654 : memref<64x512xf32, #tpu.memory_space<hbm>>) dst(%arg7 : memref<64x512xf32, #tpu.memory_space<vmem>>)
    %scan3A_655 = arith.constant 0 : i32
    %scan3A_656 = arith.constant 64 : i32
    %scan3A_657 = arith.addi %scan3A_655, %scan3A_656 : i32
    %scan3A_658 = arith.constant 1 : i32
    scf.for %scan3A_766 = %scan3A_655 to %scan3A_657 step %scan3A_658  : i32 {
      %mul3A_767 = arith.constant 1 : i32
      %mul3A_768 = arith.muli %scan3A_766, %mul3A_767 : i32
      %add3A_769 = arith.constant 0 : i32
      %add3A_770 = arith.addi %add3A_769, %mul3A_768 : i32
      %parallel_loop3A = arith.constant 0 : i32
      %parallel_loop3A_771 = arith.constant 512 : i32
      %parallel_loop3A_772 = arith.constant 16 : i32
      scf.for %parallel_loop3A_773 = %parallel_loop3A to %parallel_loop3A_771 step %parallel_loop3A_772  : i32 {
        %parallel_loop3A_774 = arith.index_cast %add3A_770 : i32 to index
        %parallel_loop3A_775 = arith.index_cast %parallel_loop3A_773 : i32 to index
        %parallel_loop3A_776 = tpu.vector_load %arg7[%parallel_loop3A_774, %parallel_loop3A_775] {strides = array<i32>} : memref<64x512xf32, #tpu.memory_space<vmem>>, vector<1x16xf32>,
        %parallel_loop3A_777 = vector.shape_cast %parallel_loop3A_776 : vector<1x16xf32> to vector<16xf32>
        %parallel_loop3A_778 = arith.constant 2.000000e+00 : f32
        %parallel_loop3A_779 = vector.broadcast %parallel_loop3A_778 : f32 to vector<16xf32>
        %parallel_loop3A_780 = arith.mulf %parallel_loop3A_777, %parallel_loop3A_779 : vector<16xf32>
        %parallel_loop3A_781 = arith.index_cast %add3A_770 : i32 to index
        %parallel_loop3A_782 = arith.index_cast %parallel_loop3A_773 : i32 to index
        %parallel_loop3A_783 = tpu.vector_load %arg5[%parallel_loop3A_781, %parallel_loop3A_782] {strides = array<i32>} : memref<64x512xf32, #tpu.memory_space<vmem>>, vector<1x16xf32>,
        %parallel_loop3A_784 = vector.shape_cast %parallel_loop3A_783 : vector<1x16xf32> to vector<16xf32>
        %parallel_loop3A_785 = arith.addf %parallel_loop3A_780, %parallel_loop3A_784 : vector<16xf32>
        %parallel_loop3A_786 = arith.index_cast %add3A_770 : i32 to index
        %parallel_loop3A_787 = arith.index_cast %parallel_loop3A_773 : i32 to index
        %parallel_loop3A_788 = tpu.vector_load %arg7[%parallel_loop3A_786, %parallel_loop3A_787] {strides = array<i32>} : memref<64x512xf32, #tpu.memory_space<vmem>>, vector<1x16xf32>,
        %parallel_loop3A_789 = vector.shape_cast %parallel_loop3A_788 : vector<1x16xf32> to vector<16xf32>
        %parallel_loop3A_790 = vector.shape_cast %parallel_loop3A_785 : vector<16xf32> to vector<1x16xf32>
        tpu.vector_store %arg7[%parallel_loop3A_786, %parallel_loop3A_787], %parallel_loop3A_790 {strides = array<i32>} : memref<64x512xf32, #tpu.memory_space<vmem>>, vector<1x16xf32>,
      } {sc.loop_unroll_factor = 8 : i64, sc.parallel_access}
    }
    %scan3A_659 = arith.constant 64 : i32
    %dma_start3A_660 = arith.constant 13 : i32
    %dma_start3A_661 = arith.constant 0 : i32
    %dma_start3A_662 = arith.constant 1 : i32
    %dma_start3A_663 = arith.constant 0 : i32
    %dma_start3A_664 = tpu.memref_slice %arg4[%dma_start3A_660, %dma_start3A_661, %mul3A_2, %dma_start3A_663] : memref<16x1x2048x512xf32, #tpu.memory_space<hbm>> -> memref<1x1x64x512xf32, #tpu.memory_space<hbm>>
    %dma_start3A_665 = tpu.memref_squeeze %dma_start3A_664 : memref<1x1x64x512xf32, #tpu.memory_space<hbm>> -> memref<64x512xf32, #tpu.memory_space<hbm>>
    %dma_start3A_666 = tpu.memref_slice %arg10[%dma_start3A_662] : memref<2x!tpu.dma_semaphore, #tpu.memory_space<semaphore_mem>> -> memref<1x!tpu.dma_semaphore, #tpu.memory_space<semaphore_mem>>
    %dma_start3A_667 = tpu.memref_squeeze %dma_start3A_666 : memref<1x!tpu.dma_semaphore, #tpu.memory_space<semaphore_mem>> -> memref<!tpu.dma_semaphore, #tpu.memory_space<semaphore_mem>>
    %dma_start3A_668 = arith.constant 0 : i32
    %dma_start3A_669 = tpu.memref_slice %arg4[%dma_start3A_660, %dma_start3A_661, %mul3A_2, %dma_start3A_668] : memref<16x1x2048x512xf32, #tpu.memory_space<hbm>> -> memref<1x1x64x512xf32, #tpu.memory_space<hbm>>
    %dma_start3A_670 = tpu.memref_squeeze %dma_start3A_669 : memref<1x1x64x512xf32, #tpu.memory_space<hbm>> -> memref<64x512xf32, #tpu.memory_space<hbm>>
    tpu.enqueue_dma source(%arg7 : memref<64x512xf32, #tpu.memory_space<vmem>>) target(%dma_start3A_670 : memref<64x512xf32, #tpu.memory_space<hbm>>) target_semaphore(%dma_start3A_667 : memref<!tpu.dma_semaphore, #tpu.memory_space<semaphore_mem>>)
    %dma_wait3A_671 = arith.constant 13 : i32
    %dma_wait3A_672 = arith.constant 0 : i32
    %dma_wait3A_673 = arith.constant 1 : i32
    %dma_wait3A_674 = arith.constant 0 : i32
    %dma_wait3A_675 = tpu.memref_slice %arg4[%dma_wait3A_671, %dma_wait3A_672, %mul3A_2, %dma_wait3A_674] : memref<16x1x2048x512xf32, #tpu.memory_space<hbm>> -> memref<1x1x64x512xf32, #tpu.memory_space<hbm>>
    %dma_wait3A_676 = tpu.memref_squeeze %dma_wait3A_675 : memref<1x1x64x512xf32, #tpu.memory_space<hbm>> -> memref<64x512xf32, #tpu.memory_space<hbm>>
    %dma_wait3A_677 = tpu.memref_slice %arg10[%dma_wait3A_673] : memref<2x!tpu.dma_semaphore, #tpu.memory_space<semaphore_mem>> -> memref<1x!tpu.dma_semaphore, #tpu.memory_space<semaphore_mem>>
    %dma_wait3A_678 = tpu.memref_squeeze %dma_wait3A_677 : memref<1x!tpu.dma_semaphore, #tpu.memory_space<semaphore_mem>> -> memref<!tpu.dma_semaphore, #tpu.memory_space<semaphore_mem>>
    %dma_wait3A_679 = arith.constant 0 : i32
    %dma_wait3A_680 = tpu.memref_slice %arg4[%dma_wait3A_671, %dma_wait3A_672, %mul3A_2, %dma_wait3A_679] : memref<16x1x2048x512xf32, #tpu.memory_space<hbm>> -> memref<1x1x64x512xf32, #tpu.memory_space<hbm>>
    %dma_wait3A_681 = tpu.memref_squeeze %dma_wait3A_680 : memref<1x1x64x512xf32, #tpu.memory_space<hbm>> -> memref<64x512xf32, #tpu.memory_space<hbm>>
    tpu.wait_dma2 semaphore(%dma_wait3A_678 : memref<!tpu.dma_semaphore, #tpu.memory_space<semaphore_mem>>) src(%arg7 : memref<64x512xf32, #tpu.memory_space<vmem>>) dst(%dma_wait3A_681 : memref<64x512xf32, #tpu.memory_space<hbm>>)
    %dma_start3A_682 = arith.constant 15 : i32
    %dma_start3A_683 = arith.constant 1 : i32
    %dma_start3A_684 = arith.constant 0 : i32
    %dma_start3A_685 = tpu.memref_slice %arg2[%dma_start3A_682, %mul3A_2, %dma_start3A_684] : memref<16x2048x512xf32, #tpu.memory_space<hbm>> -> memref<1x64x512xf32, #tpu.memory_space<hbm>>
    %dma_start3A_686 = tpu.memref_squeeze %dma_start3A_685 : memref<1x64x512xf32, #tpu.memory_space<hbm>> -> memref<64x512xf32, #tpu.memory_space<hbm>>
    %dma_start3A_687 = tpu.memref_slice %arg9[%dma_start3A_683] : memref<2x!tpu.dma_semaphore, #tpu.memory_space<semaphore_mem>> -> memref<1x!tpu.dma_semaphore, #tpu.memory_space<semaphore_mem>>
    %dma_start3A_688 = tpu.memref_squeeze %dma_start3A_687 : memref<1x!tpu.dma_semaphore, #tpu.memory_space<semaphore_mem>> -> memref<!tpu.dma_semaphore, #tpu.memory_space<semaphore_mem>>
    %dma_start3A_689 = arith.constant 0 : i32
    %dma_start3A_690 = tpu.memref_slice %arg2[%dma_start3A_682, %mul3A_2, %dma_start3A_689] : memref<16x2048x512xf32, #tpu.memory_space<hbm>> -> memref<1x64x512xf32, #tpu.memory_space<hbm>>
    %dma_start3A_691 = tpu.memref_squeeze %dma_start3A_690 : memref<1x64x512xf32, #tpu.memory_space<hbm>> -> memref<64x512xf32, #tpu.memory_space<hbm>>
    tpu.enqueue_dma source(%dma_start3A_691 : memref<64x512xf32, #tpu.memory_space<hbm>>) target(%arg7 : memref<64x512xf32, #tpu.memory_space<vmem>>) target_semaphore(%dma_start3A_688 : memref<!tpu.dma_semaphore, #tpu.memory_space<semaphore_mem>>)
    %dma_wait3A_692 = arith.constant 14 : i32
    %dma_wait3A_693 = arith.constant 0 : i32
    %dma_wait3A_694 = arith.constant 0 : i32
    %dma_wait3A_695 = tpu.memref_slice %arg2[%dma_wait3A_692, %mul3A_2, %dma_wait3A_694] : memref<16x2048x512xf32, #tpu.memory_space<hbm>> -> memref<1x64x512xf32, #tpu.memory_space<hbm>>
    %dma_wait3A_696 = tpu.memref_squeeze %dma_wait3A_695 : memref<1x64x512xf32, #tpu.memory_space<hbm>> -> memref<64x512xf32, #tpu.memory_space<hbm>>
    %dma_wait3A_697 = tpu.memref_slice %arg9[%dma_wait3A_693] : memref<2x!tpu.dma_semaphore, #tpu.memory_space<semaphore_mem>> -> memref<1x!tpu.dma_semaphore, #tpu.memory_space<semaphore_mem>>
    %dma_wait3A_698 = tpu.memref_squeeze %dma_wait3A_697 : memref<1x!tpu.dma_semaphore, #tpu.memory_space<semaphore_mem>> -> memref<!tpu.dma_semaphore, #tpu.memory_space<semaphore_mem>>
    %dma_wait3A_699 = arith.constant 0 : i32
    %dma_wait3A_700 = tpu.memref_slice %arg2[%dma_wait3A_692, %mul3A_2, %dma_wait3A_699] : memref<16x2048x512xf32, #tpu.memory_space<hbm>> -> memref<1x64x512xf32, #tpu.memory_space<hbm>>
    %dma_wait3A_701 = tpu.memref_squeeze %dma_wait3A_700 : memref<1x64x512xf32, #tpu.memory_space<hbm>> -> memref<64x512xf32, #tpu.memory_space<hbm>>
    tpu.wait_dma2 semaphore(%dma_wait3A_698 : memref<!tpu.dma_semaphore, #tpu.memory_space<semaphore_mem>>) src(%dma_wait3A_701 : memref<64x512xf32, #tpu.memory_space<hbm>>) dst(%arg6 : memref<64x512xf32, #tpu.memory_space<vmem>>)
    %scan3A_702 = arith.constant 0 : i32
    %scan3A_703 = arith.constant 64 : i32
    %scan3A_704 = arith.addi %scan3A_702, %scan3A_703 : i32
    %scan3A_705 = arith.constant 1 : i32
    scf.for %scan3A_766 = %scan3A_702 to %scan3A_704 step %scan3A_705  : i32 {
      %mul3A_767 = arith.constant 1 : i32
      %mul3A_768 = arith.muli %scan3A_766, %mul3A_767 : i32
      %add3A_769 = arith.constant 0 : i32
      %add3A_770 = arith.addi %add3A_769, %mul3A_768 : i32
      %parallel_loop3A = arith.constant 0 : i32
      %parallel_loop3A_771 = arith.constant 512 : i32
      %parallel_loop3A_772 = arith.constant 16 : i32
      scf.for %parallel_loop3A_773 = %parallel_loop3A to %parallel_loop3A_771 step %parallel_loop3A_772  : i32 {
        %parallel_loop3A_774 = arith.index_cast %add3A_770 : i32 to index
        %parallel_loop3A_775 = arith.index_cast %parallel_loop3A_773 : i32 to index
        %parallel_loop3A_776 = tpu.vector_load %arg6[%parallel_loop3A_774, %parallel_loop3A_775] {strides = array<i32>} : memref<64x512xf32, #tpu.memory_space<vmem>>, vector<1x16xf32>,
        %parallel_loop3A_777 = vector.shape_cast %parallel_loop3A_776 : vector<1x16xf32> to vector<16xf32>
        %parallel_loop3A_778 = arith.constant 2.000000e+00 : f32
        %parallel_loop3A_779 = vector.broadcast %parallel_loop3A_778 : f32 to vector<16xf32>
        %parallel_loop3A_780 = arith.mulf %parallel_loop3A_777, %parallel_loop3A_779 : vector<16xf32>
        %parallel_loop3A_781 = arith.index_cast %add3A_770 : i32 to index
        %parallel_loop3A_782 = arith.index_cast %parallel_loop3A_773 : i32 to index
        %parallel_loop3A_783 = tpu.vector_load %arg5[%parallel_loop3A_781, %parallel_loop3A_782] {strides = array<i32>} : memref<64x512xf32, #tpu.memory_space<vmem>>, vector<1x16xf32>,
        %parallel_loop3A_784 = vector.shape_cast %parallel_loop3A_783 : vector<1x16xf32> to vector<16xf32>
        %parallel_loop3A_785 = arith.addf %parallel_loop3A_780, %parallel_loop3A_784 : vector<16xf32>
        %parallel_loop3A_786 = arith.index_cast %add3A_770 : i32 to index
        %parallel_loop3A_787 = arith.index_cast %parallel_loop3A_773 : i32 to index
        %parallel_loop3A_788 = tpu.vector_load %arg6[%parallel_loop3A_786, %parallel_loop3A_787] {strides = array<i32>} : memref<64x512xf32, #tpu.memory_space<vmem>>, vector<1x16xf32>,
        %parallel_loop3A_789 = vector.shape_cast %parallel_loop3A_788 : vector<1x16xf32> to vector<16xf32>
        %parallel_loop3A_790 = vector.shape_cast %parallel_loop3A_785 : vector<16xf32> to vector<1x16xf32>
        tpu.vector_store %arg6[%parallel_loop3A_786, %parallel_loop3A_787], %parallel_loop3A_790 {strides = array<i32>} : memref<64x512xf32, #tpu.memory_space<vmem>>, vector<1x16xf32>,
      } {sc.loop_unroll_factor = 8 : i64, sc.parallel_access}
    }
    %scan3A_706 = arith.constant 64 : i32
    %dma_start3A_707 = arith.constant 14 : i32
    %dma_start3A_708 = arith.constant 0 : i32
    %dma_start3A_709 = arith.constant 0 : i32
    %dma_start3A_710 = arith.constant 0 : i32
    %dma_start3A_711 = tpu.memref_slice %arg4[%dma_start3A_707, %dma_start3A_708, %mul3A_2, %dma_start3A_710] : memref<16x1x2048x512xf32, #tpu.memory_space<hbm>> -> memref<1x1x64x512xf32, #tpu.memory_space<hbm>>
    %dma_start3A_712 = tpu.memref_squeeze %dma_start3A_711 : memref<1x1x64x512xf32, #tpu.memory_space<hbm>> -> memref<64x512xf32, #tpu.memory_space<hbm>>
    %dma_start3A_713 = tpu.memref_slice %arg10[%dma_start3A_709] : memref<2x!tpu.dma_semaphore, #tpu.memory_space<semaphore_mem>> -> memref<1x!tpu.dma_semaphore, #tpu.memory_space<semaphore_mem>>
    %dma_start3A_714 = tpu.memref_squeeze %dma_start3A_713 : memref<1x!tpu.dma_semaphore, #tpu.memory_space<semaphore_mem>> -> memref<!tpu.dma_semaphore, #tpu.memory_space<semaphore_mem>>
    %dma_start3A_715 = arith.constant 0 : i32
    %dma_start3A_716 = tpu.memref_slice %arg4[%dma_start3A_707, %dma_start3A_708, %mul3A_2, %dma_start3A_715] : memref<16x1x2048x512xf32, #tpu.memory_space<hbm>> -> memref<1x1x64x512xf32, #tpu.memory_space<hbm>>
    %dma_start3A_717 = tpu.memref_squeeze %dma_start3A_716 : memref<1x1x64x512xf32, #tpu.memory_space<hbm>> -> memref<64x512xf32, #tpu.memory_space<hbm>>
    tpu.enqueue_dma source(%arg6 : memref<64x512xf32, #tpu.memory_space<vmem>>) target(%dma_start3A_717 : memref<64x512xf32, #tpu.memory_space<hbm>>) target_semaphore(%dma_start3A_714 : memref<!tpu.dma_semaphore, #tpu.memory_space<semaphore_mem>>)
    %dma_wait3A_718 = arith.constant 15 : i32
    %dma_wait3A_719 = arith.constant 1 : i32
    %dma_wait3A_720 = arith.constant 0 : i32
    %dma_wait3A_721 = tpu.memref_slice %arg2[%dma_wait3A_718, %mul3A_2, %dma_wait3A_720] : memref<16x2048x512xf32, #tpu.memory_space<hbm>> -> memref<1x64x512xf32, #tpu.memory_space<hbm>>
    %dma_wait3A_722 = tpu.memref_squeeze %dma_wait3A_721 : memref<1x64x512xf32, #tpu.memory_space<hbm>> -> memref<64x512xf32, #tpu.memory_space<hbm>>
    %dma_wait3A_723 = tpu.memref_slice %arg9[%dma_wait3A_719] : memref<2x!tpu.dma_semaphore, #tpu.memory_space<semaphore_mem>> -> memref<1x!tpu.dma_semaphore, #tpu.memory_space<semaphore_mem>>
    %dma_wait3A_724 = tpu.memref_squeeze %dma_wait3A_723 : memref<1x!tpu.dma_semaphore, #tpu.memory_space<semaphore_mem>> -> memref<!tpu.dma_semaphore, #tpu.memory_space<semaphore_mem>>
    %dma_wait3A_725 = arith.constant 0 : i32
    %dma_wait3A_726 = tpu.memref_slice %arg2[%dma_wait3A_718, %mul3A_2, %dma_wait3A_725] : memref<16x2048x512xf32, #tpu.memory_space<hbm>> -> memref<1x64x512xf32, #tpu.memory_space<hbm>>
    %dma_wait3A_727 = tpu.memref_squeeze %dma_wait3A_726 : memref<1x64x512xf32, #tpu.memory_space<hbm>> -> memref<64x512xf32, #tpu.memory_space<hbm>>
    tpu.wait_dma2 semaphore(%dma_wait3A_724 : memref<!tpu.dma_semaphore, #tpu.memory_space<semaphore_mem>>) src(%dma_wait3A_727 : memref<64x512xf32, #tpu.memory_space<hbm>>) dst(%arg7 : memref<64x512xf32, #tpu.memory_space<vmem>>)
    %scan3A_728 = arith.constant 0 : i32
    %scan3A_729 = arith.constant 64 : i32
    %scan3A_730 = arith.addi %scan3A_728, %scan3A_729 : i32
    %scan3A_731 = arith.constant 1 : i32
    scf.for %scan3A_766 = %scan3A_728 to %scan3A_730 step %scan3A_731  : i32 {
      %mul3A_767 = arith.constant 1 : i32
      %mul3A_768 = arith.muli %scan3A_766, %mul3A_767 : i32
      %add3A_769 = arith.constant 0 : i32
      %add3A_770 = arith.addi %add3A_769, %mul3A_768 : i32
      %parallel_loop3A = arith.constant 0 : i32
      %parallel_loop3A_771 = arith.constant 512 : i32
      %parallel_loop3A_772 = arith.constant 16 : i32
      scf.for %parallel_loop3A_773 = %parallel_loop3A to %parallel_loop3A_771 step %parallel_loop3A_772  : i32 {
        %parallel_loop3A_774 = arith.index_cast %add3A_770 : i32 to index
        %parallel_loop3A_775 = arith.index_cast %parallel_loop3A_773 : i32 to index
        %parallel_loop3A_776 = tpu.vector_load %arg7[%parallel_loop3A_774, %parallel_loop3A_775] {strides = array<i32>} : memref<64x512xf32, #tpu.memory_space<vmem>>, vector<1x16xf32>,
        %parallel_loop3A_777 = vector.shape_cast %parallel_loop3A_776 : vector<1x16xf32> to vector<16xf32>
        %parallel_loop3A_778 = arith.constant 2.000000e+00 : f32
        %parallel_loop3A_779 = vector.broadcast %parallel_loop3A_778 : f32 to vector<16xf32>
        %parallel_loop3A_780 = arith.mulf %parallel_loop3A_777, %parallel_loop3A_779 : vector<16xf32>
        %parallel_loop3A_781 = arith.index_cast %add3A_770 : i32 to index
        %parallel_loop3A_782 = arith.index_cast %parallel_loop3A_773 : i32 to index
        %parallel_loop3A_783 = tpu.vector_load %arg5[%parallel_loop3A_781, %parallel_loop3A_782] {strides = array<i32>} : memref<64x512xf32, #tpu.memory_space<vmem>>, vector<1x16xf32>,
        %parallel_loop3A_784 = vector.shape_cast %parallel_loop3A_783 : vector<1x16xf32> to vector<16xf32>
        %parallel_loop3A_785 = arith.addf %parallel_loop3A_780, %parallel_loop3A_784 : vector<16xf32>
        %parallel_loop3A_786 = arith.index_cast %add3A_770 : i32 to index
        %parallel_loop3A_787 = arith.index_cast %parallel_loop3A_773 : i32 to index
        %parallel_loop3A_788 = tpu.vector_load %arg7[%parallel_loop3A_786, %parallel_loop3A_787] {strides = array<i32>} : memref<64x512xf32, #tpu.memory_space<vmem>>, vector<1x16xf32>,
        %parallel_loop3A_789 = vector.shape_cast %parallel_loop3A_788 : vector<1x16xf32> to vector<16xf32>
        %parallel_loop3A_790 = vector.shape_cast %parallel_loop3A_785 : vector<16xf32> to vector<1x16xf32>
        tpu.vector_store %arg7[%parallel_loop3A_786, %parallel_loop3A_787], %parallel_loop3A_790 {strides = array<i32>} : memref<64x512xf32, #tpu.memory_space<vmem>>, vector<1x16xf32>,
      } {sc.loop_unroll_factor = 8 : i64, sc.parallel_access}
    }
    %scan3A_732 = arith.constant 64 : i32
    %dma_start3A_733 = arith.constant 15 : i32
    %dma_start3A_734 = arith.constant 0 : i32
    %dma_start3A_735 = arith.constant 1 : i32
    %dma_start3A_736 = arith.constant 0 : i32
    %dma_start3A_737 = tpu.memref_slice %arg4[%dma_start3A_733, %dma_start3A_734, %mul3A_2, %dma_start3A_736] : memref<16x1x2048x512xf32, #tpu.memory_space<hbm>> -> memref<1x1x64x512xf32, #tpu.memory_space<hbm>>
    %dma_start3A_738 = tpu.memref_squeeze %dma_start3A_737 : memref<1x1x64x512xf32, #tpu.memory_space<hbm>> -> memref<64x512xf32, #tpu.memory_space<hbm>>
    %dma_start3A_739 = tpu.memref_slice %arg10[%dma_start3A_735] : memref<2x!tpu.dma_semaphore, #tpu.memory_space<semaphore_mem>> -> memref<1x!tpu.dma_semaphore, #tpu.memory_space<semaphore_mem>>
    %dma_start3A_740 = tpu.memref_squeeze %dma_start3A_739 : memref<1x!tpu.dma_semaphore, #tpu.memory_space<semaphore_mem>> -> memref<!tpu.dma_semaphore, #tpu.memory_space<semaphore_mem>>
    %dma_start3A_741 = arith.constant 0 : i32
    %dma_start3A_742 = tpu.memref_slice %arg4[%dma_start3A_733, %dma_start3A_734, %mul3A_2, %dma_start3A_741] : memref<16x1x2048x512xf32, #tpu.memory_space<hbm>> -> memref<1x1x64x512xf32, #tpu.memory_space<hbm>>
    %dma_start3A_743 = tpu.memref_squeeze %dma_start3A_742 : memref<1x1x64x512xf32, #tpu.memory_space<hbm>> -> memref<64x512xf32, #tpu.memory_space<hbm>>
    tpu.enqueue_dma source(%arg7 : memref<64x512xf32, #tpu.memory_space<vmem>>) target(%dma_start3A_743 : memref<64x512xf32, #tpu.memory_space<hbm>>) target_semaphore(%dma_start3A_740 : memref<!tpu.dma_semaphore, #tpu.memory_space<semaphore_mem>>)
    %dma_wait3A_744 = arith.constant 14 : i32
    %dma_wait3A_745 = arith.constant 0 : i32
    %dma_wait3A_746 = arith.constant 0 : i32
    %dma_wait3A_747 = arith.constant 0 : i32
    %dma_wait3A_748 = tpu.memref_slice %arg4[%dma_wait3A_744, %dma_wait3A_745, %mul3A_2, %dma_wait3A_747] : memref<16x1x2048x512xf32, #tpu.memory_space<hbm>> -> memref<1x1x64x512xf32, #tpu.memory_space<hbm>>
    %dma_wait3A_749 = tpu.memref_squeeze %dma_wait3A_748 : memref<1x1x64x512xf32, #tpu.memory_space<hbm>> -> memref<64x512xf32, #tpu.memory_space<hbm>>
    %dma_wait3A_750 = tpu.memref_slice %arg10[%dma_wait3A_746] : memref<2x!tpu.dma_semaphore, #tpu.memory_space<semaphore_mem>> -> memref<1x!tpu.dma_semaphore, #tpu.memory_space<semaphore_mem>>
    %dma_wait3A_751 = tpu.memref_squeeze %dma_wait3A_750 : memref<1x!tpu.dma_semaphore, #tpu.memory_space<semaphore_mem>> -> memref<!tpu.dma_semaphore, #tpu.memory_space<semaphore_mem>>
    %dma_wait3A_752 = arith.constant 0 : i32
    %dma_wait3A_753 = tpu.memref_slice %arg4[%dma_wait3A_744, %dma_wait3A_745, %mul3A_2, %dma_wait3A_752] : memref<16x1x2048x512xf32, #tpu.memory_space<hbm>> -> memref<1x1x64x512xf32, #tpu.memory_space<hbm>>
    %dma_wait3A_754 = tpu.memref_squeeze %dma_wait3A_753 : memref<1x1x64x512xf32, #tpu.memory_space<hbm>> -> memref<64x512xf32, #tpu.memory_space<hbm>>
    tpu.wait_dma2 semaphore(%dma_wait3A_751 : memref<!tpu.dma_semaphore, #tpu.memory_space<semaphore_mem>>) src(%arg6 : memref<64x512xf32, #tpu.memory_space<vmem>>) dst(%dma_wait3A_754 : memref<64x512xf32, #tpu.memory_space<hbm>>)
    %dma_wait3A_755 = arith.constant 15 : i32
    %dma_wait3A_756 = arith.constant 0 : i32
    %dma_wait3A_757 = arith.constant 1 : i32
    %dma_wait3A_758 = arith.constant 0 : i32
    %dma_wait3A_759 = tpu.memref_slice %arg4[%dma_wait3A_755, %dma_wait3A_756, %mul3A_2, %dma_wait3A_758] : memref<16x1x2048x512xf32, #tpu.memory_space<hbm>> -> memref<1x1x64x512xf32, #tpu.memory_space<hbm>>
    %dma_wait3A_760 = tpu.memref_squeeze %dma_wait3A_759 : memref<1x1x64x512xf32, #tpu.memory_space<hbm>> -> memref<64x512xf32, #tpu.memory_space<hbm>>
    %dma_wait3A_761 = tpu.memref_slice %arg10[%dma_wait3A_757] : memref<2x!tpu.dma_semaphore, #tpu.memory_space<semaphore_mem>> -> memref<1x!tpu.dma_semaphore, #tpu.memory_space<semaphore_mem>>
    %dma_wait3A_762 = tpu.memref_squeeze %dma_wait3A_761 : memref<1x!tpu.dma_semaphore, #tpu.memory_space<semaphore_mem>> -> memref<!tpu.dma_semaphore, #tpu.memory_space<semaphore_mem>>
    %dma_wait3A_763 = arith.constant 0 : i32
    %dma_wait3A_764 = tpu.memref_slice %arg4[%dma_wait3A_755, %dma_wait3A_756, %mul3A_2, %dma_wait3A_763] : memref<16x1x2048x512xf32, #tpu.memory_space<hbm>> -> memref<1x1x64x512xf32, #tpu.memory_space<hbm>>
    %dma_wait3A_765 = tpu.memref_squeeze %dma_wait3A_764 : memref<1x1x64x512xf32, #tpu.memory_space<hbm>> -> memref<64x512xf32, #tpu.memory_space<hbm>>
    tpu.wait_dma2 semaphore(%dma_wait3A_762 : memref<!tpu.dma_semaphore, #tpu.memory_space<semaphore_mem>>) src(%arg7 : memref<64x512xf32, #tpu.memory_space<vmem>>) dst(%dma_wait3A_765 : memref<64x512xf32, #tpu.memory_space<hbm>>)
    return
  }
}

</mosaic_0001>

<sc_bundles>
// kernel: kernel.3.cloned.1.call-start
scs
__scs_entry_jumppad:
0x0: {  	(pc) =	sbr.rel $0x88, $3  }
0x1: {  	(tag) =	ssettag $0x0;
	lr =	simm.s32 $0x1  }
0x2: {  	[smem:$0x3F9F] =	sst lr;
	_ =	strace $0xD0000000  }
0x3: {  	_ = 	snop  }
0x4: {  	_ = 	snop  }
0x5: {  	_ = 	snop  }
0x6: {  	_ = 	snop  }
0x7: {  	_ = 	snop  }
__scs_overlays_trampoline_lowered:
0x8: {  	[smem:$0x3FAE] =	sst s0  }
0x9: {  	[smem:$0x3FAF] =	sst s1  }
0xa: {  	[smem:$0x3FB0] =	sst s2  }
0xb: {  	[smem:$0x3FB1] =	sst s3  }
0xc: {  	[smem:$0x3FB2] =	sst s4  }
0xd: {  	[smem:$0x3FB3] =	sst s5  }
0xe: {  	[smem:$0x3FB4] =	sst s6  }
0xf: {  	[smem:$0x3FB5] =	sst s7  }
0x10: {  	[smem:$0x3FB6] =	sst s8  }
0x11: {  	[smem:$0x3FB7] =	sst s9;
	s0 =	simm.s32 @!p0 $0x0  }
0x12: {  	s1 =	sld [smem:$0x3F9D];
	s0 =	simm.s32 @p0 $0x1  }
0x13: {  	[smem:$0x3FB8] =	sst s0;
	s0 =	simm.s32 @!p1 $0x0  }
0x14: {  	s2 =	sld [smem:$0x3F9C];
	s0 =	simm.s32 @p1 $0x1  }
0x15: {  	[smem:$0x3FB9] =	sst s0;
	s0 =	simm.s32 @!p2 $0x0  }
0x16: {  	s3 =	sld [smem:$0x3FDB];
	s0 =	simm.s32 @p2 $0x1  }
0x17: {  	s4 =	simm.s32 $0x1BF5;
	[smem:$0x3FBB] =	sst s0  }
0x18: {  	s0 =	sld [smem:$0x3F9E];
	_ =	swait.ge [sflag:s4], $0x0  }
0x19: {  	s7 =	sld [smem:$0x3F9F]  }
0x1a: {  	s8 =	sadd.s32 $0xFFFFE003, lr  }
0x1b: {  	s9 =	sadd.s32 $0xFFFFFEF7, lr;
	s5 =	simm.s32 $0xFFFFFFFF;
	p2 =	slt.u32 s8, $0xFFFFF086  }
0x1c: {  	p1 =	slt.u32 s9, $0xF7A;
	s5 =	simm.s32 @!p2 $0x0  }
0x1d: {  	s5 =	simm.s32 @p1 $0x1;
	p0 =	seq.s32 s7, s2  }
0x1e: {  	s7 =	smul.u32 @!p0 $0xF7A, s2;
	p2 =	seq.s32 @!p0 s5, $0x0  }
0x1f: {  	s9 =	smul.u32 $0xF7A, s1;
	s8 =	simm.s32 @!p0 $0x1BF5;
	p2 =	por !p2, p0  }
0x20: {  	[sflag:s8] =	ssyncset.s32 @!p0 $0xFFFFF086;
	s6 =	sadd.s32 @!p0 s3, s7;
	s7 =	simm.s32 @!p0 $0x108  }
0x21: {  	s3 =	sadd.s32 s3, s9;
	s6 =	sadd.s32 @!p0 $0x88, s6;
	s7 =	simm.s32 @p2 $0x1082  }
0x22: {  	[simem:s7], [sflag:s8] =	dma.local @!p0 [hbm:s6], $0xF7A  }
0x23: {  	s9 =	sor.u32 $0xD0000000, s2;
	s6 =	simm.s32 $0x108;
	_ =	swait.ge @!p0 [sflag:s8], $0x0  }
0x24: {  	s3 =	sadd.s32 $0x88, s3;
	s6 =	simm.s32 @!p1 $0x1082;
	[sflag:s4] =	ssyncset.s32 $0xFFFFF086  }
0x25: {  	[simem:s6], [sflag:s4] =	dma.local [hbm:s3], $0xF7A  }
0x26: {  	[smem:$0x3F9F] =	sst s1;
	(tag) =	ssettag s2;
	_ =	strace s9  }
0x27: {  	s1 =	sld [smem:$0x3FAF]  }
0x28: {  	s2 =	sld [smem:$0x3FB0]  }
0x29: {  	s4 =	sld [smem:$0x3FB2]  }
0x2a: {  	p0 =	seq.s32 s5, $0x0;
	s5 =	sld [smem:$0x3FB3]  }
0x2b: {  	s6 =	sld [smem:$0x3FB4]  }
0x2c: {  	s7 =	sld [smem:$0x3FB5]  }
0x2d: {  	s3 =	simm.s32 $0x108;
	s8 =	sld [smem:$0x3FB6]  }
0x2e: {  	s3 =	simm.s32 @!p0 $0x1082;
	s9 =	sld [smem:$0x3FB7]  }
0x2f: {  	lr =	sadd.s32 s0, s3;
	s0 =	sld [smem:$0x3FAE]  }
0x30: {  	s3 =	sld [smem:$0x3FB1]  }
0x31: {  	[smem:$0x3FBA] =	sst s10  }
0x32: {  	s10 =	sld [smem:$0x3FB8];
	_ =	sdelay $0x3  }
0x33: {  	p0 =	seq.s32 s10, $0x1;
	s10 =	sld [smem:$0x3FBA];
	_ =	sdelay $0x3  }
0x34: {  	[smem:$0x3FBA] =	sst s10  }
0x35: {  	s10 =	sld [smem:$0x3FB9];
	_ =	sdelay $0x3  }
0x36: {  	p1 =	seq.s32 s10, $0x1;
	s10 =	sld [smem:$0x3FBA];
	_ =	sdelay $0x3  }
0x37: {  	[smem:$0x3FBA] =	sst s10  }
0x38: {  	s10 =	sld [smem:$0x3FBB]  }
0x39: {  	_ = 	snop;
	(pc) =	sbr.ind lr, $3  }
0x3a: {  	_ = 	snop  }
0x3b: {  	_ = 	snop  }
0x3c: {  	p2 =	seq.s32 s10, $0x1;
	s10 =	sld [smem:$0x3FBA]  }
0x3d: {  	_ =	shalt  }
0x3e: {  	_ =	shalt  }
0x3f: {  	_ =	shalt  }
0x40: {  	_ =	shalt  }
0x41: {  	_ =	shalt  }
0x42: {  	_ =	shalt  }
0x43: {  	_ =	shalt  }
0x44: {  	_ =	shalt  }
0x45: {  	_ =	shalt  }
0x46: {  	_ =	shalt  }
0x47: {  	_ =	shalt  }
0x48: {  	_ =	shalt  }
0x49: {  	_ =	shalt  }
0x4a: {  	_ =	shalt  }
0x4b: {  	_ =	shalt  }
0x4c: {  	_ =	shalt  }
0x4d: {  	_ =	shalt  }
0x4e: {  	_ =	shalt  }
0x4f: {  	_ =	shalt  }
0x50: {  	_ =	shalt  }
0x51: {  	_ =	shalt  }
0x52: {  	_ =	shalt  }
0x53: {  	_ =	shalt  }
0x54: {  	_ =	shalt  }
0x55: {  	_ =	shalt  }
0x56: {  	_ =	shalt  }
0x57: {  	_ =	shalt  }
0x58: {  	_ =	shalt  }
0x59: {  	_ =	shalt  }
0x5a: {  	_ =	shalt  }
0x5b: {  	_ =	shalt  }
0x5c: {  	_ =	shalt  }
0x5d: {  	_ =	shalt  }
0x5e: {  	_ =	shalt  }
0x5f: {  	_ =	shalt  }
0x60: {  	_ =	shalt  }
0x61: {  	_ =	shalt  }
0x62: {  	_ =	shalt  }
0x63: {  	_ =	shalt  }
0x64: {  	_ =	shalt  }
0x65: {  	_ =	shalt  }
0x66: {  	_ =	shalt  }
0x67: {  	_ =	shalt  }
0x68: {  	_ =	shalt  }
0x69: {  	_ =	shalt  }
0x6a: {  	_ =	shalt  }
0x6b: {  	_ =	shalt  }
0x6c: {  	_ =	shalt  }
0x6d: {  	_ =	shalt  }
0x6e: {  	_ =	shalt  }
0x6f: {  	_ =	shalt  }
0x70: {  	_ =	shalt  }
0x71: {  	_ =	shalt  }
0x72: {  	_ =	shalt  }
0x73: {  	_ =	shalt  }
0x74: {  	_ =	shalt  }
0x75: {  	_ =	shalt  }
0x76: {  	_ =	shalt  }
0x77: {  	_ =	shalt  }
0x78: {  	_ =	shalt  }
0x79: {  	_ =	shalt  }
0x7a: {  	_ =	shalt  }
0x7b: {  	_ =	shalt  }
0x7c: {  	_ =	shalt  }
0x7d: {  	_ =	shalt  }
0x7e: {  	_ =	shalt  }
0x7f: {  	_ =	shalt  }
0x80: {  	_ =	shalt  }
0x81: {  	_ =	shalt  }
0x82: {  	_ =	shalt  }
0x83: {  	_ =	shalt  }
0x84: {  	_ =	shalt  }
0x85: {  	_ =	shalt  }
0x86: {  	_ =	shalt  }
0x87: {  	_ =	shalt  }
.Lfunc_end0:
.L_simem_size_0:
called_computation_lowered:
.L_overlay_start_0:
0x88: {  	s2 =	sld [smem:$0x3FD9]  }
0x89: {  	s3 =	sld [smem:$0x3FFE];
	_ =	sdelay $0x1  }
0x8a: {  	s1 =	srdreg.scid  }
0x8b: {  	s0 =	sand.u32 $0x1, s1  }
0x8c: {  	s15 =	sshll.u32 s0, $0xA;
	s2 =	sadd.s32 s3, s2  }
0x8d: {  	s2 =	sadd.s32 s2, s15  }
0x8e: {  	[smem:$0x3FC6] =	sst s2  }
0x8f: {  	_ = 	snop  }
0x90: {  	s2 =	sld [smem:$0x3FD0];
	_ =	sdelay $0x1  }
0x91: {  	s16 =	sld [smem:$0x3FC9]  }
0x92: {  	s5 =	simm.s32 $0xA;
	s6 =	simm.s32 $0x10;
	s4 =	sld [smem:$0x3FC8]  }
0x93: {  	[smem:s6], [sflag:s5] =	dma.local [hbm:s2], $0x1  }
0x94: {  	_ =	swait.eq [sflag:s5], $0x1  }
0x95: {  	[sflag:s5] =	ssyncset.done $0x0  }
0x96: {  	[sflag:s5] =	ssyncadd.s32 $0xFFFFFFFF  }
0x97: {  	s17 =	sld [smem:$0x10];
	(tm) =	ssettm $0x1  }
0x98: {  	s18 =	sld [smem:$0x3FFB];
	_ =	sdelay $0x3  }
0x99: {  	_ =	strace s18  }
0x9a: {  	s5 =	sld [smem:$0x3FFC];
	_ =	sdelay $0x3  }
0x9b: {  	_ =	strace s5  }
0x9c: {  	s5 =	sld [smem:$0x3FFD];
	_ =	sdelay $0x3  }
0x9d: {  	_ =	strace s5  }
0x9e: {  	_ =	strace $0x8FFFFFFF  }
0x9f: {  	s19 =	sld [smem:$0x3FDB];
	_ =	sdelay $0x1  }
0xa0: {  	s20 =	simm.s32 $_scs_section_size  }
0xa1: {  	s7 =	simm.s32 $_size__tile_overlayer_lowered;
	s8 =	simm.s32 $_tile_overlayer_lowered  }
0xa2: {  	s23 =	simm.s32 $0x1BFF;
	s22 =	sshll.u32 s8, $0x1;
	s5 =	sadd.s32 s20, s19  }
0xa3: {  	s9 =	simm.s32 $0x0;
	s21 =	sshll.u32 s7, $0x1;
	s7 =	sadd.s32 s22, s5  }
0xa4: {  	[timem:s9], [sflag:s23] =	dma.local [hbm:s7], s21  }
0xa5: {  	_ =	swait.ge [sflag:s23], s21  }
0xa6: {  	s6 =	ssub.s32 $0x0, s21;
	[sflag:s23] =	ssyncset.done $0x0  }
0xa7: {  	[sflag:s23] =	ssyncadd.s32 s6;
	_ =	sdelay $0x1  }
0xa8: {  	s24 =	simm.s32 $0x1B8B  }
0xa9: {  	_ =	swait.ge [sflag:s24], $0x1  }
0xaa: {  	[sflag:s24] =	ssyncset.done $0x0  }
0xab: {  	s25 =	simm.s32 $0x1B8E;
	[sflag:s24] =	ssyncadd.s32 $0xFFFFFFFF  }
0xac: {  	s26 =	simm.s32 $execute0_lowered;
	[smem:$0x3FD2] =	sst s25  }
0xad: {  	s6 =	sshll.u32 s26, $0x1;
	_ =	strace $0x80000046;
	[dreg:$0x1] =	wrdreg $0xFFFFFFFF  }
0xae: {  	s28 =	simm.s32 $_size_execute0_lowered;
	s5 =	sadd.s32 s5, s6;
	[dreg:$0x0] =	wrdreg $0x0  }
0xaf: {  	s6 =	sshll.u32 s28, $0x1;
	[dreg:$0x2] =	wrdreg s5  }
0xb0: {  	[dreg:$0x3] =	wrdreg s6  }
0xb1: {  	[dreg:$0x4] =	wrdreg $0xC0  }
0xb2: {  	_ =	task [dreg:s9], $0x5FFFF  }
0xb3: {  	[dreg:$0x1] =	wrdreg $0xFFFFFFFF  }
0xb4: {  	[dreg:$0x0] =	wrdreg $0x60  }
0xb5: {  	[dreg:$0x2] =	wrdreg s16  }
0xb6: {  	[dreg:$0x3] =	wrdreg s4  }
0xb7: {  	[dreg:$0x4] =	wrdreg s17  }
0xb8: {  	[dreg:$0x5] =	wrdreg $0x9  }
0xb9: {  	_ =	task.clear_ibuf [dreg:s9], $0x6FFFF;
	_ =	strace $0x90000046  }
0xba: {  	s29 =	simm.s32 $0x9;
	_ =	strace $0x80000048  }
0xbb: {  	_ =	swait.ge [sflag:s29], $0x1  }
0xbc: {  	[sflag:s29] =	ssyncadd.s32 $0xFFFFFFFF  }
0xbd: {  	_ =	strace $0x90000048  }
0xbe: {  	_ =	sfence  }
0xbf: {  	s30 =	sld [smem:$0x0];
	_ =	sdelay $0x2  }
0xc0: {  	s31 =	sshll.u32 s1, $0xD;
	s1 =	sshrl.u32 s1, $0x2  }
0xc1: {  	s3 =	sand.u32 $0x4000, s31;
	s1 =	sadd.s32 s1, s30  }
0xc2: {  	s0 =	sor.u32 s3, s0;
	s1 =	sshll.u32 s1, $0x11  }
0xc3: {  	s0 =	sor.u32 s1, s0  }
0xc4: {  	s0 =	sadd.s32 $0x8F2B, s0  }
0xc5: {  	[sflag:s0] =	ssyncadd.remote.s32 $0x1  }
0xc6: {  	_ =	sfence.sel $0xFFFF  }
0xc7: {  	[dreg:$0x0] =	wrdreg $0xFFFFFFFF;
	(pc) =	sbr.abs _section_cstart, $3  }
0xc8: {  	[dreg:$0x1] =	wrdreg $0xFFFFFFFF  }
0xc9: {  	_ =	task.clear_ibuf [dreg:s9], $0x2FFFF;
	_ =	strace $0x9FFFFFFF  }
0xca: {  	(tm) =	ssettm $0x7FFFFFFF  }
0xcb: {  	_ =	shalt  }
tec
execute0_lowered:
.L_overlay_start_1:
0x0: {  	(tag) =	ssettag $0x1  }
0x1: {  	s2 =	rddreg [dreg:$0x0]  }
0x2: {  	s0 =	rddreg [dreg:$0x1]  }
0x3: {  	s4 =	rddreg [dreg:$0x2];
	s3 =	srdreg.scid  }
0x4: {  	s1 =	simm.s32 $0x0;
	s6 =	stileid.u32;
	s3 =	sand.u32 $0x1, s3  }
0x5: {  	s6 =	sshll.u32 s6, $0xD;
	s5 =	ssub.s32 $0x2, s3;
	s3 =	sshll.u32 s3, $0xC  }
0x6: {  	[smem:$0x7FF] =	sst s1;
	s7 =	sshrl.u32 s5, $0x1;
	s3 =	sor.u32 s3, s6  }
0x7: {  	s5 =	ssub.s32 s5, s7;
	s0 =	sadd.s32 s0, s3;
	s15 =	sor.u32 $0x20000, s3  }
0x8: {  	s17 =	sor.u32 $0x40000, s3;
	s18 =	sor.u32 $0x60000, s3;
	s21 =	sor.u32 $0x80000, s3  }
0x9: {  	s22 =	sor.u32 $0xA0000, s3;
	[dreg:$0x4] =	wrdreg s0;
	s16 =	sadd.s32 s2, s15  }
0xa: {  	s25 =	sor.u32 $0xC0000, s3;
	s8 =	sadd.s32 s2, s17;
	[dreg:$0x5] =	wrdreg s16  }
0xb: {  	s26 =	sor.u32 $0xE0000, s3;
	s0 =	sadd.s32 s4, s15;
	[dreg:$0x6] =	wrdreg s8  }
0xc: {  	s11 =	sor.u32 $0x100000, s3;
	s19 =	sadd.s32 s2, s18;
	[dreg:$0x7] =	wrdreg s0  }
0xd: {  	s12 =	sor.u32 $0x120000, s3;
	s20 =	sadd.s32 s4, s17;
	[dreg:$0x8] =	wrdreg s19  }
0xe: {  	s31 =	sadd.s32 s2, s3;
	s23 =	sadd.s32 s2, s21;
	[dreg:$0x9] =	wrdreg s20  }
0xf: {  	s30 =	sadd.s32 s4, s3;
	s7 =	sadd.s32 s4, s18;
	[dreg:$0xa] =	wrdreg s23  }
0x10: {  	s24 =	sadd.s32 s2, s22;
	s9 =	sadd.s32 s2, s25;
	[dreg:$0xb] =	wrdreg s7  }
0x11: {  	s6 =	sadd.s32 s4, s22;
	s10 =	sadd.s32 s2, s26;
	[dreg:$0xc] =	wrdreg s24  }
0x12: {  	s13 =	sadd.s32 s2, s11;
	s14 =	sadd.s32 s2, s12;
	[dreg:$0xe] =	wrdreg s9  }
0x13: {  	s15 =	sor.u32 $0x140000, s3;
	s17 =	sor.u32 $0x180000, s3;
	[dreg:$0xf] =	wrdreg s6  }
0x14: {  	s18 =	sor.u32 $0x1A0000, s3;
	s5 =	smax.u32 s5, $0x1;
	[dreg:$0x10] =	wrdreg s10  }
0x15: {  	s0 =	sadd.s32 s4, s21;
	[dreg:$0x12] =	wrdreg s13;
	s7 =	sadd.s32 s4, s26  }
0x16: {  	[dreg:$0x14] =	wrdreg s14;
	s6 =	sadd.s32 s4, s12;
	s21 =	sadd.s32 s2, s15  }
0x17: {  	s22 =	sadd.s32 s4, s15;
	s16 =	sor.u32 $0x160000, s3;
	s26 =	sadd.s32 s4, s17  }
0x18: {  	s28 =	sadd.s32 s2, s18;
	s29 =	sadd.s32 s4, s18;
	s19 =	sor.u32 $0x1C0000, s3  }
0x19: {  	s20 =	sor.u32 $0x1E0000, s3;
	s8 =	simm.s32 $0x10000;
	s9 =	simm.s32 $0x2  }
0x1a: {  	s10 =	simm.s32 $0x4;
	s12 =	simm.s32 $0x5;
	[dreg:$0xd] =	wrdreg s0  }
0x1b: {  	s13 =	simm.s32 $0x0;
	s0 =	sadd.s32 s4, s25;
	[dreg:$0x13] =	wrdreg s7  }
0x1c: {  	[dreg:$0x16] =	wrdreg s6;
	s23 =	sadd.s32 s2, s16;
	s24 =	sadd.s32 s4, s16  }
0x1d: {  	s25 =	sadd.s32 s2, s17;
	s3 =	sadd.s32 s4, s19;
	s6 =	simm.s32 $0x1  }
0x1e: {  	s7 =	simm.s32 $0x8000;
	[dreg:$0x11] =	wrdreg s0;
	s0 =	sadd.s32 s4, s11  }
0x1f: {  	s4 =	sadd.s32 s4, s20;
	s11 =	simm.s32 $0x3;
	[dreg:$0x15] =	wrdreg s0  }
0x20: {  	s0 =	sadd.s32 s2, s19;
	s2 =	sadd.s32 s2, s20;
	_ =	strace $0x80000047  }
.LBB2_1:
0x21: {  	s14 =	rddreg [dreg:$0x4]  }
0x22: {  	[tilespmem:s1], [sflag:$0x1] =	stream.linear.gather [hbm4b:s14+s1], $0x8000, $0x38;
	[tilespmem:$0x18000] =	vst v63  }
0x23: {  	_ =	swait.ge [sflag:s6], $0x8000  }
0x24: {  	[sflag:s6] =	ssyncset.done $0x0  }
0x25: {  	[sflag:s6] =	ssyncadd.s32 $0xFFFF8000  }
0x26: {  	[tilespmem:s7], [sflag:$0x2] =	stream.linear.gather [hbm4b:s31+s1], $0x8000, $0x38;
	[tilespmem:$0x18000] =	vst v63  }
0x27: {  	s20 =	rddreg [dreg:$0x5]  }
0x28: {  	[tilespmem:s8], [sflag:$0x3] =	stream.linear.gather [hbm4b:s20+s1], $0x8000, $0x38;
	[tilespmem:$0x18000] =	vst v63  }
0x29: {  	_ =	swait.ge [sflag:s9], $0x8000  }
0x2a: {  	s15 =	simm.s32 $0x0;
	[sflag:s9] =	ssyncset.done $0x0  }
0x2b: {  	s16 =	simm.s32 $0x0;
	s14 =	simm.s32 $0x0;
	[sflag:s9] =	ssyncadd.s32 $0xFFFF8000  }
.LBB2_2:
0x2c: {  	s17 =	sshll.u32 s15, $0x2;
	s18 =	sand.u32 $0x7, s14  }
0x2d: {  	s17 =	sand.u32 $0xFFFFC000, s17;
	s18 =	sshll.u32 s18, $0x9  }
0x2e: {  	s17 =	sor.u32 s18, s17  }
0x2f: {  	s18 =	sshrl.u32 s17, $0x2  }
0x30: {  	s17 =	sadd.s32 $0x8040, s18  }
0x31: {  	v0 =	vld [tilespmem:s17+$0x30]  }
0x32: {  	s18 =	sor.u32 $0x40, s18;
	v1 =	vld [tilespmem:s17+$0xFFFFFFD0]  }
0x33: {  	v2 =	vld [tilespmem:s18+$0x30]  }
0x34: {  	v3 =	vld [tilespmem:s17+$0xFFFFFFE0]  }
0x35: {  	v5 =	vld [tilespmem:s17+$0xFFFFFFF0]  }
0x36: {  	v7 =	vld [tilespmem:s17+$0x0]  }
0x37: {  	v9 =	vld [tilespmem:s17+$0x10]  }
0x38: {  	v10 =	vld [tilespmem:s17+$0x20]  }
0x39: {  	v11 =	vld [tilespmem:s17+$0xFFFFFFC0]  }
0x3a: {  	v12 =	vld [tilespmem:s18+$0xFFFFFFC0]  }
0x3b: {  	v13 =	vld [tilespmem:s18+$0xFFFFFFD0];
	v0 =	vadd.f32 v0, v0  }
0x3c: {  	v8 =	vld [tilespmem:s18+$0xFFFFFFE0];
	v14 =	vadd.f32 v1, v1;
	v4 =	vadd.f32 v3, v3  }
0x3d: {  	v6 =	vld [tilespmem:s18+$0xFFFFFFF0];
	v3 =	vadd.f32 v5, v5;
	v1 =	vadd.f32 v7, v7  }
0x3e: {  	v11 =	vadd.f32 v11, v11;
	v7 =	vld [tilespmem:s18+$0x0];
	v15 =	vadd.f32 v2, v0  }
0x3f: {  	v5 =	vld [tilespmem:s18+$0x10];
	v2 =	vadd.f32 v9, v9;
	v0 =	vadd.f32 v10, v10  }
0x40: {  	s19 =	simm.s32 $0x0;
	s20 =	sadd.s32 $0x400, s17;
	v11 =	vadd.f32 v12, v11;
	v10 =	vadd.f32 v13, v14;
	v9 =	vld [tilespmem:s18+$0x20];
	[tilespmem:s17+$0x30] =	vst v15  }
.LBB2_3:
0x41: {  	v12 =	vld [tilespmem:s20+$0x30];
	s19 =	sadd.s32 $0x80, s19;
	v4 =	vadd.f32 v8, v4  }
0x42: {  	s18 =	sadd.s32 $0x400, s18;
	v8 =	vld [tilespmem:s20+$0xFFFFFFD0];
	p0 =	slt.u32 s19, $0x180;
	[tilespmem:s17+$0xFFFFFFC0] =	vst v11;
	v3 =	vadd.f32 v6, v3  }
0x43: {  	v6 =	vld [tilespmem:s18+$0x30];
	[tilespmem:s17+$0xFFFFFFD0] =	vst v10;
	v1 =	vadd.f32 v7, v1  }
0x44: {  	v7 =	vld [tilespmem:s20+$0xFFFFFFE0];
	[tilespmem:s17+$0xFFFFFFE0] =	vst v4;
	v2 =	vadd.f32 v5, v2  }
0x45: {  	v5 =	vld [tilespmem:s20+$0xFFFFFFF0];
	[tilespmem:s17+$0xFFFFFFF0] =	vst v3;
	v0 =	vadd.f32 v9, v0  }
0x46: {  	v9 =	vld [tilespmem:s20+$0x0];
	v3 =	vadd.f32 v12, v12;
	[tilespmem:s17+$0x0] =	vst v1  }
0x47: {  	v10 =	vadd.f32 v8, v8;
	v11 =	vld [tilespmem:s20+$0x10];
	[tilespmem:s17+$0x10] =	vst v2  }
0x48: {  	v12 =	vld [tilespmem:s20+$0x20];
	v1 =	vadd.f32 v6, v3;
	[tilespmem:s17+$0x20] =	vst v0;
	s17 =	smov.u32 s20  }
0x49: {  	v13 =	vld [tilespmem:s20+$0xFFFFFFC0];
	v4 =	vadd.f32 v7, v7  }
0x4a: {  	v14 =	vld [tilespmem:s18+$0xFFFFFFC0];
	v3 =	vadd.f32 v5, v5;
	[tilespmem:s20+$0x30] =	vst v1  }
0x4b: {  	v15 =	vld [tilespmem:s18+$0xFFFFFFD0];
	v1 =	vadd.f32 v9, v9  }
.Ltmp0:
0x4c: {  	v8 =	vld [tilespmem:s18+$0xFFFFFFE0];
	v2 =	vadd.f32 v11, v11;
	(pc) =	sbr.rel @p0 .LBB2_3-.Ltmp0, $4  }
0x4d: {  	v6 =	vld [tilespmem:s18+$0xFFFFFFF0];
	v0 =	vadd.f32 v12, v12  }
0x4e: {  	v9 =	vadd.f32 v13, v13;
	v7 =	vld [tilespmem:s18+$0x0]  }
0x4f: {  	v5 =	vld [tilespmem:s18+$0x10]  }
0x50: {  	s20 =	sadd.s32 $0x400, s20;
	v11 =	vadd.f32 v14, v9;
	v10 =	vadd.f32 v15, v10;
	v9 =	vld [tilespmem:s18+$0x20]  }
0x51: {  	_ = 	snop  }
0x52: {  	v4 =	vadd.f32 v8, v4;
	s16 =	sadd.s32 $0x1, s16;
	[tilespmem:s17+$0xFFFFFFC0] =	vst v11  }
0x53: {  	v3 =	vadd.f32 v6, v3;
	[tilespmem:s17+$0xFFFFFFD0] =	vst v10;
	p0 =	sne.s32 s16, $0x40  }
.Ltmp1:
0x54: {  	v1 =	vadd.f32 v7, v1;
	[tilespmem:s17+$0xFFFFFFE0] =	vst v4;
	(pc) =	sbr.rel @p0 .LBB2_2-.Ltmp1, $4  }
0x55: {  	v2 =	vadd.f32 v5, v2;
	[tilespmem:s17+$0xFFFFFFF0] =	vst v3  }
0x56: {  	v0 =	vadd.f32 v9, v0;
	[tilespmem:s17+$0x0] =	vst v1  }
0x57: {  	[tilespmem:s17+$0x10] =	vst v2  }
0x58: {  	s15 =	sadd.s32 $0x200, s15;
	s14 =	sadd.s32 $0x1, s14;
	[tilespmem:s17+$0x20] =	vst v0  }
0x59: {  	s14 =	simm.s32 $0x0  }
0x5a: {  	[hbm4b:s30+s14] =	stream.linear.scatter [tilespmem:s7], [sflag:$0x4], $0x8000, $0x38;
	[tilespmem:$0x18000] =	vst v63  }
0x5b: {  	_ =	swait.ge [sflag:s10], $0x8000  }
0x5c: {  	[sflag:s10] =	ssyncset.done $0x0  }
0x5d: {  	s15 =	rddreg [dreg:$0x6];
	[sflag:s10] =	ssyncadd.s32 $0xFFFF8000  }
0x5e: {  	[tilespmem:s7], [sflag:$0x2] =	stream.linear.gather [hbm4b:s15+s14], $0x8000, $0x38;
	[tilespmem:$0x18000] =	vst v63  }
0x5f: {  	_ =	swait.ge [sflag:s11], $0x8000  }
0x60: {  	[sflag:s11] =	ssyncset.done $0x0  }
0x61: {  	s16 =	simm.s32 $0x0;
	s15 =	simm.s32 $0x0;
	[sflag:s11] =	ssyncadd.s32 $0xFFFF8000  }
.LBB2_6:
0x62: {  	s17 =	sshll.u32 s15, $0x2;
	s18 =	sand.u32 $0x7, s14  }
0x63: {  	s17 =	sand.u32 $0xFFFFC000, s17;
	s18 =	sshll.u32 s18, $0x9  }
0x64: {  	s17 =	sor.u32 s18, s17  }
0x65: {  	s18 =	sshrl.u32 s17, $0x2  }
0x66: {  	s17 =	sadd.s32 $0x10040, s18  }
0x67: {  	v0 =	vld [tilespmem:s17+$0x30]  }
0x68: {  	s18 =	sor.u32 $0x40, s18;
	v1 =	vld [tilespmem:s17+$0xFFFFFFD0]  }
0x69: {  	v2 =	vld [tilespmem:s18+$0x30]  }
0x6a: {  	v3 =	vld [tilespmem:s17+$0xFFFFFFE0]  }
0x6b: {  	v5 =	vld [tilespmem:s17+$0xFFFFFFF0]  }
0x6c: {  	v7 =	vld [tilespmem:s17+$0x0]  }
0x6d: {  	v9 =	vld [tilespmem:s17+$0x10]  }
0x6e: {  	v10 =	vld [tilespmem:s17+$0x20]  }
0x6f: {  	v11 =	vld [tilespmem:s17+$0xFFFFFFC0]  }
0x70: {  	v12 =	vld [tilespmem:s18+$0xFFFFFFC0]  }
0x71: {  	v13 =	vld [tilespmem:s18+$0xFFFFFFD0];
	v0 =	vadd.f32 v0, v0  }
0x72: {  	v8 =	vld [tilespmem:s18+$0xFFFFFFE0];
	v14 =	vadd.f32 v1, v1;
	v4 =	vadd.f32 v3, v3  }
0x73: {  	v6 =	vld [tilespmem:s18+$0xFFFFFFF0];
	v3 =	vadd.f32 v5, v5;
	v1 =	vadd.f32 v7, v7  }
0x74: {  	v11 =	vadd.f32 v11, v11;
	v7 =	vld [tilespmem:s18+$0x0];
	v15 =	vadd.f32 v2, v0  }
0x75: {  	v5 =	vld [tilespmem:s18+$0x10];
	v2 =	vadd.f32 v9, v9;
	v0 =	vadd.f32 v10, v10  }
0x76: {  	s19 =	simm.s32 $0x0;
	s20 =	sadd.s32 $0x400, s17;
	v11 =	vadd.f32 v12, v11;
	v10 =	vadd.f32 v13, v14;
	v9 =	vld [tilespmem:s18+$0x20];
	[tilespmem:s17+$0x30] =	vst v15  }
.LBB2_7:
0x77: {  	v12 =	vld [tilespmem:s20+$0x30];
	s19 =	sadd.s32 $0x80, s19;
	v4 =	vadd.f32 v8, v4  }
0x78: {  	s18 =	sadd.s32 $0x400, s18;
	v8 =	vld [tilespmem:s20+$0xFFFFFFD0];
	p0 =	slt.u32 s19, $0x180;
	[tilespmem:s17+$0xFFFFFFC0] =	vst v11;
	v3 =	vadd.f32 v6, v3  }
0x79: {  	v6 =	vld [tilespmem:s18+$0x30];
	[tilespmem:s17+$0xFFFFFFD0] =	vst v10;
	v1 =	vadd.f32 v7, v1  }
0x7a: {  	v7 =	vld [tilespmem:s20+$0xFFFFFFE0];
	[tilespmem:s17+$0xFFFFFFE0] =	vst v4;
	v2 =	vadd.f32 v5, v2  }
0x7b: {  	v5 =	vld [tilespmem:s20+$0xFFFFFFF0];
	[tilespmem:s17+$0xFFFFFFF0] =	vst v3;
	v0 =	vadd.f32 v9, v0  }
0x7c: {  	v9 =	vld [tilespmem:s20+$0x0];
	v3 =	vadd.f32 v12, v12;
	[tilespmem:s17+$0x0] =	vst v1  }
0x7d: {  	v10 =	vadd.f32 v8, v8;
	v11 =	vld [tilespmem:s20+$0x10];
	[tilespmem:s17+$0x10] =	vst v2  }
0x7e: {  	v12 =	vld [tilespmem:s20+$0x20];
	v1 =	vadd.f32 v6, v3;
	[tilespmem:s17+$0x20] =	vst v0;
	s17 =	smov.u32 s20  }
0x7f: {  	v13 =	vld [tilespmem:s20+$0xFFFFFFC0];
	v4 =	vadd.f32 v7, v7  }
0x80: {  	v14 =	vld [tilespmem:s18+$0xFFFFFFC0];
	v3 =	vadd.f32 v5, v5;
	[tilespmem:s20+$0x30] =	vst v1  }
0x81: {  	v15 =	vld [tilespmem:s18+$0xFFFFFFD0];
	v1 =	vadd.f32 v9, v9  }
.Ltmp2:
0x82: {  	v8 =	vld [tilespmem:s18+$0xFFFFFFE0];
	v2 =	vadd.f32 v11, v11;
	(pc) =	sbr.rel @p0 .LBB2_7-.Ltmp2, $4  }
0x83: {  	v6 =	vld [tilespmem:s18+$0xFFFFFFF0];
	v0 =	vadd.f32 v12, v12  }
0x84: {  	v9 =	vadd.f32 v13, v13;
	v7 =	vld [tilespmem:s18+$0x0]  }
0x85: {  	v5 =	vld [tilespmem:s18+$0x10]  }
0x86: {  	s20 =	sadd.s32 $0x400, s20;
	v11 =	vadd.f32 v14, v9;
	v10 =	vadd.f32 v15, v10;
	v9 =	vld [tilespmem:s18+$0x20]  }
0x87: {  	_ = 	snop  }
0x88: {  	v4 =	vadd.f32 v8, v4;
	s16 =	sadd.s32 $0x1, s16;
	[tilespmem:s17+$0xFFFFFFC0] =	vst v11  }
0x89: {  	v3 =	vadd.f32 v6, v3;
	[tilespmem:s17+$0xFFFFFFD0] =	vst v10;
	p0 =	sne.s32 s16, $0x40  }
.Ltmp3:
0x8a: {  	v1 =	vadd.f32 v7, v1;
	[tilespmem:s17+$0xFFFFFFE0] =	vst v4;
	(pc) =	sbr.rel @p0 .LBB2_6-.Ltmp3, $4  }
0x8b: {  	v2 =	vadd.f32 v5, v2;
	[tilespmem:s17+$0xFFFFFFF0] =	vst v3  }
0x8c: {  	v0 =	vadd.f32 v9, v0;
	[tilespmem:s17+$0x0] =	vst v1  }
0x8d: {  	[tilespmem:s17+$0x10] =	vst v2  }
0x8e: {  	s15 =	sadd.s32 $0x200, s15;
	s14 =	sadd.s32 $0x1, s14;
	[tilespmem:s17+$0x20] =	vst v0  }
0x8f: {  	s14 =	simm.s32 $0x0;
	s15 =	rddreg [dreg:$0x7]  }
0x90: {  	[hbm4b:s15+s14] =	stream.linear.scatter [tilespmem:s8], [sflag:$0x5], $0x8000, $0x38;
	[tilespmem:$0x18000] =	vst v63  }
0x91: {  	_ =	swait.ge [sflag:s12], $0x8000  }
0x92: {  	[sflag:s12] =	ssyncset.done $0x0  }
0x93: {  	s20 =	rddreg [dreg:$0x8];
	[sflag:s12] =	ssyncadd.s32 $0xFFFF8000  }
0x94: {  	[tilespmem:s8], [sflag:$0x3] =	stream.linear.gather [hbm4b:s20+s14], $0x8000, $0x38;
	[tilespmem:$0x18000] =	vst v63  }
0x95: {  	_ =	swait.ge [sflag:s9], $0x8000  }
0x96: {  	[sflag:s9] =	ssyncset.done $0x0  }
0x97: {  	s16 =	simm.s32 $0x0;
	s15 =	simm.s32 $0x0;
	[sflag:s9] =	ssyncadd.s32 $0xFFFF8000  }
.LBB2_10:
0x98: {  	s17 =	sshll.u32 s15, $0x2;
	s18 =	sand.u32 $0x7, s14  }
0x99: {  	s17 =	sand.u32 $0xFFFFC000, s17;
	s18 =	sshll.u32 s18, $0x9  }
0x9a: {  	s17 =	sor.u32 s18, s17  }
0x9b: {  	s18 =	sshrl.u32 s17, $0x2  }
0x9c: {  	s17 =	sadd.s32 $0x8040, s18  }
0x9d: {  	v0 =	vld [tilespmem:s17+$0x30]  }
0x9e: {  	s18 =	sor.u32 $0x40, s18;
	v1 =	vld [tilespmem:s17+$0xFFFFFFD0]  }
0x9f: {  	v2 =	vld [tilespmem:s18+$0x30]  }
0xa0: {  	v3 =	vld [tilespmem:s17+$0xFFFFFFE0]  }
0xa1: {  	v5 =	vld [tilespmem:s17+$0xFFFFFFF0]  }
0xa2: {  	v7 =	vld [tilespmem:s17+$0x0]  }
0xa3: {  	v9 =	vld [tilespmem:s17+$0x10]  }
0xa4: {  	v10 =	vld [tilespmem:s17+$0x20]  }
0xa5: {  	v11 =	vld [tilespmem:s17+$0xFFFFFFC0]  }
0xa6: {  	v12 =	vld [tilespmem:s18+$0xFFFFFFC0]  }
0xa7: {  	v13 =	vld [tilespmem:s18+$0xFFFFFFD0];
	v0 =	vadd.f32 v0, v0  }
0xa8: {  	v8 =	vld [tilespmem:s18+$0xFFFFFFE0];
	v14 =	vadd.f32 v1, v1;
	v4 =	vadd.f32 v3, v3  }
0xa9: {  	v6 =	vld [tilespmem:s18+$0xFFFFFFF0];
	v3 =	vadd.f32 v5, v5;
	v1 =	vadd.f32 v7, v7  }
0xaa: {  	v11 =	vadd.f32 v11, v11;
	v7 =	vld [tilespmem:s18+$0x0];
	v15 =	vadd.f32 v2, v0  }
0xab: {  	v5 =	vld [tilespmem:s18+$0x10];
	v2 =	vadd.f32 v9, v9;
	v0 =	vadd.f32 v10, v10  }
0xac: {  	s19 =	simm.s32 $0x0;
	s20 =	sadd.s32 $0x400, s17;
	v11 =	vadd.f32 v12, v11;
	v10 =	vadd.f32 v13, v14;
	v9 =	vld [tilespmem:s18+$0x20];
	[tilespmem:s17+$0x30] =	vst v15  }
.LBB2_11:
0xad: {  	v12 =	vld [tilespmem:s20+$0x30];
	s19 =	sadd.s32 $0x80, s19;
	v4 =	vadd.f32 v8, v4  }
0xae: {  	s18 =	sadd.s32 $0x400, s18;
	v8 =	vld [tilespmem:s20+$0xFFFFFFD0];
	p0 =	slt.u32 s19, $0x180;
	[tilespmem:s17+$0xFFFFFFC0] =	vst v11;
	v3 =	vadd.f32 v6, v3  }
0xaf: {  	v6 =	vld [tilespmem:s18+$0x30];
	[tilespmem:s17+$0xFFFFFFD0] =	vst v10;
	v1 =	vadd.f32 v7, v1  }
0xb0: {  	v7 =	vld [tilespmem:s20+$0xFFFFFFE0];
	[tilespmem:s17+$0xFFFFFFE0] =	vst v4;
	v2 =	vadd.f32 v5, v2  }
0xb1: {  	v5 =	vld [tilespmem:s20+$0xFFFFFFF0];
	[tilespmem:s17+$0xFFFFFFF0] =	vst v3;
	v0 =	vadd.f32 v9, v0  }
0xb2: {  	v9 =	vld [tilespmem:s20+$0x0];
	v3 =	vadd.f32 v12, v12;
	[tilespmem:s17+$0x0] =	vst v1  }
0xb3: {  	v10 =	vadd.f32 v8, v8;
	v11 =	vld [tilespmem:s20+$0x10];
	[tilespmem:s17+$0x10] =	vst v2  }
0xb4: {  	v12 =	vld [tilespmem:s20+$0x20];
	v1 =	vadd.f32 v6, v3;
	[tilespmem:s17+$0x20] =	vst v0;
	s17 =	smov.u32 s20  }
0xb5: {  	v13 =	vld [tilespmem:s20+$0xFFFFFFC0];
	v4 =	vadd.f32 v7, v7  }
0xb6: {  	v14 =	vld [tilespmem:s18+$0xFFFFFFC0];
	v3 =	vadd.f32 v5, v5;
	[tilespmem:s20+$0x30] =	vst v1  }
0xb7: {  	v15 =	vld [tilespmem:s18+$0xFFFFFFD0];
	v1 =	vadd.f32 v9, v9  }
.Ltmp4:
0xb8: {  	v8 =	vld [tilespmem:s18+$0xFFFFFFE0];
	v2 =	vadd.f32 v11, v11;
	(pc) =	sbr.rel @p0 .LBB2_11-.Ltmp4, $4  }
0xb9: {  	v6 =	vld [tilespmem:s18+$0xFFFFFFF0];
	v0 =	vadd.f32 v12, v12  }
0xba: {  	v9 =	vadd.f32 v13, v13;
	v7 =	vld [tilespmem:s18+$0x0]  }
0xbb: {  	v5 =	vld [tilespmem:s18+$0x10]  }
0xbc: {  	s20 =	sadd.s32 $0x400, s20;
	v11 =	vadd.f32 v14, v9;
	v10 =	vadd.f32 v15, v10;
	v9 =	vld [tilespmem:s18+$0x20]  }
0xbd: {  	_ = 	snop  }
0xbe: {  	v4 =	vadd.f32 v8, v4;
	s16 =	sadd.s32 $0x1, s16;
	[tilespmem:s17+$0xFFFFFFC0] =	vst v11  }
0xbf: {  	v3 =	vadd.f32 v6, v3;
	[tilespmem:s17+$0xFFFFFFD0] =	vst v10;
	p0 =	sne.s32 s16, $0x40  }
.Ltmp5:
0xc0: {  	v1 =	vadd.f32 v7, v1;
	[tilespmem:s17+$0xFFFFFFE0] =	vst v4;
	(pc) =	sbr.rel @p0 .LBB2_10-.Ltmp5, $4  }
0xc1: {  	v2 =	vadd.f32 v5, v2;
	[tilespmem:s17+$0xFFFFFFF0] =	vst v3  }
0xc2: {  	v0 =	vadd.f32 v9, v0;
	[tilespmem:s17+$0x0] =	vst v1  }
0xc3: {  	[tilespmem:s17+$0x10] =	vst v2  }
0xc4: {  	s15 =	sadd.s32 $0x200, s15;
	s14 =	sadd.s32 $0x1, s14;
	[tilespmem:s17+$0x20] =	vst v0  }
0xc5: {  	s14 =	simm.s32 $0x0;
	s15 =	rddreg [dreg:$0x9]  }
0xc6: {  	[hbm4b:s15+s14] =	stream.linear.scatter [tilespmem:s7], [sflag:$0x4], $0x8000, $0x38;
	[tilespmem:$0x18000] =	vst v63  }
0xc7: {  	_ =	swait.ge [sflag:s10], $0x8000  }
0xc8: {  	[sflag:s10] =	ssyncset.done $0x0  }
0xc9: {  	s20 =	rddreg [dreg:$0xa];
	[sflag:s10] =	ssyncadd.s32 $0xFFFF8000  }
0xca: {  	[tilespmem:s7], [sflag:$0x2] =	stream.linear.gather [hbm4b:s20+s14], $0x8000, $0x38;
	[tilespmem:$0x18000] =	vst v63  }
0xcb: {  	_ =	swait.ge [sflag:s11], $0x8000  }
0xcc: {  	[sflag:s11] =	ssyncset.done $0x0  }
0xcd: {  	s16 =	simm.s32 $0x0;
	s15 =	simm.s32 $0x0;
	[sflag:s11] =	ssyncadd.s32 $0xFFFF8000  }
.LBB2_14:
0xce: {  	s17 =	sshll.u32 s15, $0x2;
	s18 =	sand.u32 $0x7, s14  }
0xcf: {  	s17 =	sand.u32 $0xFFFFC000, s17;
	s18 =	sshll.u32 s18, $0x9  }
0xd0: {  	s17 =	sor.u32 s18, s17  }
0xd1: {  	s18 =	sshrl.u32 s17, $0x2  }
0xd2: {  	s17 =	sadd.s32 $0x10040, s18  }
0xd3: {  	v0 =	vld [tilespmem:s17+$0x30]  }
0xd4: {  	s18 =	sor.u32 $0x40, s18;
	v1 =	vld [tilespmem:s17+$0xFFFFFFD0]  }
0xd5: {  	v2 =	vld [tilespmem:s18+$0x30]  }
0xd6: {  	v3 =	vld [tilespmem:s17+$0xFFFFFFE0]  }
0xd7: {  	v5 =	vld [tilespmem:s17+$0xFFFFFFF0]  }
0xd8: {  	v7 =	vld [tilespmem:s17+$0x0]  }
0xd9: {  	v9 =	vld [tilespmem:s17+$0x10]  }
0xda: {  	v10 =	vld [tilespmem:s17+$0x20]  }
0xdb: {  	v11 =	vld [tilespmem:s17+$0xFFFFFFC0]  }
0xdc: {  	v12 =	vld [tilespmem:s18+$0xFFFFFFC0]  }
0xdd: {  	v13 =	vld [tilespmem:s18+$0xFFFFFFD0];
	v0 =	vadd.f32 v0, v0  }
0xde: {  	v8 =	vld [tilespmem:s18+$0xFFFFFFE0];
	v14 =	vadd.f32 v1, v1;
	v4 =	vadd.f32 v3, v3  }
0xdf: {  	v6 =	vld [tilespmem:s18+$0xFFFFFFF0];
	v3 =	vadd.f32 v5, v5;
	v1 =	vadd.f32 v7, v7  }
0xe0: {  	v11 =	vadd.f32 v11, v11;
	v7 =	vld [tilespmem:s18+$0x0];
	v15 =	vadd.f32 v2, v0  }
0xe1: {  	v5 =	vld [tilespmem:s18+$0x10];
	v2 =	vadd.f32 v9, v9;
	v0 =	vadd.f32 v10, v10  }
0xe2: {  	s19 =	simm.s32 $0x0;
	s20 =	sadd.s32 $0x400, s17;
	v11 =	vadd.f32 v12, v11;
	v10 =	vadd.f32 v13, v14;
	v9 =	vld [tilespmem:s18+$0x20];
	[tilespmem:s17+$0x30] =	vst v15  }
.LBB2_15:
0xe3: {  	v12 =	vld [tilespmem:s20+$0x30];
	s19 =	sadd.s32 $0x80, s19;
	v4 =	vadd.f32 v8, v4  }
0xe4: {  	s18 =	sadd.s32 $0x400, s18;
	v8 =	vld [tilespmem:s20+$0xFFFFFFD0];
	p0 =	slt.u32 s19, $0x180;
	[tilespmem:s17+$0xFFFFFFC0] =	vst v11;
	v3 =	vadd.f32 v6, v3  }
0xe5: {  	v6 =	vld [tilespmem:s18+$0x30];
	[tilespmem:s17+$0xFFFFFFD0] =	vst v10;
	v1 =	vadd.f32 v7, v1  }
0xe6: {  	v7 =	vld [tilespmem:s20+$0xFFFFFFE0];
	[tilespmem:s17+$0xFFFFFFE0] =	vst v4;
	v2 =	vadd.f32 v5, v2  }
0xe7: {  	v5 =	vld [tilespmem:s20+$0xFFFFFFF0];
	[tilespmem:s17+$0xFFFFFFF0] =	vst v3;
	v0 =	vadd.f32 v9, v0  }
0xe8: {  	v9 =	vld [tilespmem:s20+$0x0];
	v3 =	vadd.f32 v12, v12;
	[tilespmem:s17+$0x0] =	vst v1  }
0xe9: {  	v10 =	vadd.f32 v8, v8;
	v11 =	vld [tilespmem:s20+$0x10];
	[tilespmem:s17+$0x10] =	vst v2  }
0xea: {  	v12 =	vld [tilespmem:s20+$0x20];
	v1 =	vadd.f32 v6, v3;
	[tilespmem:s17+$0x20] =	vst v0;
	s17 =	smov.u32 s20  }
0xeb: {  	v13 =	vld [tilespmem:s20+$0xFFFFFFC0];
	v4 =	vadd.f32 v7, v7  }
0xec: {  	v14 =	vld [tilespmem:s18+$0xFFFFFFC0];
	v3 =	vadd.f32 v5, v5;
	[tilespmem:s20+$0x30] =	vst v1  }
0xed: {  	v15 =	vld [tilespmem:s18+$0xFFFFFFD0];
	v1 =	vadd.f32 v9, v9  }
.Ltmp6:
0xee: {  	v8 =	vld [tilespmem:s18+$0xFFFFFFE0];
	v2 =	vadd.f32 v11, v11;
	(pc) =	sbr.rel @p0 .LBB2_15-.Ltmp6, $4  }
0xef: {  	v6 =	vld [tilespmem:s18+$0xFFFFFFF0];
	v0 =	vadd.f32 v12, v12  }
0xf0: {  	v9 =	vadd.f32 v13, v13;
	v7 =	vld [tilespmem:s18+$0x0]  }
0xf1: {  	v5 =	vld [tilespmem:s18+$0x10]  }
0xf2: {  	s20 =	sadd.s32 $0x400, s20;
	v11 =	vadd.f32 v14, v9;
	v10 =	vadd.f32 v15, v10;
	v9 =	vld [tilespmem:s18+$0x20]  }
0xf3: {  	_ = 	snop  }
0xf4: {  	v4 =	vadd.f32 v8, v4;
	s16 =	sadd.s32 $0x1, s16;
	[tilespmem:s17+$0xFFFFFFC0] =	vst v11  }
0xf5: {  	v3 =	vadd.f32 v6, v3;
	[tilespmem:s17+$0xFFFFFFD0] =	vst v10;
	p0 =	sne.s32 s16, $0x40  }
.Ltmp7:
0xf6: {  	v1 =	vadd.f32 v7, v1;
	[tilespmem:s17+$0xFFFFFFE0] =	vst v4;
	(pc) =	sbr.rel @p0 .LBB2_14-.Ltmp7, $4  }
0xf7: {  	v2 =	vadd.f32 v5, v2;
	[tilespmem:s17+$0xFFFFFFF0] =	vst v3  }
0xf8: {  	v0 =	vadd.f32 v9, v0;
	[tilespmem:s17+$0x0] =	vst v1  }
0xf9: {  	[tilespmem:s17+$0x10] =	vst v2  }
0xfa: {  	s15 =	sadd.s32 $0x200, s15;
	s14 =	sadd.s32 $0x1, s14;
	[tilespmem:s17+$0x20] =	vst v0  }
0xfb: {  	s14 =	simm.s32 $0x0;
	s15 =	rddreg [dreg:$0xb]  }
0xfc: {  	[hbm4b:s15+s14] =	stream.linear.scatter [tilespmem:s8], [sflag:$0x5], $0x8000, $0x38;
	[tilespmem:$0x18000] =	vst v63  }
0xfd: {  	_ =	swait.ge [sflag:s12], $0x8000  }
0xfe: {  	[sflag:s12] =	ssyncset.done $0x0  }
0xff: {  	s20 =	rddreg [dreg:$0xc];
	[sflag:s12] =	ssyncadd.s32 $0xFFFF8000  }
0x100: {  	[tilespmem:s8], [sflag:$0x3] =	stream.linear.gather [hbm4b:s20+s14], $0x8000, $0x38;
	[tilespmem:$0x18000] =	vst v63  }
0x101: {  	_ =	swait.ge [sflag:s9], $0x8000  }
0x102: {  	[sflag:s9] =	ssyncset.done $0x0  }
0x103: {  	s16 =	simm.s32 $0x0;
	s15 =	simm.s32 $0x0;
	[sflag:s9] =	ssyncadd.s32 $0xFFFF8000  }
.LBB2_18:
0x104: {  	s17 =	sshll.u32 s15, $0x2;
	s18 =	sand.u32 $0x7, s14  }
0x105: {  	s17 =	sand.u32 $0xFFFFC000, s17;
	s18 =	sshll.u32 s18, $0x9  }
0x106: {  	s17 =	sor.u32 s18, s17  }
0x107: {  	s18 =	sshrl.u32 s17, $0x2  }
0x108: {  	s17 =	sadd.s32 $0x8040, s18  }
0x109: {  	v0 =	vld [tilespmem:s17+$0x30]  }
0x10a: {  	s18 =	sor.u32 $0x40, s18;
	v1 =	vld [tilespmem:s17+$0xFFFFFFD0]  }
0x10b: {  	v2 =	vld [tilespmem:s18+$0x30]  }
0x10c: {  	v3 =	vld [tilespmem:s17+$0xFFFFFFE0]  }
0x10d: {  	v5 =	vld [tilespmem:s17+$0xFFFFFFF0]  }
0x10e: {  	v7 =	vld [tilespmem:s17+$0x0]  }
0x10f: {  	v9 =	vld [tilespmem:s17+$0x10]  }
0x110: {  	v10 =	vld [tilespmem:s17+$0x20]  }
0x111: {  	v11 =	vld [tilespmem:s17+$0xFFFFFFC0]  }
0x112: {  	v12 =	vld [tilespmem:s18+$0xFFFFFFC0]  }
0x113: {  	v13 =	vld [tilespmem:s18+$0xFFFFFFD0];
	v0 =	vadd.f32 v0, v0  }
0x114: {  	v8 =	vld [tilespmem:s18+$0xFFFFFFE0];
	v14 =	vadd.f32 v1, v1;
	v4 =	vadd.f32 v3, v3  }
0x115: {  	v6 =	vld [tilespmem:s18+$0xFFFFFFF0];
	v3 =	vadd.f32 v5, v5;
	v1 =	vadd.f32 v7, v7  }
0x116: {  	v11 =	vadd.f32 v11, v11;
	v7 =	vld [tilespmem:s18+$0x0];
	v15 =	vadd.f32 v2, v0  }
0x117: {  	v5 =	vld [tilespmem:s18+$0x10];
	v2 =	vadd.f32 v9, v9;
	v0 =	vadd.f32 v10, v10  }
0x118: {  	s19 =	simm.s32 $0x0;
	s20 =	sadd.s32 $0x400, s17;
	v11 =	vadd.f32 v12, v11;
	v10 =	vadd.f32 v13, v14;
	v9 =	vld [tilespmem:s18+$0x20];
	[tilespmem:s17+$0x30] =	vst v15  }
.LBB2_19:
0x119: {  	v12 =	vld [tilespmem:s20+$0x30];
	s19 =	sadd.s32 $0x80, s19;
	v4 =	vadd.f32 v8, v4  }
0x11a: {  	s18 =	sadd.s32 $0x400, s18;
	v8 =	vld [tilespmem:s20+$0xFFFFFFD0];
	p0 =	slt.u32 s19, $0x180;
	[tilespmem:s17+$0xFFFFFFC0] =	vst v11;
	v3 =	vadd.f32 v6, v3  }
0x11b: {  	v6 =	vld [tilespmem:s18+$0x30];
	[tilespmem:s17+$0xFFFFFFD0] =	vst v10;
	v1 =	vadd.f32 v7, v1  }
0x11c: {  	v7 =	vld [tilespmem:s20+$0xFFFFFFE0];
	[tilespmem:s17+$0xFFFFFFE0] =	vst v4;
	v2 =	vadd.f32 v5, v2  }
0x11d: {  	v5 =	vld [tilespmem:s20+$0xFFFFFFF0];
	[tilespmem:s17+$0xFFFFFFF0] =	vst v3;
	v0 =	vadd.f32 v9, v0  }
0x11e: {  	v9 =	vld [tilespmem:s20+$0x0];
	v3 =	vadd.f32 v12, v12;
	[tilespmem:s17+$0x0] =	vst v1  }
0x11f: {  	v10 =	vadd.f32 v8, v8;
	v11 =	vld [tilespmem:s20+$0x10];
	[tilespmem:s17+$0x10] =	vst v2  }
0x120: {  	v12 =	vld [tilespmem:s20+$0x20];
	v1 =	vadd.f32 v6, v3;
	[tilespmem:s17+$0x20] =	vst v0;
	s17 =	smov.u32 s20  }
0x121: {  	v13 =	vld [tilespmem:s20+$0xFFFFFFC0];
	v4 =	vadd.f32 v7, v7  }
0x122: {  	v14 =	vld [tilespmem:s18+$0xFFFFFFC0];
	v3 =	vadd.f32 v5, v5;
	[tilespmem:s20+$0x30] =	vst v1  }
0x123: {  	v15 =	vld [tilespmem:s18+$0xFFFFFFD0];
	v1 =	vadd.f32 v9, v9  }
.Ltmp8:
0x124: {  	v8 =	vld [tilespmem:s18+$0xFFFFFFE0];
	v2 =	vadd.f32 v11, v11;
	(pc) =	sbr.rel @p0 .LBB2_19-.Ltmp8, $4  }
0x125: {  	v6 =	vld [tilespmem:s18+$0xFFFFFFF0];
	v0 =	vadd.f32 v12, v12  }
0x126: {  	v9 =	vadd.f32 v13, v13;
	v7 =	vld [tilespmem:s18+$0x0]  }
0x127: {  	v5 =	vld [tilespmem:s18+$0x10]  }
0x128: {  	s20 =	sadd.s32 $0x400, s20;
	v11 =	vadd.f32 v14, v9;
	v10 =	vadd.f32 v15, v10;
	v9 =	vld [tilespmem:s18+$0x20]  }
0x129: {  	_ = 	snop  }
0x12a: {  	v4 =	vadd.f32 v8, v4;
	s16 =	sadd.s32 $0x1, s16;
	[tilespmem:s17+$0xFFFFFFC0] =	vst v11  }
0x12b: {  	v3 =	vadd.f32 v6, v3;
	[tilespmem:s17+$0xFFFFFFD0] =	vst v10;
	p0 =	sne.s32 s16, $0x40  }
.Ltmp9:
0x12c: {  	v1 =	vadd.f32 v7, v1;
	[tilespmem:s17+$0xFFFFFFE0] =	vst v4;
	(pc) =	sbr.rel @p0 .LBB2_18-.Ltmp9, $4  }
0x12d: {  	v2 =	vadd.f32 v5, v2;
	[tilespmem:s17+$0xFFFFFFF0] =	vst v3  }
0x12e: {  	v0 =	vadd.f32 v9, v0;
	[tilespmem:s17+$0x0] =	vst v1  }
0x12f: {  	[tilespmem:s17+$0x10] =	vst v2  }
0x130: {  	s15 =	sadd.s32 $0x200, s15;
	s14 =	sadd.s32 $0x1, s14;
	[tilespmem:s17+$0x20] =	vst v0  }
0x131: {  	s14 =	simm.s32 $0x0;
	s15 =	rddreg [dreg:$0xd]  }
0x132: {  	[hbm4b:s15+s14] =	stream.linear.scatter [tilespmem:s7], [sflag:$0x4], $0x8000, $0x38;
	[tilespmem:$0x18000] =	vst v63  }
0x133: {  	_ =	swait.ge [sflag:s10], $0x8000  }
0x134: {  	[sflag:s10] =	ssyncset.done $0x0  }
0x135: {  	s20 =	rddreg [dreg:$0xe];
	[sflag:s10] =	ssyncadd.s32 $0xFFFF8000  }
0x136: {  	[tilespmem:s7], [sflag:$0x2] =	stream.linear.gather [hbm4b:s20+s14], $0x8000, $0x38;
	[tilespmem:$0x18000] =	vst v63  }
0x137: {  	_ =	swait.ge [sflag:s11], $0x8000  }
0x138: {  	[sflag:s11] =	ssyncset.done $0x0  }
0x139: {  	s16 =	simm.s32 $0x0;
	s15 =	simm.s32 $0x0;
	[sflag:s11] =	ssyncadd.s32 $0xFFFF8000  }
.LBB2_22:
0x13a: {  	s17 =	sshll.u32 s15, $0x2;
	s18 =	sand.u32 $0x7, s14  }
0x13b: {  	s17 =	sand.u32 $0xFFFFC000, s17;
	s18 =	sshll.u32 s18, $0x9  }
0x13c: {  	s17 =	sor.u32 s18, s17  }
0x13d: {  	s18 =	sshrl.u32 s17, $0x2  }
0x13e: {  	s17 =	sadd.s32 $0x10040, s18  }
0x13f: {  	v0 =	vld [tilespmem:s17+$0x30]  }
0x140: {  	s18 =	sor.u32 $0x40, s18;
	v1 =	vld [tilespmem:s17+$0xFFFFFFD0]  }
0x141: {  	v2 =	vld [tilespmem:s18+$0x30]  }
0x142: {  	v3 =	vld [tilespmem:s17+$0xFFFFFFE0]  }
0x143: {  	v5 =	vld [tilespmem:s17+$0xFFFFFFF0]  }
0x144: {  	v7 =	vld [tilespmem:s17+$0x0]  }
0x145: {  	v9 =	vld [tilespmem:s17+$0x10]  }
0x146: {  	v10 =	vld [tilespmem:s17+$0x20]  }
0x147: {  	v11 =	vld [tilespmem:s17+$0xFFFFFFC0]  }
0x148: {  	v12 =	vld [tilespmem:s18+$0xFFFFFFC0]  }
0x149: {  	v13 =	vld [tilespmem:s18+$0xFFFFFFD0];
	v0 =	vadd.f32 v0, v0  }
0x14a: {  	v8 =	vld [tilespmem:s18+$0xFFFFFFE0];
	v14 =	vadd.f32 v1, v1;
	v4 =	vadd.f32 v3, v3  }
0x14b: {  	v6 =	vld [tilespmem:s18+$0xFFFFFFF0];
	v3 =	vadd.f32 v5, v5;
	v1 =	vadd.f32 v7, v7  }
0x14c: {  	v11 =	vadd.f32 v11, v11;
	v7 =	vld [tilespmem:s18+$0x0];
	v15 =	vadd.f32 v2, v0  }
0x14d: {  	v5 =	vld [tilespmem:s18+$0x10];
	v2 =	vadd.f32 v9, v9;
	v0 =	vadd.f32 v10, v10  }
0x14e: {  	s19 =	simm.s32 $0x0;
	s20 =	sadd.s32 $0x400, s17;
	v11 =	vadd.f32 v12, v11;
	v10 =	vadd.f32 v13, v14;
	v9 =	vld [tilespmem:s18+$0x20];
	[tilespmem:s17+$0x30] =	vst v15  }
.LBB2_23:
0x14f: {  	v12 =	vld [tilespmem:s20+$0x30];
	s19 =	sadd.s32 $0x80, s19;
	v4 =	vadd.f32 v8, v4  }
0x150: {  	s18 =	sadd.s32 $0x400, s18;
	v8 =	vld [tilespmem:s20+$0xFFFFFFD0];
	p0 =	slt.u32 s19, $0x180;
	[tilespmem:s17+$0xFFFFFFC0] =	vst v11;
	v3 =	vadd.f32 v6, v3  }
0x151: {  	v6 =	vld [tilespmem:s18+$0x30];
	[tilespmem:s17+$0xFFFFFFD0] =	vst v10;
	v1 =	vadd.f32 v7, v1  }
0x152: {  	v7 =	vld [tilespmem:s20+$0xFFFFFFE0];
	[tilespmem:s17+$0xFFFFFFE0] =	vst v4;
	v2 =	vadd.f32 v5, v2  }
0x153: {  	v5 =	vld [tilespmem:s20+$0xFFFFFFF0];
	[tilespmem:s17+$0xFFFFFFF0] =	vst v3;
	v0 =	vadd.f32 v9, v0  }
0x154: {  	v9 =	vld [tilespmem:s20+$0x0];
	v3 =	vadd.f32 v12, v12;
	[tilespmem:s17+$0x0] =	vst v1  }
0x155: {  	v10 =	vadd.f32 v8, v8;
	v11 =	vld [tilespmem:s20+$0x10];
	[tilespmem:s17+$0x10] =	vst v2  }
0x156: {  	v12 =	vld [tilespmem:s20+$0x20];
	v1 =	vadd.f32 v6, v3;
	[tilespmem:s17+$0x20] =	vst v0;
	s17 =	smov.u32 s20  }
0x157: {  	v13 =	vld [tilespmem:s20+$0xFFFFFFC0];
	v4 =	vadd.f32 v7, v7  }
0x158: {  	v14 =	vld [tilespmem:s18+$0xFFFFFFC0];
	v3 =	vadd.f32 v5, v5;
	[tilespmem:s20+$0x30] =	vst v1  }
0x159: {  	v15 =	vld [tilespmem:s18+$0xFFFFFFD0];
	v1 =	vadd.f32 v9, v9  }
.Ltmp10:
0x15a: {  	v8 =	vld [tilespmem:s18+$0xFFFFFFE0];
	v2 =	vadd.f32 v11, v11;
	(pc) =	sbr.rel @p0 .LBB2_23-.Ltmp10, $4  }
0x15b: {  	v6 =	vld [tilespmem:s18+$0xFFFFFFF0];
	v0 =	vadd.f32 v12, v12  }
0x15c: {  	v9 =	vadd.f32 v13, v13;
	v7 =	vld [tilespmem:s18+$0x0]  }
0x15d: {  	v5 =	vld [tilespmem:s18+$0x10]  }
0x15e: {  	s20 =	sadd.s32 $0x400, s20;
	v11 =	vadd.f32 v14, v9;
	v10 =	vadd.f32 v15, v10;
	v9 =	vld [tilespmem:s18+$0x20]  }
0x15f: {  	_ = 	snop  }
0x160: {  	v4 =	vadd.f32 v8, v4;
	s16 =	sadd.s32 $0x1, s16;
	[tilespmem:s17+$0xFFFFFFC0] =	vst v11  }
0x161: {  	v3 =	vadd.f32 v6, v3;
	[tilespmem:s17+$0xFFFFFFD0] =	vst v10;
	p0 =	sne.s32 s16, $0x40  }
.Ltmp11:
0x162: {  	v1 =	vadd.f32 v7, v1;
	[tilespmem:s17+$0xFFFFFFE0] =	vst v4;
	(pc) =	sbr.rel @p0 .LBB2_22-.Ltmp11, $4  }
0x163: {  	v2 =	vadd.f32 v5, v2;
	[tilespmem:s17+$0xFFFFFFF0] =	vst v3  }
0x164: {  	v0 =	vadd.f32 v9, v0;
	[tilespmem:s17+$0x0] =	vst v1  }
0x165: {  	[tilespmem:s17+$0x10] =	vst v2  }
0x166: {  	s15 =	sadd.s32 $0x200, s15;
	s14 =	sadd.s32 $0x1, s14;
	[tilespmem:s17+$0x20] =	vst v0  }
0x167: {  	s14 =	simm.s32 $0x0;
	s15 =	rddreg [dreg:$0xf]  }
0x168: {  	[hbm4b:s15+s14] =	stream.linear.scatter [tilespmem:s8], [sflag:$0x5], $0x8000, $0x38;
	[tilespmem:$0x18000] =	vst v63  }
0x169: {  	_ =	swait.ge [sflag:s12], $0x8000  }
0x16a: {  	[sflag:s12] =	ssyncset.done $0x0  }
0x16b: {  	s20 =	rddreg [dreg:$0x10];
	[sflag:s12] =	ssyncadd.s32 $0xFFFF8000  }
0x16c: {  	[tilespmem:s8], [sflag:$0x3] =	stream.linear.gather [hbm4b:s20+s14], $0x8000, $0x38;
	[tilespmem:$0x18000] =	vst v63  }
0x16d: {  	_ =	swait.ge [sflag:s9], $0x8000  }
0x16e: {  	[sflag:s9] =	ssyncset.done $0x0  }
0x16f: {  	s16 =	simm.s32 $0x0;
	s15 =	simm.s32 $0x0;
	[sflag:s9] =	ssyncadd.s32 $0xFFFF8000  }
.LBB2_26:
0x170: {  	s17 =	sshll.u32 s15, $0x2;
	s18 =	sand.u32 $0x7, s14  }
0x171: {  	s17 =	sand.u32 $0xFFFFC000, s17;
	s18 =	sshll.u32 s18, $0x9  }
0x172: {  	s17 =	sor.u32 s18, s17  }
0x173: {  	s18 =	sshrl.u32 s17, $0x2  }
0x174: {  	s17 =	sadd.s32 $0x8040, s18  }
0x175: {  	v0 =	vld [tilespmem:s17+$0x30]  }
0x176: {  	s18 =	sor.u32 $0x40, s18;
	v1 =	vld [tilespmem:s17+$0xFFFFFFD0]  }
0x177: {  	v2 =	vld [tilespmem:s18+$0x30]  }
0x178: {  	v3 =	vld [tilespmem:s17+$0xFFFFFFE0]  }
0x179: {  	v5 =	vld [tilespmem:s17+$0xFFFFFFF0]  }
0x17a: {  	v7 =	vld [tilespmem:s17+$0x0]  }
0x17b: {  	v9 =	vld [tilespmem:s17+$0x10]  }
0x17c: {  	v10 =	vld [tilespmem:s17+$0x20]  }
0x17d: {  	v11 =	vld [tilespmem:s17+$0xFFFFFFC0]  }
0x17e: {  	v12 =	vld [tilespmem:s18+$0xFFFFFFC0]  }
0x17f: {  	v13 =	vld [tilespmem:s18+$0xFFFFFFD0];
	v0 =	vadd.f32 v0, v0  }
0x180: {  	v8 =	vld [tilespmem:s18+$0xFFFFFFE0];
	v14 =	vadd.f32 v1, v1;
	v4 =	vadd.f32 v3, v3  }
0x181: {  	v6 =	vld [tilespmem:s18+$0xFFFFFFF0];
	v3 =	vadd.f32 v5, v5;
	v1 =	vadd.f32 v7, v7  }
0x182: {  	v11 =	vadd.f32 v11, v11;
	v7 =	vld [tilespmem:s18+$0x0];
	v15 =	vadd.f32 v2, v0  }
0x183: {  	v5 =	vld [tilespmem:s18+$0x10];
	v2 =	vadd.f32 v9, v9;
	v0 =	vadd.f32 v10, v10  }
0x184: {  	s19 =	simm.s32 $0x0;
	s20 =	sadd.s32 $0x400, s17;
	v11 =	vadd.f32 v12, v11;
	v10 =	vadd.f32 v13, v14;
	v9 =	vld [tilespmem:s18+$0x20];
	[tilespmem:s17+$0x30] =	vst v15  }
.LBB2_27:
0x185: {  	v12 =	vld [tilespmem:s20+$0x30];
	s19 =	sadd.s32 $0x80, s19;
	v4 =	vadd.f32 v8, v4  }
0x186: {  	s18 =	sadd.s32 $0x400, s18;
	v8 =	vld [tilespmem:s20+$0xFFFFFFD0];
	p0 =	slt.u32 s19, $0x180;
	[tilespmem:s17+$0xFFFFFFC0] =	vst v11;
	v3 =	vadd.f32 v6, v3  }
0x187: {  	v6 =	vld [tilespmem:s18+$0x30];
	[tilespmem:s17+$0xFFFFFFD0] =	vst v10;
	v1 =	vadd.f32 v7, v1  }
0x188: {  	v7 =	vld [tilespmem:s20+$0xFFFFFFE0];
	[tilespmem:s17+$0xFFFFFFE0] =	vst v4;
	v2 =	vadd.f32 v5, v2  }
0x189: {  	v5 =	vld [tilespmem:s20+$0xFFFFFFF0];
	[tilespmem:s17+$0xFFFFFFF0] =	vst v3;
	v0 =	vadd.f32 v9, v0  }
0x18a: {  	v9 =	vld [tilespmem:s20+$0x0];
	v3 =	vadd.f32 v12, v12;
	[tilespmem:s17+$0x0] =	vst v1  }
0x18b: {  	v10 =	vadd.f32 v8, v8;
	v11 =	vld [tilespmem:s20+$0x10];
	[tilespmem:s17+$0x10] =	vst v2  }
0x18c: {  	v12 =	vld [tilespmem:s20+$0x20];
	v1 =	vadd.f32 v6, v3;
	[tilespmem:s17+$0x20] =	vst v0;
	s17 =	smov.u32 s20  }
0x18d: {  	v13 =	vld [tilespmem:s20+$0xFFFFFFC0];
	v4 =	vadd.f32 v7, v7  }
0x18e: {  	v14 =	vld [tilespmem:s18+$0xFFFFFFC0];
	v3 =	vadd.f32 v5, v5;
	[tilespmem:s20+$0x30] =	vst v1  }
0x18f: {  	v15 =	vld [tilespmem:s18+$0xFFFFFFD0];
	v1 =	vadd.f32 v9, v9  }
.Ltmp12:
0x190: {  	v8 =	vld [tilespmem:s18+$0xFFFFFFE0];
	v2 =	vadd.f32 v11, v11;
	(pc) =	sbr.rel @p0 .LBB2_27-.Ltmp12, $4  }
0x191: {  	v6 =	vld [tilespmem:s18+$0xFFFFFFF0];
	v0 =	vadd.f32 v12, v12  }
0x192: {  	v9 =	vadd.f32 v13, v13;
	v7 =	vld [tilespmem:s18+$0x0]  }
0x193: {  	v5 =	vld [tilespmem:s18+$0x10]  }
0x194: {  	s20 =	sadd.s32 $0x400, s20;
	v11 =	vadd.f32 v14, v9;
	v10 =	vadd.f32 v15, v10;
	v9 =	vld [tilespmem:s18+$0x20]  }
0x195: {  	_ = 	snop  }
0x196: {  	v4 =	vadd.f32 v8, v4;
	s16 =	sadd.s32 $0x1, s16;
	[tilespmem:s17+$0xFFFFFFC0] =	vst v11  }
0x197: {  	v3 =	vadd.f32 v6, v3;
	[tilespmem:s17+$0xFFFFFFD0] =	vst v10;
	p0 =	sne.s32 s16, $0x40  }
.Ltmp13:
0x198: {  	v1 =	vadd.f32 v7, v1;
	[tilespmem:s17+$0xFFFFFFE0] =	vst v4;
	(pc) =	sbr.rel @p0 .LBB2_26-.Ltmp13, $4  }
0x199: {  	v2 =	vadd.f32 v5, v2;
	[tilespmem:s17+$0xFFFFFFF0] =	vst v3  }
0x19a: {  	v0 =	vadd.f32 v9, v0;
	[tilespmem:s17+$0x0] =	vst v1  }
0x19b: {  	[tilespmem:s17+$0x10] =	vst v2  }
0x19c: {  	s15 =	sadd.s32 $0x200, s15;
	s14 =	sadd.s32 $0x1, s14;
	[tilespmem:s17+$0x20] =	vst v0  }
0x19d: {  	s14 =	simm.s32 $0x0;
	s15 =	rddreg [dreg:$0x11]  }
0x19e: {  	[hbm4b:s15+s14] =	stream.linear.scatter [tilespmem:s7], [sflag:$0x4], $0x8000, $0x38;
	[tilespmem:$0x18000] =	vst v63  }
0x19f: {  	_ =	swait.ge [sflag:s10], $0x8000  }
0x1a0: {  	[sflag:s10] =	ssyncset.done $0x0  }
0x1a1: {  	s20 =	rddreg [dreg:$0x12];
	[sflag:s10] =	ssyncadd.s32 $0xFFFF8000  }
0x1a2: {  	[tilespmem:s7], [sflag:$0x2] =	stream.linear.gather [hbm4b:s20+s14], $0x8000, $0x38;
	[tilespmem:$0x18000] =	vst v63  }
0x1a3: {  	_ =	swait.ge [sflag:s11], $0x8000  }
0x1a4: {  	[sflag:s11] =	ssyncset.done $0x0  }
0x1a5: {  	s16 =	simm.s32 $0x0;
	s15 =	simm.s32 $0x0;
	[sflag:s11] =	ssyncadd.s32 $0xFFFF8000  }
.LBB2_30:
0x1a6: {  	s17 =	sshll.u32 s15, $0x2;
	s18 =	sand.u32 $0x7, s14  }
0x1a7: {  	s17 =	sand.u32 $0xFFFFC000, s17;
	s18 =	sshll.u32 s18, $0x9  }
0x1a8: {  	s17 =	sor.u32 s18, s17  }
0x1a9: {  	s18 =	sshrl.u32 s17, $0x2  }
0x1aa: {  	s17 =	sadd.s32 $0x10040, s18  }
0x1ab: {  	v0 =	vld [tilespmem:s17+$0x30]  }
0x1ac: {  	s18 =	sor.u32 $0x40, s18;
	v1 =	vld [tilespmem:s17+$0xFFFFFFD0]  }
0x1ad: {  	v2 =	vld [tilespmem:s18+$0x30]  }
0x1ae: {  	v3 =	vld [tilespmem:s17+$0xFFFFFFE0]  }
0x1af: {  	v5 =	vld [tilespmem:s17+$0xFFFFFFF0]  }
0x1b0: {  	v7 =	vld [tilespmem:s17+$0x0]  }
0x1b1: {  	v9 =	vld [tilespmem:s17+$0x10]  }
0x1b2: {  	v10 =	vld [tilespmem:s17+$0x20]  }
0x1b3: {  	v11 =	vld [tilespmem:s17+$0xFFFFFFC0]  }
0x1b4: {  	v12 =	vld [tilespmem:s18+$0xFFFFFFC0]  }
0x1b5: {  	v13 =	vld [tilespmem:s18+$0xFFFFFFD0];
	v0 =	vadd.f32 v0, v0  }
0x1b6: {  	v8 =	vld [tilespmem:s18+$0xFFFFFFE0];
	v14 =	vadd.f32 v1, v1;
	v4 =	vadd.f32 v3, v3  }
0x1b7: {  	v6 =	vld [tilespmem:s18+$0xFFFFFFF0];
	v3 =	vadd.f32 v5, v5;
	v1 =	vadd.f32 v7, v7  }
0x1b8: {  	v11 =	vadd.f32 v11, v11;
	v7 =	vld [tilespmem:s18+$0x0];
	v15 =	vadd.f32 v2, v0  }
0x1b9: {  	v5 =	vld [tilespmem:s18+$0x10];
	v2 =	vadd.f32 v9, v9;
	v0 =	vadd.f32 v10, v10  }
0x1ba: {  	s19 =	simm.s32 $0x0;
	s20 =	sadd.s32 $0x400, s17;
	v11 =	vadd.f32 v12, v11;
	v10 =	vadd.f32 v13, v14;
	v9 =	vld [tilespmem:s18+$0x20];
	[tilespmem:s17+$0x30] =	vst v15  }
.LBB2_31:
0x1bb: {  	v12 =	vld [tilespmem:s20+$0x30];
	s19 =	sadd.s32 $0x80, s19;
	v4 =	vadd.f32 v8, v4  }
0x1bc: {  	s18 =	sadd.s32 $0x400, s18;
	v8 =	vld [tilespmem:s20+$0xFFFFFFD0];
	p0 =	slt.u32 s19, $0x180;
	[tilespmem:s17+$0xFFFFFFC0] =	vst v11;
	v3 =	vadd.f32 v6, v3  }
0x1bd: {  	v6 =	vld [tilespmem:s18+$0x30];
	[tilespmem:s17+$0xFFFFFFD0] =	vst v10;
	v1 =	vadd.f32 v7, v1  }
0x1be: {  	v7 =	vld [tilespmem:s20+$0xFFFFFFE0];
	[tilespmem:s17+$0xFFFFFFE0] =	vst v4;
	v2 =	vadd.f32 v5, v2  }
0x1bf: {  	v5 =	vld [tilespmem:s20+$0xFFFFFFF0];
	[tilespmem:s17+$0xFFFFFFF0] =	vst v3;
	v0 =	vadd.f32 v9, v0  }
0x1c0: {  	v9 =	vld [tilespmem:s20+$0x0];
	v3 =	vadd.f32 v12, v12;
	[tilespmem:s17+$0x0] =	vst v1  }
0x1c1: {  	v10 =	vadd.f32 v8, v8;
	v11 =	vld [tilespmem:s20+$0x10];
	[tilespmem:s17+$0x10] =	vst v2  }
0x1c2: {  	v12 =	vld [tilespmem:s20+$0x20];
	v1 =	vadd.f32 v6, v3;
	[tilespmem:s17+$0x20] =	vst v0;
	s17 =	smov.u32 s20  }
0x1c3: {  	v13 =	vld [tilespmem:s20+$0xFFFFFFC0];
	v4 =	vadd.f32 v7, v7  }
0x1c4: {  	v14 =	vld [tilespmem:s18+$0xFFFFFFC0];
	v3 =	vadd.f32 v5, v5;
	[tilespmem:s20+$0x30] =	vst v1  }
0x1c5: {  	v15 =	vld [tilespmem:s18+$0xFFFFFFD0];
	v1 =	vadd.f32 v9, v9  }
.Ltmp14:
0x1c6: {  	v8 =	vld [tilespmem:s18+$0xFFFFFFE0];
	v2 =	vadd.f32 v11, v11;
	(pc) =	sbr.rel @p0 .LBB2_31-.Ltmp14, $4  }
0x1c7: {  	v6 =	vld [tilespmem:s18+$0xFFFFFFF0];
	v0 =	vadd.f32 v12, v12  }
0x1c8: {  	v9 =	vadd.f32 v13, v13;
	v7 =	vld [tilespmem:s18+$0x0]  }
0x1c9: {  	v5 =	vld [tilespmem:s18+$0x10]  }
0x1ca: {  	s20 =	sadd.s32 $0x400, s20;
	v11 =	vadd.f32 v14, v9;
	v10 =	vadd.f32 v15, v10;
	v9 =	vld [tilespmem:s18+$0x20]  }
0x1cb: {  	_ = 	snop  }
0x1cc: {  	v4 =	vadd.f32 v8, v4;
	s16 =	sadd.s32 $0x1, s16;
	[tilespmem:s17+$0xFFFFFFC0] =	vst v11  }
0x1cd: {  	v3 =	vadd.f32 v6, v3;
	[tilespmem:s17+$0xFFFFFFD0] =	vst v10;
	p0 =	sne.s32 s16, $0x40  }
.Ltmp15:
0x1ce: {  	v1 =	vadd.f32 v7, v1;
	[tilespmem:s17+$0xFFFFFFE0] =	vst v4;
	(pc) =	sbr.rel @p0 .LBB2_30-.Ltmp15, $4  }
0x1cf: {  	v2 =	vadd.f32 v5, v2;
	[tilespmem:s17+$0xFFFFFFF0] =	vst v3  }
0x1d0: {  	v0 =	vadd.f32 v9, v0;
	[tilespmem:s17+$0x0] =	vst v1  }
0x1d1: {  	[tilespmem:s17+$0x10] =	vst v2  }
0x1d2: {  	s15 =	sadd.s32 $0x200, s15;
	s14 =	sadd.s32 $0x1, s14;
	[tilespmem:s17+$0x20] =	vst v0  }
0x1d3: {  	s14 =	simm.s32 $0x0;
	s15 =	rddreg [dreg:$0x13]  }
0x1d4: {  	[hbm4b:s15+s14] =	stream.linear.scatter [tilespmem:s8], [sflag:$0x5], $0x8000, $0x38;
	[tilespmem:$0x18000] =	vst v63  }
0x1d5: {  	_ =	swait.ge [sflag:s12], $0x8000  }
0x1d6: {  	[sflag:s12] =	ssyncset.done $0x0  }
0x1d7: {  	s20 =	rddreg [dreg:$0x14];
	[sflag:s12] =	ssyncadd.s32 $0xFFFF8000  }
0x1d8: {  	[tilespmem:s8], [sflag:$0x3] =	stream.linear.gather [hbm4b:s20+s14], $0x8000, $0x38;
	[tilespmem:$0x18000] =	vst v63  }
0x1d9: {  	_ =	swait.ge [sflag:s9], $0x8000  }
0x1da: {  	[sflag:s9] =	ssyncset.done $0x0  }
0x1db: {  	s16 =	simm.s32 $0x0;
	s15 =	simm.s32 $0x0;
	[sflag:s9] =	ssyncadd.s32 $0xFFFF8000  }
.LBB2_34:
0x1dc: {  	s17 =	sshll.u32 s15, $0x2;
	s18 =	sand.u32 $0x7, s14  }
0x1dd: {  	s17 =	sand.u32 $0xFFFFC000, s17;
	s18 =	sshll.u32 s18, $0x9  }
0x1de: {  	s17 =	sor.u32 s18, s17  }
0x1df: {  	s18 =	sshrl.u32 s17, $0x2  }
0x1e0: {  	s17 =	sadd.s32 $0x8040, s18  }
0x1e1: {  	v0 =	vld [tilespmem:s17+$0x30]  }
0x1e2: {  	s18 =	sor.u32 $0x40, s18;
	v1 =	vld [tilespmem:s17+$0xFFFFFFD0]  }
0x1e3: {  	v2 =	vld [tilespmem:s18+$0x30]  }
0x1e4: {  	v3 =	vld [tilespmem:s17+$0xFFFFFFE0]  }
0x1e5: {  	v5 =	vld [tilespmem:s17+$0xFFFFFFF0]  }
0x1e6: {  	v7 =	vld [tilespmem:s17+$0x0]  }
0x1e7: {  	v9 =	vld [tilespmem:s17+$0x10]  }
0x1e8: {  	v10 =	vld [tilespmem:s17+$0x20]  }
0x1e9: {  	v11 =	vld [tilespmem:s17+$0xFFFFFFC0]  }
0x1ea: {  	v12 =	vld [tilespmem:s18+$0xFFFFFFC0]  }
0x1eb: {  	v13 =	vld [tilespmem:s18+$0xFFFFFFD0];
	v0 =	vadd.f32 v0, v0  }
0x1ec: {  	v8 =	vld [tilespmem:s18+$0xFFFFFFE0];
	v14 =	vadd.f32 v1, v1;
	v4 =	vadd.f32 v3, v3  }
0x1ed: {  	v6 =	vld [tilespmem:s18+$0xFFFFFFF0];
	v3 =	vadd.f32 v5, v5;
	v1 =	vadd.f32 v7, v7  }
0x1ee: {  	v11 =	vadd.f32 v11, v11;
	v7 =	vld [tilespmem:s18+$0x0];
	v15 =	vadd.f32 v2, v0  }
0x1ef: {  	v5 =	vld [tilespmem:s18+$0x10];
	v2 =	vadd.f32 v9, v9;
	v0 =	vadd.f32 v10, v10  }
0x1f0: {  	s19 =	simm.s32 $0x0;
	s20 =	sadd.s32 $0x400, s17;
	v11 =	vadd.f32 v12, v11;
	v10 =	vadd.f32 v13, v14;
	v9 =	vld [tilespmem:s18+$0x20];
	[tilespmem:s17+$0x30] =	vst v15  }
.LBB2_35:
0x1f1: {  	v12 =	vld [tilespmem:s20+$0x30];
	s19 =	sadd.s32 $0x80, s19;
	v4 =	vadd.f32 v8, v4  }
0x1f2: {  	s18 =	sadd.s32 $0x400, s18;
	v8 =	vld [tilespmem:s20+$0xFFFFFFD0];
	p0 =	slt.u32 s19, $0x180;
	[tilespmem:s17+$0xFFFFFFC0] =	vst v11;
	v3 =	vadd.f32 v6, v3  }
0x1f3: {  	v6 =	vld [tilespmem:s18+$0x30];
	[tilespmem:s17+$0xFFFFFFD0] =	vst v10;
	v1 =	vadd.f32 v7, v1  }
0x1f4: {  	v7 =	vld [tilespmem:s20+$0xFFFFFFE0];
	[tilespmem:s17+$0xFFFFFFE0] =	vst v4;
	v2 =	vadd.f32 v5, v2  }
0x1f5: {  	v5 =	vld [tilespmem:s20+$0xFFFFFFF0];
	[tilespmem:s17+$0xFFFFFFF0] =	vst v3;
	v0 =	vadd.f32 v9, v0  }
0x1f6: {  	v9 =	vld [tilespmem:s20+$0x0];
	v3 =	vadd.f32 v12, v12;
	[tilespmem:s17+$0x0] =	vst v1  }
0x1f7: {  	v10 =	vadd.f32 v8, v8;
	v11 =	vld [tilespmem:s20+$0x10];
	[tilespmem:s17+$0x10] =	vst v2  }
0x1f8: {  	v12 =	vld [tilespmem:s20+$0x20];
	v1 =	vadd.f32 v6, v3;
	[tilespmem:s17+$0x20] =	vst v0;
	s17 =	smov.u32 s20  }
0x1f9: {  	v13 =	vld [tilespmem:s20+$0xFFFFFFC0];
	v4 =	vadd.f32 v7, v7  }
0x1fa: {  	v14 =	vld [tilespmem:s18+$0xFFFFFFC0];
	v3 =	vadd.f32 v5, v5;
	[tilespmem:s20+$0x30] =	vst v1  }
0x1fb: {  	v15 =	vld [tilespmem:s18+$0xFFFFFFD0];
	v1 =	vadd.f32 v9, v9  }
.Ltmp16:
0x1fc: {  	v8 =	vld [tilespmem:s18+$0xFFFFFFE0];
	v2 =	vadd.f32 v11, v11;
	(pc) =	sbr.rel @p0 .LBB2_35-.Ltmp16, $4  }
0x1fd: {  	v6 =	vld [tilespmem:s18+$0xFFFFFFF0];
	v0 =	vadd.f32 v12, v12  }
0x1fe: {  	v9 =	vadd.f32 v13, v13;
	v7 =	vld [tilespmem:s18+$0x0]  }
0x1ff: {  	v5 =	vld [tilespmem:s18+$0x10]  }
0x200: {  	s20 =	sadd.s32 $0x400, s20;
	v11 =	vadd.f32 v14, v9;
	v10 =	vadd.f32 v15, v10;
	v9 =	vld [tilespmem:s18+$0x20]  }
0x201: {  	_ = 	snop  }
0x202: {  	v4 =	vadd.f32 v8, v4;
	s16 =	sadd.s32 $0x1, s16;
	[tilespmem:s17+$0xFFFFFFC0] =	vst v11  }
0x203: {  	v3 =	vadd.f32 v6, v3;
	[tilespmem:s17+$0xFFFFFFD0] =	vst v10;
	p0 =	sne.s32 s16, $0x40  }
.Ltmp17:
0x204: {  	v1 =	vadd.f32 v7, v1;
	[tilespmem:s17+$0xFFFFFFE0] =	vst v4;
	(pc) =	sbr.rel @p0 .LBB2_34-.Ltmp17, $4  }
0x205: {  	v2 =	vadd.f32 v5, v2;
	[tilespmem:s17+$0xFFFFFFF0] =	vst v3  }
0x206: {  	v0 =	vadd.f32 v9, v0;
	[tilespmem:s17+$0x0] =	vst v1  }
0x207: {  	[tilespmem:s17+$0x10] =	vst v2  }
0x208: {  	s15 =	sadd.s32 $0x200, s15;
	s14 =	sadd.s32 $0x1, s14;
	[tilespmem:s17+$0x20] =	vst v0  }
0x209: {  	s14 =	simm.s32 $0x0;
	s15 =	rddreg [dreg:$0x15]  }
0x20a: {  	[hbm4b:s15+s14] =	stream.linear.scatter [tilespmem:s7], [sflag:$0x4], $0x8000, $0x38;
	[tilespmem:$0x18000] =	vst v63  }
0x20b: {  	_ =	swait.ge [sflag:s10], $0x8000  }
0x20c: {  	[sflag:s10] =	ssyncset.done $0x0  }
0x20d: {  	[sflag:s10] =	ssyncadd.s32 $0xFFFF8000  }
0x20e: {  	[tilespmem:s7], [sflag:$0x2] =	stream.linear.gather [hbm4b:s21+s14], $0x8000, $0x38;
	[tilespmem:$0x18000] =	vst v63  }
0x20f: {  	_ =	swait.ge [sflag:s11], $0x8000  }
0x210: {  	[sflag:s11] =	ssyncset.done $0x0  }
0x211: {  	s16 =	simm.s32 $0x0;
	s15 =	simm.s32 $0x0;
	[sflag:s11] =	ssyncadd.s32 $0xFFFF8000  }
.LBB2_38:
0x212: {  	s17 =	sshll.u32 s15, $0x2;
	s18 =	sand.u32 $0x7, s14  }
0x213: {  	s17 =	sand.u32 $0xFFFFC000, s17;
	s18 =	sshll.u32 s18, $0x9  }
0x214: {  	s17 =	sor.u32 s18, s17  }
0x215: {  	s18 =	sshrl.u32 s17, $0x2  }
0x216: {  	s17 =	sadd.s32 $0x10040, s18  }
0x217: {  	v0 =	vld [tilespmem:s17+$0x30]  }
0x218: {  	s18 =	sor.u32 $0x40, s18;
	v1 =	vld [tilespmem:s17+$0xFFFFFFD0]  }
0x219: {  	v2 =	vld [tilespmem:s18+$0x30]  }
0x21a: {  	v3 =	vld [tilespmem:s17+$0xFFFFFFE0]  }
0x21b: {  	v5 =	vld [tilespmem:s17+$0xFFFFFFF0]  }
0x21c: {  	v7 =	vld [tilespmem:s17+$0x0]  }
0x21d: {  	v9 =	vld [tilespmem:s17+$0x10]  }
0x21e: {  	v10 =	vld [tilespmem:s17+$0x20]  }
0x21f: {  	v11 =	vld [tilespmem:s17+$0xFFFFFFC0]  }
0x220: {  	v12 =	vld [tilespmem:s18+$0xFFFFFFC0]  }
0x221: {  	v13 =	vld [tilespmem:s18+$0xFFFFFFD0];
	v0 =	vadd.f32 v0, v0  }
0x222: {  	v8 =	vld [tilespmem:s18+$0xFFFFFFE0];
	v14 =	vadd.f32 v1, v1;
	v4 =	vadd.f32 v3, v3  }
0x223: {  	v6 =	vld [tilespmem:s18+$0xFFFFFFF0];
	v3 =	vadd.f32 v5, v5;
	v1 =	vadd.f32 v7, v7  }
0x224: {  	v11 =	vadd.f32 v11, v11;
	v7 =	vld [tilespmem:s18+$0x0];
	v15 =	vadd.f32 v2, v0  }
0x225: {  	v5 =	vld [tilespmem:s18+$0x10];
	v2 =	vadd.f32 v9, v9;
	v0 =	vadd.f32 v10, v10  }
0x226: {  	s19 =	simm.s32 $0x0;
	s20 =	sadd.s32 $0x400, s17;
	v11 =	vadd.f32 v12, v11;
	v10 =	vadd.f32 v13, v14;
	v9 =	vld [tilespmem:s18+$0x20];
	[tilespmem:s17+$0x30] =	vst v15  }
.LBB2_39:
0x227: {  	v12 =	vld [tilespmem:s20+$0x30];
	s19 =	sadd.s32 $0x80, s19;
	v4 =	vadd.f32 v8, v4  }
0x228: {  	s18 =	sadd.s32 $0x400, s18;
	v8 =	vld [tilespmem:s20+$0xFFFFFFD0];
	p0 =	slt.u32 s19, $0x180;
	[tilespmem:s17+$0xFFFFFFC0] =	vst v11;
	v3 =	vadd.f32 v6, v3  }
0x229: {  	v6 =	vld [tilespmem:s18+$0x30];
	[tilespmem:s17+$0xFFFFFFD0] =	vst v10;
	v1 =	vadd.f32 v7, v1  }
0x22a: {  	v7 =	vld [tilespmem:s20+$0xFFFFFFE0];
	[tilespmem:s17+$0xFFFFFFE0] =	vst v4;
	v2 =	vadd.f32 v5, v2  }
0x22b: {  	v5 =	vld [tilespmem:s20+$0xFFFFFFF0];
	[tilespmem:s17+$0xFFFFFFF0] =	vst v3;
	v0 =	vadd.f32 v9, v0  }
0x22c: {  	v9 =	vld [tilespmem:s20+$0x0];
	v3 =	vadd.f32 v12, v12;
	[tilespmem:s17+$0x0] =	vst v1  }
0x22d: {  	v10 =	vadd.f32 v8, v8;
	v11 =	vld [tilespmem:s20+$0x10];
	[tilespmem:s17+$0x10] =	vst v2  }
0x22e: {  	v12 =	vld [tilespmem:s20+$0x20];
	v1 =	vadd.f32 v6, v3;
	[tilespmem:s17+$0x20] =	vst v0;
	s17 =	smov.u32 s20  }
0x22f: {  	v13 =	vld [tilespmem:s20+$0xFFFFFFC0];
	v4 =	vadd.f32 v7, v7  }
0x230: {  	v14 =	vld [tilespmem:s18+$0xFFFFFFC0];
	v3 =	vadd.f32 v5, v5;
	[tilespmem:s20+$0x30] =	vst v1  }
0x231: {  	v15 =	vld [tilespmem:s18+$0xFFFFFFD0];
	v1 =	vadd.f32 v9, v9  }
.Ltmp18:
0x232: {  	v8 =	vld [tilespmem:s18+$0xFFFFFFE0];
	v2 =	vadd.f32 v11, v11;
	(pc) =	sbr.rel @p0 .LBB2_39-.Ltmp18, $4  }
0x233: {  	v6 =	vld [tilespmem:s18+$0xFFFFFFF0];
	v0 =	vadd.f32 v12, v12  }
0x234: {  	v9 =	vadd.f32 v13, v13;
	v7 =	vld [tilespmem:s18+$0x0]  }
0x235: {  	v5 =	vld [tilespmem:s18+$0x10]  }
0x236: {  	s20 =	sadd.s32 $0x400, s20;
	v11 =	vadd.f32 v14, v9;
	v10 =	vadd.f32 v15, v10;
	v9 =	vld [tilespmem:s18+$0x20]  }
0x237: {  	_ = 	snop  }
0x238: {  	v4 =	vadd.f32 v8, v4;
	s16 =	sadd.s32 $0x1, s16;
	[tilespmem:s17+$0xFFFFFFC0] =	vst v11  }
0x239: {  	v3 =	vadd.f32 v6, v3;
	[tilespmem:s17+$0xFFFFFFD0] =	vst v10;
	p0 =	sne.s32 s16, $0x40  }
.Ltmp19:
0x23a: {  	v1 =	vadd.f32 v7, v1;
	[tilespmem:s17+$0xFFFFFFE0] =	vst v4;
	(pc) =	sbr.rel @p0 .LBB2_38-.Ltmp19, $4  }
0x23b: {  	v2 =	vadd.f32 v5, v2;
	[tilespmem:s17+$0xFFFFFFF0] =	vst v3  }
0x23c: {  	v0 =	vadd.f32 v9, v0;
	[tilespmem:s17+$0x0] =	vst v1  }
0x23d: {  	[tilespmem:s17+$0x10] =	vst v2  }
0x23e: {  	s15 =	sadd.s32 $0x200, s15;
	s14 =	sadd.s32 $0x1, s14;
	[tilespmem:s17+$0x20] =	vst v0  }
0x23f: {  	s14 =	simm.s32 $0x0;
	s15 =	rddreg [dreg:$0x16]  }
0x240: {  	[hbm4b:s15+s14] =	stream.linear.scatter [tilespmem:s8], [sflag:$0x5], $0x8000, $0x38;
	[tilespmem:$0x18000] =	vst v63  }
0x241: {  	_ =	swait.ge [sflag:s12], $0x8000  }
0x242: {  	[sflag:s12] =	ssyncset.done $0x0  }
0x243: {  	[sflag:s12] =	ssyncadd.s32 $0xFFFF8000  }
0x244: {  	[tilespmem:s8], [sflag:$0x3] =	stream.linear.gather [hbm4b:s23+s14], $0x8000, $0x38;
	[tilespmem:$0x18000] =	vst v63  }
0x245: {  	_ =	swait.ge [sflag:s9], $0x8000  }
0x246: {  	[sflag:s9] =	ssyncset.done $0x0  }
0x247: {  	s16 =	simm.s32 $0x0;
	s15 =	simm.s32 $0x0;
	[sflag:s9] =	ssyncadd.s32 $0xFFFF8000  }
.LBB2_42:
0x248: {  	s17 =	sshll.u32 s15, $0x2;
	s18 =	sand.u32 $0x7, s14  }
0x249: {  	s17 =	sand.u32 $0xFFFFC000, s17;
	s18 =	sshll.u32 s18, $0x9  }
0x24a: {  	s17 =	sor.u32 s18, s17  }
0x24b: {  	s18 =	sshrl.u32 s17, $0x2  }
0x24c: {  	s17 =	sadd.s32 $0x8040, s18  }
0x24d: {  	v0 =	vld [tilespmem:s17+$0x30]  }
0x24e: {  	s18 =	sor.u32 $0x40, s18;
	v1 =	vld [tilespmem:s17+$0xFFFFFFD0]  }
0x24f: {  	v2 =	vld [tilespmem:s18+$0x30]  }
0x250: {  	v3 =	vld [tilespmem:s17+$0xFFFFFFE0]  }
0x251: {  	v5 =	vld [tilespmem:s17+$0xFFFFFFF0]  }
0x252: {  	v7 =	vld [tilespmem:s17+$0x0]  }
0x253: {  	v9 =	vld [tilespmem:s17+$0x10]  }
0x254: {  	v10 =	vld [tilespmem:s17+$0x20]  }
0x255: {  	v11 =	vld [tilespmem:s17+$0xFFFFFFC0]  }
0x256: {  	v12 =	vld [tilespmem:s18+$0xFFFFFFC0]  }
0x257: {  	v13 =	vld [tilespmem:s18+$0xFFFFFFD0];
	v0 =	vadd.f32 v0, v0  }
0x258: {  	v8 =	vld [tilespmem:s18+$0xFFFFFFE0];
	v14 =	vadd.f32 v1, v1;
	v4 =	vadd.f32 v3, v3  }
0x259: {  	v6 =	vld [tilespmem:s18+$0xFFFFFFF0];
	v3 =	vadd.f32 v5, v5;
	v1 =	vadd.f32 v7, v7  }
0x25a: {  	v11 =	vadd.f32 v11, v11;
	v7 =	vld [tilespmem:s18+$0x0];
	v15 =	vadd.f32 v2, v0  }
0x25b: {  	v5 =	vld [tilespmem:s18+$0x10];
	v2 =	vadd.f32 v9, v9;
	v0 =	vadd.f32 v10, v10  }
0x25c: {  	s19 =	simm.s32 $0x0;
	s20 =	sadd.s32 $0x400, s17;
	v11 =	vadd.f32 v12, v11;
	v10 =	vadd.f32 v13, v14;
	v9 =	vld [tilespmem:s18+$0x20];
	[tilespmem:s17+$0x30] =	vst v15  }
.LBB2_43:
0x25d: {  	v12 =	vld [tilespmem:s20+$0x30];
	s19 =	sadd.s32 $0x80, s19;
	v4 =	vadd.f32 v8, v4  }
0x25e: {  	s18 =	sadd.s32 $0x400, s18;
	v8 =	vld [tilespmem:s20+$0xFFFFFFD0];
	p0 =	slt.u32 s19, $0x180;
	[tilespmem:s17+$0xFFFFFFC0] =	vst v11;
	v3 =	vadd.f32 v6, v3  }
0x25f: {  	v6 =	vld [tilespmem:s18+$0x30];
	[tilespmem:s17+$0xFFFFFFD0] =	vst v10;
	v1 =	vadd.f32 v7, v1  }
0x260: {  	v7 =	vld [tilespmem:s20+$0xFFFFFFE0];
	[tilespmem:s17+$0xFFFFFFE0] =	vst v4;
	v2 =	vadd.f32 v5, v2  }
0x261: {  	v5 =	vld [tilespmem:s20+$0xFFFFFFF0];
	[tilespmem:s17+$0xFFFFFFF0] =	vst v3;
	v0 =	vadd.f32 v9, v0  }
0x262: {  	v9 =	vld [tilespmem:s20+$0x0];
	v3 =	vadd.f32 v12, v12;
	[tilespmem:s17+$0x0] =	vst v1  }
0x263: {  	v10 =	vadd.f32 v8, v8;
	v11 =	vld [tilespmem:s20+$0x10];
	[tilespmem:s17+$0x10] =	vst v2  }
0x264: {  	v12 =	vld [tilespmem:s20+$0x20];
	v1 =	vadd.f32 v6, v3;
	[tilespmem:s17+$0x20] =	vst v0;
	s17 =	smov.u32 s20  }
0x265: {  	v13 =	vld [tilespmem:s20+$0xFFFFFFC0];
	v4 =	vadd.f32 v7, v7  }
0x266: {  	v14 =	vld [tilespmem:s18+$0xFFFFFFC0];
	v3 =	vadd.f32 v5, v5;
	[tilespmem:s20+$0x30] =	vst v1  }
0x267: {  	v15 =	vld [tilespmem:s18+$0xFFFFFFD0];
	v1 =	vadd.f32 v9, v9  }
.Ltmp20:
0x268: {  	v8 =	vld [tilespmem:s18+$0xFFFFFFE0];
	v2 =	vadd.f32 v11, v11;
	(pc) =	sbr.rel @p0 .LBB2_43-.Ltmp20, $4  }
0x269: {  	v6 =	vld [tilespmem:s18+$0xFFFFFFF0];
	v0 =	vadd.f32 v12, v12  }
0x26a: {  	v9 =	vadd.f32 v13, v13;
	v7 =	vld [tilespmem:s18+$0x0]  }
0x26b: {  	v5 =	vld [tilespmem:s18+$0x10]  }
0x26c: {  	s20 =	sadd.s32 $0x400, s20;
	v11 =	vadd.f32 v14, v9;
	v10 =	vadd.f32 v15, v10;
	v9 =	vld [tilespmem:s18+$0x20]  }
0x26d: {  	_ = 	snop  }
0x26e: {  	v4 =	vadd.f32 v8, v4;
	s16 =	sadd.s32 $0x1, s16;
	[tilespmem:s17+$0xFFFFFFC0] =	vst v11  }
0x26f: {  	v3 =	vadd.f32 v6, v3;
	[tilespmem:s17+$0xFFFFFFD0] =	vst v10;
	p0 =	sne.s32 s16, $0x40  }
.Ltmp21:
0x270: {  	v1 =	vadd.f32 v7, v1;
	[tilespmem:s17+$0xFFFFFFE0] =	vst v4;
	(pc) =	sbr.rel @p0 .LBB2_42-.Ltmp21, $4  }
0x271: {  	v2 =	vadd.f32 v5, v2;
	[tilespmem:s17+$0xFFFFFFF0] =	vst v3  }
0x272: {  	v0 =	vadd.f32 v9, v0;
	[tilespmem:s17+$0x0] =	vst v1  }
0x273: {  	[tilespmem:s17+$0x10] =	vst v2  }
0x274: {  	s15 =	sadd.s32 $0x200, s15;
	s14 =	sadd.s32 $0x1, s14;
	[tilespmem:s17+$0x20] =	vst v0  }
0x275: {  	s14 =	simm.s32 $0x0  }
0x276: {  	[hbm4b:s22+s14] =	stream.linear.scatter [tilespmem:s7], [sflag:$0x4], $0x8000, $0x38;
	[tilespmem:$0x18000] =	vst v63  }
0x277: {  	_ =	swait.ge [sflag:s10], $0x8000  }
0x278: {  	[sflag:s10] =	ssyncset.done $0x0  }
0x279: {  	[sflag:s10] =	ssyncadd.s32 $0xFFFF8000  }
0x27a: {  	[tilespmem:s7], [sflag:$0x2] =	stream.linear.gather [hbm4b:s25+s14], $0x8000, $0x38;
	[tilespmem:$0x18000] =	vst v63  }
0x27b: {  	_ =	swait.ge [sflag:s11], $0x8000  }
0x27c: {  	[sflag:s11] =	ssyncset.done $0x0  }
0x27d: {  	s15 =	simm.s32 $0x0;
	s16 =	simm.s32 $0x0;
	[sflag:s11] =	ssyncadd.s32 $0xFFFF8000  }
.LBB2_46:
0x27e: {  	s17 =	sshll.u32 s15, $0x2;
	s18 =	sand.u32 $0x7, s14  }
0x27f: {  	s17 =	sand.u32 $0xFFFFC000, s17;
	s18 =	sshll.u32 s18, $0x9  }
0x280: {  	s17 =	sor.u32 s18, s17  }
0x281: {  	s18 =	sshrl.u32 s17, $0x2  }
0x282: {  	s17 =	sadd.s32 $0x10040, s18  }
0x283: {  	v0 =	vld [tilespmem:s17+$0x30]  }
0x284: {  	s18 =	sor.u32 $0x40, s18;
	v1 =	vld [tilespmem:s17+$0xFFFFFFD0]  }
0x285: {  	v2 =	vld [tilespmem:s18+$0x30]  }
0x286: {  	v3 =	vld [tilespmem:s17+$0xFFFFFFE0]  }
0x287: {  	v5 =	vld [tilespmem:s17+$0xFFFFFFF0]  }
0x288: {  	v7 =	vld [tilespmem:s17+$0x0]  }
0x289: {  	v9 =	vld [tilespmem:s17+$0x10]  }
0x28a: {  	v10 =	vld [tilespmem:s17+$0x20]  }
0x28b: {  	v11 =	vld [tilespmem:s17+$0xFFFFFFC0]  }
0x28c: {  	v12 =	vld [tilespmem:s18+$0xFFFFFFC0]  }
0x28d: {  	v13 =	vld [tilespmem:s18+$0xFFFFFFD0];
	v0 =	vadd.f32 v0, v0  }
0x28e: {  	v8 =	vld [tilespmem:s18+$0xFFFFFFE0];
	v14 =	vadd.f32 v1, v1;
	v4 =	vadd.f32 v3, v3  }
0x28f: {  	v6 =	vld [tilespmem:s18+$0xFFFFFFF0];
	v3 =	vadd.f32 v5, v5;
	v1 =	vadd.f32 v7, v7  }
0x290: {  	v11 =	vadd.f32 v11, v11;
	v7 =	vld [tilespmem:s18+$0x0];
	v15 =	vadd.f32 v2, v0  }
0x291: {  	v5 =	vld [tilespmem:s18+$0x10];
	v2 =	vadd.f32 v9, v9;
	v0 =	vadd.f32 v10, v10  }
0x292: {  	s19 =	simm.s32 $0x0;
	s20 =	sadd.s32 $0x400, s17;
	v11 =	vadd.f32 v12, v11;
	v10 =	vadd.f32 v13, v14;
	v9 =	vld [tilespmem:s18+$0x20];
	[tilespmem:s17+$0x30] =	vst v15  }
.LBB2_47:
0x293: {  	v12 =	vld [tilespmem:s20+$0x30];
	s19 =	sadd.s32 $0x80, s19;
	v4 =	vadd.f32 v8, v4  }
0x294: {  	s18 =	sadd.s32 $0x400, s18;
	v8 =	vld [tilespmem:s20+$0xFFFFFFD0];
	p0 =	slt.u32 s19, $0x180;
	[tilespmem:s17+$0xFFFFFFC0] =	vst v11;
	v3 =	vadd.f32 v6, v3  }
0x295: {  	v6 =	vld [tilespmem:s18+$0x30];
	[tilespmem:s17+$0xFFFFFFD0] =	vst v10;
	v1 =	vadd.f32 v7, v1  }
0x296: {  	v7 =	vld [tilespmem:s20+$0xFFFFFFE0];
	[tilespmem:s17+$0xFFFFFFE0] =	vst v4;
	v2 =	vadd.f32 v5, v2  }
0x297: {  	v5 =	vld [tilespmem:s20+$0xFFFFFFF0];
	[tilespmem:s17+$0xFFFFFFF0] =	vst v3;
	v0 =	vadd.f32 v9, v0  }
0x298: {  	v9 =	vld [tilespmem:s20+$0x0];
	v3 =	vadd.f32 v12, v12;
	[tilespmem:s17+$0x0] =	vst v1  }
0x299: {  	v10 =	vadd.f32 v8, v8;
	v11 =	vld [tilespmem:s20+$0x10];
	[tilespmem:s17+$0x10] =	vst v2  }
0x29a: {  	v12 =	vld [tilespmem:s20+$0x20];
	v1 =	vadd.f32 v6, v3;
	[tilespmem:s17+$0x20] =	vst v0;
	s17 =	smov.u32 s20  }
0x29b: {  	v13 =	vld [tilespmem:s20+$0xFFFFFFC0];
	v4 =	vadd.f32 v7, v7  }
0x29c: {  	v14 =	vld [tilespmem:s18+$0xFFFFFFC0];
	v3 =	vadd.f32 v5, v5;
	[tilespmem:s20+$0x30] =	vst v1  }
0x29d: {  	v15 =	vld [tilespmem:s18+$0xFFFFFFD0];
	v1 =	vadd.f32 v9, v9  }
.Ltmp22:
0x29e: {  	v8 =	vld [tilespmem:s18+$0xFFFFFFE0];
	v2 =	vadd.f32 v11, v11;
	(pc) =	sbr.rel @p0 .LBB2_47-.Ltmp22, $4  }
0x29f: {  	v6 =	vld [tilespmem:s18+$0xFFFFFFF0];
	v0 =	vadd.f32 v12, v12  }
0x2a0: {  	v9 =	vadd.f32 v13, v13;
	v7 =	vld [tilespmem:s18+$0x0]  }
0x2a1: {  	v5 =	vld [tilespmem:s18+$0x10]  }
0x2a2: {  	s20 =	sadd.s32 $0x400, s20;
	v11 =	vadd.f32 v14, v9;
	v10 =	vadd.f32 v15, v10;
	v9 =	vld [tilespmem:s18+$0x20]  }
0x2a3: {  	_ = 	snop  }
0x2a4: {  	v4 =	vadd.f32 v8, v4;
	s16 =	sadd.s32 $0x1, s16;
	[tilespmem:s17+$0xFFFFFFC0] =	vst v11  }
0x2a5: {  	v3 =	vadd.f32 v6, v3;
	[tilespmem:s17+$0xFFFFFFD0] =	vst v10;
	p0 =	sne.s32 s16, $0x40  }
.Ltmp23:
0x2a6: {  	v1 =	vadd.f32 v7, v1;
	[tilespmem:s17+$0xFFFFFFE0] =	vst v4;
	(pc) =	sbr.rel @p0 .LBB2_46-.Ltmp23, $4  }
0x2a7: {  	v2 =	vadd.f32 v5, v2;
	[tilespmem:s17+$0xFFFFFFF0] =	vst v3  }
0x2a8: {  	v0 =	vadd.f32 v9, v0;
	[tilespmem:s17+$0x0] =	vst v1  }
0x2a9: {  	[tilespmem:s17+$0x10] =	vst v2  }
0x2aa: {  	s15 =	sadd.s32 $0x200, s15;
	s14 =	sadd.s32 $0x1, s14;
	[tilespmem:s17+$0x20] =	vst v0  }
0x2ab: {  	s14 =	simm.s32 $0x0  }
0x2ac: {  	[hbm4b:s24+s14] =	stream.linear.scatter [tilespmem:s8], [sflag:$0x5], $0x8000, $0x38;
	[tilespmem:$0x18000] =	vst v63  }
0x2ad: {  	_ =	swait.ge [sflag:s12], $0x8000  }
0x2ae: {  	[sflag:s12] =	ssyncset.done $0x0  }
0x2af: {  	[sflag:s12] =	ssyncadd.s32 $0xFFFF8000  }
0x2b0: {  	[tilespmem:s8], [sflag:$0x3] =	stream.linear.gather [hbm4b:s28+s14], $0x8000, $0x38;
	[tilespmem:$0x18000] =	vst v63  }
0x2b1: {  	_ =	swait.ge [sflag:s9], $0x8000  }
0x2b2: {  	[sflag:s9] =	ssyncset.done $0x0  }
0x2b3: {  	s15 =	simm.s32 $0x0;
	s16 =	simm.s32 $0x0;
	[sflag:s9] =	ssyncadd.s32 $0xFFFF8000  }
.LBB2_50:
0x2b4: {  	s17 =	sshll.u32 s15, $0x2;
	s18 =	sand.u32 $0x7, s14  }
0x2b5: {  	s17 =	sand.u32 $0xFFFFC000, s17;
	s18 =	sshll.u32 s18, $0x9  }
0x2b6: {  	s17 =	sor.u32 s18, s17  }
0x2b7: {  	s18 =	sshrl.u32 s17, $0x2  }
0x2b8: {  	s17 =	sadd.s32 $0x8040, s18  }
0x2b9: {  	v0 =	vld [tilespmem:s17+$0x30]  }
0x2ba: {  	s18 =	sor.u32 $0x40, s18;
	v1 =	vld [tilespmem:s17+$0xFFFFFFD0]  }
0x2bb: {  	v2 =	vld [tilespmem:s18+$0x30]  }
0x2bc: {  	v3 =	vld [tilespmem:s17+$0xFFFFFFE0]  }
0x2bd: {  	v5 =	vld [tilespmem:s17+$0xFFFFFFF0]  }
0x2be: {  	v7 =	vld [tilespmem:s17+$0x0]  }
0x2bf: {  	v9 =	vld [tilespmem:s17+$0x10]  }
0x2c0: {  	v10 =	vld [tilespmem:s17+$0x20]  }
0x2c1: {  	v11 =	vld [tilespmem:s17+$0xFFFFFFC0]  }
0x2c2: {  	v12 =	vld [tilespmem:s18+$0xFFFFFFC0]  }
0x2c3: {  	v13 =	vld [tilespmem:s18+$0xFFFFFFD0];
	v0 =	vadd.f32 v0, v0  }
0x2c4: {  	v8 =	vld [tilespmem:s18+$0xFFFFFFE0];
	v14 =	vadd.f32 v1, v1;
	v4 =	vadd.f32 v3, v3  }
0x2c5: {  	v6 =	vld [tilespmem:s18+$0xFFFFFFF0];
	v3 =	vadd.f32 v5, v5;
	v1 =	vadd.f32 v7, v7  }
0x2c6: {  	v11 =	vadd.f32 v11, v11;
	v7 =	vld [tilespmem:s18+$0x0];
	v15 =	vadd.f32 v2, v0  }
0x2c7: {  	v5 =	vld [tilespmem:s18+$0x10];
	v2 =	vadd.f32 v9, v9;
	v0 =	vadd.f32 v10, v10  }
0x2c8: {  	s19 =	simm.s32 $0x0;
	s20 =	sadd.s32 $0x400, s17;
	v11 =	vadd.f32 v12, v11;
	v10 =	vadd.f32 v13, v14;
	v9 =	vld [tilespmem:s18+$0x20];
	[tilespmem:s17+$0x30] =	vst v15  }
.LBB2_51:
0x2c9: {  	v12 =	vld [tilespmem:s20+$0x30];
	s19 =	sadd.s32 $0x80, s19;
	v4 =	vadd.f32 v8, v4  }
0x2ca: {  	s18 =	sadd.s32 $0x400, s18;
	v8 =	vld [tilespmem:s20+$0xFFFFFFD0];
	p0 =	slt.u32 s19, $0x180;
	[tilespmem:s17+$0xFFFFFFC0] =	vst v11;
	v3 =	vadd.f32 v6, v3  }
0x2cb: {  	v6 =	vld [tilespmem:s18+$0x30];
	[tilespmem:s17+$0xFFFFFFD0] =	vst v10;
	v1 =	vadd.f32 v7, v1  }
0x2cc: {  	v7 =	vld [tilespmem:s20+$0xFFFFFFE0];
	[tilespmem:s17+$0xFFFFFFE0] =	vst v4;
	v2 =	vadd.f32 v5, v2  }
0x2cd: {  	v5 =	vld [tilespmem:s20+$0xFFFFFFF0];
	[tilespmem:s17+$0xFFFFFFF0] =	vst v3;
	v0 =	vadd.f32 v9, v0  }
0x2ce: {  	v9 =	vld [tilespmem:s20+$0x0];
	v3 =	vadd.f32 v12, v12;
	[tilespmem:s17+$0x0] =	vst v1  }
0x2cf: {  	v10 =	vadd.f32 v8, v8;
	v11 =	vld [tilespmem:s20+$0x10];
	[tilespmem:s17+$0x10] =	vst v2  }
0x2d0: {  	v12 =	vld [tilespmem:s20+$0x20];
	v1 =	vadd.f32 v6, v3;
	[tilespmem:s17+$0x20] =	vst v0;
	s17 =	smov.u32 s20  }
0x2d1: {  	v13 =	vld [tilespmem:s20+$0xFFFFFFC0];
	v4 =	vadd.f32 v7, v7  }
0x2d2: {  	v14 =	vld [tilespmem:s18+$0xFFFFFFC0];
	v3 =	vadd.f32 v5, v5;
	[tilespmem:s20+$0x30] =	vst v1  }
0x2d3: {  	v15 =	vld [tilespmem:s18+$0xFFFFFFD0];
	v1 =	vadd.f32 v9, v9  }
.Ltmp24:
0x2d4: {  	v8 =	vld [tilespmem:s18+$0xFFFFFFE0];
	v2 =	vadd.f32 v11, v11;
	(pc) =	sbr.rel @p0 .LBB2_51-.Ltmp24, $4  }
0x2d5: {  	v6 =	vld [tilespmem:s18+$0xFFFFFFF0];
	v0 =	vadd.f32 v12, v12  }
0x2d6: {  	v9 =	vadd.f32 v13, v13;
	v7 =	vld [tilespmem:s18+$0x0]  }
0x2d7: {  	v5 =	vld [tilespmem:s18+$0x10]  }
0x2d8: {  	s20 =	sadd.s32 $0x400, s20;
	v11 =	vadd.f32 v14, v9;
	v10 =	vadd.f32 v15, v10;
	v9 =	vld [tilespmem:s18+$0x20]  }
0x2d9: {  	_ = 	snop  }
0x2da: {  	v4 =	vadd.f32 v8, v4;
	s16 =	sadd.s32 $0x1, s16;
	[tilespmem:s17+$0xFFFFFFC0] =	vst v11  }
0x2db: {  	v3 =	vadd.f32 v6, v3;
	[tilespmem:s17+$0xFFFFFFD0] =	vst v10;
	p0 =	sne.s32 s16, $0x40  }
.Ltmp25:
0x2dc: {  	v1 =	vadd.f32 v7, v1;
	[tilespmem:s17+$0xFFFFFFE0] =	vst v4;
	(pc) =	sbr.rel @p0 .LBB2_50-.Ltmp25, $4  }
0x2dd: {  	v2 =	vadd.f32 v5, v2;
	[tilespmem:s17+$0xFFFFFFF0] =	vst v3  }
0x2de: {  	v0 =	vadd.f32 v9, v0;
	[tilespmem:s17+$0x0] =	vst v1  }
0x2df: {  	[tilespmem:s17+$0x10] =	vst v2  }
0x2e0: {  	s15 =	sadd.s32 $0x200, s15;
	s14 =	sadd.s32 $0x1, s14;
	[tilespmem:s17+$0x20] =	vst v0  }
0x2e1: {  	s14 =	simm.s32 $0x0  }
0x2e2: {  	[hbm4b:s26+s14] =	stream.linear.scatter [tilespmem:s7], [sflag:$0x4], $0x8000, $0x38;
	[tilespmem:$0x18000] =	vst v63  }
0x2e3: {  	_ =	swait.ge [sflag:s10], $0x8000  }
0x2e4: {  	[sflag:s10] =	ssyncset.done $0x0  }
0x2e5: {  	[sflag:s10] =	ssyncadd.s32 $0xFFFF8000  }
0x2e6: {  	[tilespmem:s7], [sflag:$0x2] =	stream.linear.gather [hbm4b:s0+s14], $0x8000, $0x38;
	[tilespmem:$0x18000] =	vst v63  }
0x2e7: {  	_ =	swait.ge [sflag:s11], $0x8000  }
0x2e8: {  	[sflag:s11] =	ssyncset.done $0x0  }
0x2e9: {  	s15 =	simm.s32 $0x0;
	s16 =	simm.s32 $0x0;
	[sflag:s11] =	ssyncadd.s32 $0xFFFF8000  }
.LBB2_54:
0x2ea: {  	s17 =	sshll.u32 s15, $0x2;
	s18 =	sand.u32 $0x7, s14  }
0x2eb: {  	s17 =	sand.u32 $0xFFFFC000, s17;
	s18 =	sshll.u32 s18, $0x9  }
0x2ec: {  	s17 =	sor.u32 s18, s17  }
0x2ed: {  	s18 =	sshrl.u32 s17, $0x2  }
0x2ee: {  	s17 =	sadd.s32 $0x10040, s18  }
0x2ef: {  	v0 =	vld [tilespmem:s17+$0x30]  }
0x2f0: {  	s18 =	sor.u32 $0x40, s18;
	v1 =	vld [tilespmem:s17+$0xFFFFFFD0]  }
0x2f1: {  	v2 =	vld [tilespmem:s18+$0x30]  }
0x2f2: {  	v3 =	vld [tilespmem:s17+$0xFFFFFFE0]  }
0x2f3: {  	v5 =	vld [tilespmem:s17+$0xFFFFFFF0]  }
0x2f4: {  	v7 =	vld [tilespmem:s17+$0x0]  }
0x2f5: {  	v9 =	vld [tilespmem:s17+$0x10]  }
0x2f6: {  	v10 =	vld [tilespmem:s17+$0x20]  }
0x2f7: {  	v11 =	vld [tilespmem:s17+$0xFFFFFFC0]  }
0x2f8: {  	v12 =	vld [tilespmem:s18+$0xFFFFFFC0]  }
0x2f9: {  	v13 =	vld [tilespmem:s18+$0xFFFFFFD0];
	v0 =	vadd.f32 v0, v0  }
0x2fa: {  	v8 =	vld [tilespmem:s18+$0xFFFFFFE0];
	v14 =	vadd.f32 v1, v1;
	v4 =	vadd.f32 v3, v3  }
0x2fb: {  	v6 =	vld [tilespmem:s18+$0xFFFFFFF0];
	v3 =	vadd.f32 v5, v5;
	v1 =	vadd.f32 v7, v7  }
0x2fc: {  	v11 =	vadd.f32 v11, v11;
	v7 =	vld [tilespmem:s18+$0x0];
	v15 =	vadd.f32 v2, v0  }
0x2fd: {  	v5 =	vld [tilespmem:s18+$0x10];
	v2 =	vadd.f32 v9, v9;
	v0 =	vadd.f32 v10, v10  }
0x2fe: {  	s19 =	simm.s32 $0x0;
	s20 =	sadd.s32 $0x400, s17;
	v11 =	vadd.f32 v12, v11;
	v10 =	vadd.f32 v13, v14;
	v9 =	vld [tilespmem:s18+$0x20];
	[tilespmem:s17+$0x30] =	vst v15  }
.LBB2_55:
0x2ff: {  	v12 =	vld [tilespmem:s20+$0x30];
	s19 =	sadd.s32 $0x80, s19;
	v4 =	vadd.f32 v8, v4  }
0x300: {  	s18 =	sadd.s32 $0x400, s18;
	v8 =	vld [tilespmem:s20+$0xFFFFFFD0];
	p0 =	slt.u32 s19, $0x180;
	[tilespmem:s17+$0xFFFFFFC0] =	vst v11;
	v3 =	vadd.f32 v6, v3  }
0x301: {  	v6 =	vld [tilespmem:s18+$0x30];
	[tilespmem:s17+$0xFFFFFFD0] =	vst v10;
	v1 =	vadd.f32 v7, v1  }
0x302: {  	v7 =	vld [tilespmem:s20+$0xFFFFFFE0];
	[tilespmem:s17+$0xFFFFFFE0] =	vst v4;
	v2 =	vadd.f32 v5, v2  }
0x303: {  	v5 =	vld [tilespmem:s20+$0xFFFFFFF0];
	[tilespmem:s17+$0xFFFFFFF0] =	vst v3;
	v0 =	vadd.f32 v9, v0  }
0x304: {  	v9 =	vld [tilespmem:s20+$0x0];
	v3 =	vadd.f32 v12, v12;
	[tilespmem:s17+$0x0] =	vst v1  }
0x305: {  	v10 =	vadd.f32 v8, v8;
	v11 =	vld [tilespmem:s20+$0x10];
	[tilespmem:s17+$0x10] =	vst v2  }
0x306: {  	v12 =	vld [tilespmem:s20+$0x20];
	v1 =	vadd.f32 v6, v3;
	[tilespmem:s17+$0x20] =	vst v0;
	s17 =	smov.u32 s20  }
0x307: {  	v13 =	vld [tilespmem:s20+$0xFFFFFFC0];
	v4 =	vadd.f32 v7, v7  }
0x308: {  	v14 =	vld [tilespmem:s18+$0xFFFFFFC0];
	v3 =	vadd.f32 v5, v5;
	[tilespmem:s20+$0x30] =	vst v1  }
0x309: {  	v15 =	vld [tilespmem:s18+$0xFFFFFFD0];
	v1 =	vadd.f32 v9, v9  }
.Ltmp26:
0x30a: {  	v8 =	vld [tilespmem:s18+$0xFFFFFFE0];
	v2 =	vadd.f32 v11, v11;
	(pc) =	sbr.rel @p0 .LBB2_55-.Ltmp26, $4  }
0x30b: {  	v6 =	vld [tilespmem:s18+$0xFFFFFFF0];
	v0 =	vadd.f32 v12, v12  }
0x30c: {  	v9 =	vadd.f32 v13, v13;
	v7 =	vld [tilespmem:s18+$0x0]  }
0x30d: {  	v5 =	vld [tilespmem:s18+$0x10]  }
0x30e: {  	s20 =	sadd.s32 $0x400, s20;
	v11 =	vadd.f32 v14, v9;
	v10 =	vadd.f32 v15, v10;
	v9 =	vld [tilespmem:s18+$0x20]  }
0x30f: {  	_ = 	snop  }
0x310: {  	v4 =	vadd.f32 v8, v4;
	s16 =	sadd.s32 $0x1, s16;
	[tilespmem:s17+$0xFFFFFFC0] =	vst v11  }
0x311: {  	v3 =	vadd.f32 v6, v3;
	[tilespmem:s17+$0xFFFFFFD0] =	vst v10;
	p0 =	sne.s32 s16, $0x40  }
.Ltmp27:
0x312: {  	v1 =	vadd.f32 v7, v1;
	[tilespmem:s17+$0xFFFFFFE0] =	vst v4;
	(pc) =	sbr.rel @p0 .LBB2_54-.Ltmp27, $4  }
0x313: {  	v2 =	vadd.f32 v5, v2;
	[tilespmem:s17+$0xFFFFFFF0] =	vst v3  }
0x314: {  	v0 =	vadd.f32 v9, v0;
	[tilespmem:s17+$0x0] =	vst v1  }
0x315: {  	[tilespmem:s17+$0x10] =	vst v2  }
0x316: {  	s15 =	sadd.s32 $0x200, s15;
	s14 =	sadd.s32 $0x1, s14;
	[tilespmem:s17+$0x20] =	vst v0  }
0x317: {  	s14 =	simm.s32 $0x0  }
0x318: {  	[hbm4b:s29+s14] =	stream.linear.scatter [tilespmem:s8], [sflag:$0x5], $0x8000, $0x38;
	[tilespmem:$0x18000] =	vst v63  }
0x319: {  	_ =	swait.ge [sflag:s12], $0x8000  }
0x31a: {  	[sflag:s12] =	ssyncset.done $0x0  }
0x31b: {  	[sflag:s12] =	ssyncadd.s32 $0xFFFF8000  }
0x31c: {  	[tilespmem:s8], [sflag:$0x3] =	stream.linear.gather [hbm4b:s2+s14], $0x8000, $0x38;
	[tilespmem:$0x18000] =	vst v63  }
0x31d: {  	_ =	swait.ge [sflag:s9], $0x8000  }
0x31e: {  	[sflag:s9] =	ssyncset.done $0x0  }
0x31f: {  	s15 =	simm.s32 $0x0;
	s16 =	simm.s32 $0x0;
	[sflag:s9] =	ssyncadd.s32 $0xFFFF8000  }
.LBB2_58:
0x320: {  	s17 =	sshll.u32 s15, $0x2;
	s18 =	sand.u32 $0x7, s14  }
0x321: {  	s17 =	sand.u32 $0xFFFFC000, s17;
	s18 =	sshll.u32 s18, $0x9  }
0x322: {  	s17 =	sor.u32 s18, s17  }
0x323: {  	s18 =	sshrl.u32 s17, $0x2  }
0x324: {  	s17 =	sadd.s32 $0x8040, s18  }
0x325: {  	v0 =	vld [tilespmem:s17+$0x30]  }
0x326: {  	s18 =	sor.u32 $0x40, s18;
	v1 =	vld [tilespmem:s17+$0xFFFFFFD0]  }
0x327: {  	v2 =	vld [tilespmem:s18+$0x30]  }
0x328: {  	v3 =	vld [tilespmem:s17+$0xFFFFFFE0]  }
0x329: {  	v5 =	vld [tilespmem:s17+$0xFFFFFFF0]  }
0x32a: {  	v7 =	vld [tilespmem:s17+$0x0]  }
0x32b: {  	v9 =	vld [tilespmem:s17+$0x10]  }
0x32c: {  	v10 =	vld [tilespmem:s17+$0x20]  }
0x32d: {  	v11 =	vld [tilespmem:s17+$0xFFFFFFC0]  }
0x32e: {  	v12 =	vld [tilespmem:s18+$0xFFFFFFC0]  }
0x32f: {  	v13 =	vld [tilespmem:s18+$0xFFFFFFD0];
	v0 =	vadd.f32 v0, v0  }
0x330: {  	v8 =	vld [tilespmem:s18+$0xFFFFFFE0];
	v14 =	vadd.f32 v1, v1;
	v4 =	vadd.f32 v3, v3  }
0x331: {  	v6 =	vld [tilespmem:s18+$0xFFFFFFF0];
	v3 =	vadd.f32 v5, v5;
	v1 =	vadd.f32 v7, v7  }
0x332: {  	v11 =	vadd.f32 v11, v11;
	v7 =	vld [tilespmem:s18+$0x0];
	v15 =	vadd.f32 v2, v0  }
0x333: {  	v5 =	vld [tilespmem:s18+$0x10];
	v2 =	vadd.f32 v9, v9;
	v0 =	vadd.f32 v10, v10  }
0x334: {  	s19 =	simm.s32 $0x0;
	s20 =	sadd.s32 $0x400, s17;
	v11 =	vadd.f32 v12, v11;
	v10 =	vadd.f32 v13, v14;
	v9 =	vld [tilespmem:s18+$0x20];
	[tilespmem:s17+$0x30] =	vst v15  }
.LBB2_59:
0x335: {  	v12 =	vld [tilespmem:s20+$0x30];
	s19 =	sadd.s32 $0x80, s19;
	v4 =	vadd.f32 v8, v4  }
0x336: {  	s18 =	sadd.s32 $0x400, s18;
	v8 =	vld [tilespmem:s20+$0xFFFFFFD0];
	p0 =	slt.u32 s19, $0x180;
	[tilespmem:s17+$0xFFFFFFC0] =	vst v11;
	v3 =	vadd.f32 v6, v3  }
0x337: {  	v6 =	vld [tilespmem:s18+$0x30];
	[tilespmem:s17+$0xFFFFFFD0] =	vst v10;
	v1 =	vadd.f32 v7, v1  }
0x338: {  	v7 =	vld [tilespmem:s20+$0xFFFFFFE0];
	[tilespmem:s17+$0xFFFFFFE0] =	vst v4;
	v2 =	vadd.f32 v5, v2  }
0x339: {  	v5 =	vld [tilespmem:s20+$0xFFFFFFF0];
	[tilespmem:s17+$0xFFFFFFF0] =	vst v3;
	v0 =	vadd.f32 v9, v0  }
0x33a: {  	v9 =	vld [tilespmem:s20+$0x0];
	v3 =	vadd.f32 v12, v12;
	[tilespmem:s17+$0x0] =	vst v1  }
0x33b: {  	v10 =	vadd.f32 v8, v8;
	v11 =	vld [tilespmem:s20+$0x10];
	[tilespmem:s17+$0x10] =	vst v2  }
0x33c: {  	v12 =	vld [tilespmem:s20+$0x20];
	v1 =	vadd.f32 v6, v3;
	[tilespmem:s17+$0x20] =	vst v0;
	s17 =	smov.u32 s20  }
0x33d: {  	v13 =	vld [tilespmem:s20+$0xFFFFFFC0];
	v4 =	vadd.f32 v7, v7  }
0x33e: {  	v14 =	vld [tilespmem:s18+$0xFFFFFFC0];
	v3 =	vadd.f32 v5, v5;
	[tilespmem:s20+$0x30] =	vst v1  }
0x33f: {  	v15 =	vld [tilespmem:s18+$0xFFFFFFD0];
	v1 =	vadd.f32 v9, v9  }
.Ltmp28:
0x340: {  	v8 =	vld [tilespmem:s18+$0xFFFFFFE0];
	v2 =	vadd.f32 v11, v11;
	(pc) =	sbr.rel @p0 .LBB2_59-.Ltmp28, $4  }
0x341: {  	v6 =	vld [tilespmem:s18+$0xFFFFFFF0];
	v0 =	vadd.f32 v12, v12  }
0x342: {  	v9 =	vadd.f32 v13, v13;
	v7 =	vld [tilespmem:s18+$0x0]  }
0x343: {  	v5 =	vld [tilespmem:s18+$0x10]  }
0x344: {  	s20 =	sadd.s32 $0x400, s20;
	v11 =	vadd.f32 v14, v9;
	v10 =	vadd.f32 v15, v10;
	v9 =	vld [tilespmem:s18+$0x20]  }
0x345: {  	_ = 	snop  }
0x346: {  	v4 =	vadd.f32 v8, v4;
	s16 =	sadd.s32 $0x1, s16;
	[tilespmem:s17+$0xFFFFFFC0] =	vst v11  }
0x347: {  	v3 =	vadd.f32 v6, v3;
	[tilespmem:s17+$0xFFFFFFD0] =	vst v10;
	p0 =	sne.s32 s16, $0x40  }
.Ltmp29:
0x348: {  	v1 =	vadd.f32 v7, v1;
	[tilespmem:s17+$0xFFFFFFE0] =	vst v4;
	(pc) =	sbr.rel @p0 .LBB2_58-.Ltmp29, $4  }
0x349: {  	v2 =	vadd.f32 v5, v2;
	[tilespmem:s17+$0xFFFFFFF0] =	vst v3  }
0x34a: {  	v0 =	vadd.f32 v9, v0;
	[tilespmem:s17+$0x0] =	vst v1  }
0x34b: {  	[tilespmem:s17+$0x10] =	vst v2  }
0x34c: {  	s15 =	sadd.s32 $0x200, s15;
	s14 =	sadd.s32 $0x1, s14;
	[tilespmem:s17+$0x20] =	vst v0  }
0x34d: {  	s14 =	simm.s32 $0x0  }
0x34e: {  	[hbm4b:s3+s14] =	stream.linear.scatter [tilespmem:s7], [sflag:$0x4], $0x8000, $0x38;
	[tilespmem:$0x18000] =	vst v63  }
0x34f: {  	_ =	swait.ge [sflag:s11], $0x8000  }
0x350: {  	[sflag:s11] =	ssyncset.done $0x0  }
0x351: {  	s15 =	simm.s32 $0x0;
	s16 =	simm.s32 $0x0;
	[sflag:s11] =	ssyncadd.s32 $0xFFFF8000  }
.LBB2_62:
0x352: {  	s17 =	sshll.u32 s15, $0x2;
	s18 =	sand.u32 $0x7, s14  }
0x353: {  	s17 =	sand.u32 $0xFFFFC000, s17;
	s18 =	sshll.u32 s18, $0x9  }
0x354: {  	s17 =	sor.u32 s18, s17  }
0x355: {  	s18 =	sshrl.u32 s17, $0x2  }
0x356: {  	s17 =	sadd.s32 $0x10040, s18  }
0x357: {  	v0 =	vld [tilespmem:s17+$0x30]  }
0x358: {  	s18 =	sor.u32 $0x40, s18;
	v1 =	vld [tilespmem:s17+$0xFFFFFFD0]  }
0x359: {  	v2 =	vld [tilespmem:s18+$0x30]  }
0x35a: {  	v3 =	vld [tilespmem:s17+$0xFFFFFFE0]  }
0x35b: {  	v5 =	vld [tilespmem:s17+$0xFFFFFFF0]  }
0x35c: {  	v7 =	vld [tilespmem:s17+$0x0]  }
0x35d: {  	v9 =	vld [tilespmem:s17+$0x10]  }
0x35e: {  	v10 =	vld [tilespmem:s17+$0x20]  }
0x35f: {  	v11 =	vld [tilespmem:s17+$0xFFFFFFC0]  }
0x360: {  	v12 =	vld [tilespmem:s18+$0xFFFFFFC0]  }
0x361: {  	v13 =	vld [tilespmem:s18+$0xFFFFFFD0];
	v0 =	vadd.f32 v0, v0  }
0x362: {  	v8 =	vld [tilespmem:s18+$0xFFFFFFE0];
	v14 =	vadd.f32 v1, v1;
	v4 =	vadd.f32 v3, v3  }
0x363: {  	v6 =	vld [tilespmem:s18+$0xFFFFFFF0];
	v3 =	vadd.f32 v5, v5;
	v1 =	vadd.f32 v7, v7  }
0x364: {  	v11 =	vadd.f32 v11, v11;
	v7 =	vld [tilespmem:s18+$0x0];
	v15 =	vadd.f32 v2, v0  }
0x365: {  	v5 =	vld [tilespmem:s18+$0x10];
	v2 =	vadd.f32 v9, v9;
	v0 =	vadd.f32 v10, v10  }
0x366: {  	s19 =	simm.s32 $0x0;
	s20 =	sadd.s32 $0x400, s17;
	v11 =	vadd.f32 v12, v11;
	v10 =	vadd.f32 v13, v14;
	v9 =	vld [tilespmem:s18+$0x20];
	[tilespmem:s17+$0x30] =	vst v15  }
.LBB2_63:
0x367: {  	v12 =	vld [tilespmem:s20+$0x30];
	s19 =	sadd.s32 $0x80, s19;
	v4 =	vadd.f32 v8, v4  }
0x368: {  	s18 =	sadd.s32 $0x400, s18;
	v8 =	vld [tilespmem:s20+$0xFFFFFFD0];
	p0 =	slt.u32 s19, $0x180;
	[tilespmem:s17+$0xFFFFFFC0] =	vst v11;
	v3 =	vadd.f32 v6, v3  }
0x369: {  	v6 =	vld [tilespmem:s18+$0x30];
	[tilespmem:s17+$0xFFFFFFD0] =	vst v10;
	v1 =	vadd.f32 v7, v1  }
0x36a: {  	v7 =	vld [tilespmem:s20+$0xFFFFFFE0];
	[tilespmem:s17+$0xFFFFFFE0] =	vst v4;
	v2 =	vadd.f32 v5, v2  }
0x36b: {  	v5 =	vld [tilespmem:s20+$0xFFFFFFF0];
	[tilespmem:s17+$0xFFFFFFF0] =	vst v3;
	v0 =	vadd.f32 v9, v0  }
0x36c: {  	v9 =	vld [tilespmem:s20+$0x0];
	v3 =	vadd.f32 v12, v12;
	[tilespmem:s17+$0x0] =	vst v1  }
0x36d: {  	v10 =	vadd.f32 v8, v8;
	v11 =	vld [tilespmem:s20+$0x10];
	[tilespmem:s17+$0x10] =	vst v2  }
0x36e: {  	v12 =	vld [tilespmem:s20+$0x20];
	v1 =	vadd.f32 v6, v3;
	[tilespmem:s17+$0x20] =	vst v0;
	s17 =	smov.u32 s20  }
0x36f: {  	v13 =	vld [tilespmem:s20+$0xFFFFFFC0];
	v4 =	vadd.f32 v7, v7  }
0x370: {  	v14 =	vld [tilespmem:s18+$0xFFFFFFC0];
	v3 =	vadd.f32 v5, v5;
	[tilespmem:s20+$0x30] =	vst v1  }
0x371: {  	v15 =	vld [tilespmem:s18+$0xFFFFFFD0];
	v1 =	vadd.f32 v9, v9  }
.Ltmp30:
0x372: {  	v8 =	vld [tilespmem:s18+$0xFFFFFFE0];
	v2 =	vadd.f32 v11, v11;
	(pc) =	sbr.rel @p0 .LBB2_63-.Ltmp30, $4  }
0x373: {  	v6 =	vld [tilespmem:s18+$0xFFFFFFF0];
	v0 =	vadd.f32 v12, v12  }
0x374: {  	v9 =	vadd.f32 v13, v13;
	v7 =	vld [tilespmem:s18+$0x0]  }
0x375: {  	v5 =	vld [tilespmem:s18+$0x10]  }
0x376: {  	s20 =	sadd.s32 $0x400, s20;
	v11 =	vadd.f32 v14, v9;
	v10 =	vadd.f32 v15, v10;
	v9 =	vld [tilespmem:s18+$0x20]  }
0x377: {  	_ = 	snop  }
0x378: {  	v4 =	vadd.f32 v8, v4;
	s16 =	sadd.s32 $0x1, s16;
	[tilespmem:s17+$0xFFFFFFC0] =	vst v11  }
0x379: {  	v3 =	vadd.f32 v6, v3;
	[tilespmem:s17+$0xFFFFFFD0] =	vst v10;
	p0 =	sne.s32 s16, $0x40  }
.Ltmp31:
0x37a: {  	v1 =	vadd.f32 v7, v1;
	[tilespmem:s17+$0xFFFFFFE0] =	vst v4;
	(pc) =	sbr.rel @p0 .LBB2_62-.Ltmp31, $4  }
0x37b: {  	v2 =	vadd.f32 v5, v2;
	[tilespmem:s17+$0xFFFFFFF0] =	vst v3  }
0x37c: {  	v0 =	vadd.f32 v9, v0;
	[tilespmem:s17+$0x0] =	vst v1  }
0x37d: {  	[tilespmem:s17+$0x10] =	vst v2  }
0x37e: {  	s15 =	sadd.s32 $0x200, s15;
	s14 =	sadd.s32 $0x1, s14;
	[tilespmem:s17+$0x20] =	vst v0  }
0x37f: {  	[hbm4b:s4+s1] =	stream.linear.scatter [tilespmem:s8], [sflag:$0x5], $0x8000, $0x38;
	[tilespmem:$0x18000] =	vst v63  }
0x380: {  	s13 =	sadd.s32 $0x1, s13  }
0x381: {  	_ =	swait.ge [sflag:s10], $0x8000;
	p0 =	sne.s32 s13, s5  }
.Ltmp32:
0x382: {  	[sflag:s10] =	ssyncset.done $0x0;
	(pc) =	sbr.rel @p0 .LBB2_1-.Ltmp32, $4  }
0x383: {  	[sflag:s10] =	ssyncadd.s32 $0xFFFF8000  }
0x384: {  	_ =	swait.ge [sflag:s12], $0x8000  }
0x385: {  	[sflag:s12] =	ssyncset.done $0x0  }
0x386: {  	[sflag:s12] =	ssyncadd.s32 $0xFFFF8000  }
0x387: {  	_ =	sfence.sel $0x180000  }
0x388: {  	[bflag:$0x0] =	sbarrier.arrive $0xFFFF  }
0x389: {  	_ =	strace $0x90000047  }
0x38a: {  	s0 =	stileid.u32;
	[bflag:$0x2] =	sbarrier.arrive $0xFFFF  }
0x38b: {  	p0 =	sne.s32 s0, $0x0;
	s0 =	rddreg [dreg:$0x3]  }
0x38c: {  	s0 =	sadd.s32 @!p0 $0x100000, s0  }
0x38d: {  	[sflag:s0] =	ssyncadd.tile.s32 @!p0 $0x1;
	_ =	shalt  }
.Lfunc_end2:
_tile_overlayer_lowered:
.L_overlay_start_2:
0x38e: {  	(tag) =	ssettag $0x2  }
0x38f: {  	s0 =	rddreg [dreg:$0x0];
	s2 =	stileid.u32  }
0x390: {  	s1 =	rddreg [dreg:$0x1];
	p0 =	sne.s32 s2, $0x0  }
0x391: {  	s3 =	rddreg [dreg:$0x2];
	[bflag:$0x3] =	sbarrier.arrive $0xFFFF;
	s2 =	simm.s32 @!p0 $0x1C06  }
0x392: {  	[timem:s3], [sflag:s2] =	dma.local @!p0 [hbm:s0], s1  }
0x393: {  	s0 =	simm.s32 @!p0 $0x6  }
0x394: {  	_ =	swait.ge @!p0 [sflag:s0], s1  }
0x395: {  	s1 =	ssub.s32 @!p0 $0x0, s1;
	[sflag:s0] =	ssyncset.done @!p0 $0x0  }
0x396: {  	[sflag:s0] =	ssyncadd.s32 @!p0 s1  }
0x397: {  	[bflag:$0x3] =	sbarrier.arrive $0xFFFF  }
0x398: {  	_ =	shalt  }

</sc_bundles>
